<compile_context>
chip_gen: v7x
topology: tpu7x:2x2x1
jax: 0.10.2.dev20260603
libtpu: 0.0.44.dev20260713+nightly
codegen_flags: <defaults>
</compile_context>

<pallas_src>
import functools
import jax
import jax.numpy as jnp
from jax import lax
from jax.experimental import pallas as pl
from jax.experimental.pallas import tpu as pltpu
from jax.experimental.pallas import tpu_sc as plsc

_N = 10000
_H = 128
_E = 320000

_NC = 2
_NS = 16
_NW = _NC * _NS

_CHUNK = 128
_NCH = 79
_EPW = _NCH * _CHUNK
_EP = _EPW * _NW

_NP = 10240
_RPT = _NP // _NS

_BR = 1000


def _sc_mesh():
    return plsc.VectorSubcoreMesh(core_axis_name="c", subcore_axis_name="s")



def _deg_body(dst_hbm, ones_hbm, zeros_hbm, out_hbm, dsts_v, ones_v, acc_sh):
    cid = lax.axis_index("c")
    sid = lax.axis_index("s")
    wid = cid * _NS + sid
    pltpu.sync_copy(ones_hbm, ones_v)
    pltpu.sync_copy(zeros_hbm.at[pl.ds(sid * _RPT, _RPT)],
                    acc_sh.at[pl.ds(sid * _RPT, _RPT)])
    plsc.subcore_barrier()

    def body(k, carry):
        pltpu.sync_copy(dst_hbm.at[wid, k], dsts_v)
        pltpu.sync_copy(ones_v, acc_sh.at[dsts_v], add=True)
        return carry

    lax.fori_loop(0, _NCH, body, 0)
    plsc.subcore_barrier()
    pltpu.sync_copy(acc_sh.at[pl.ds(sid * _RPT, _RPT)],
                    out_hbm.at[cid, pl.ds(sid * _RPT, _RPT)])


def _deg_partials(dst3, ones_c, zeros_1d):
    return pl.kernel(
        _deg_body,
        out_type=jax.ShapeDtypeStruct((_NC, _NP), jnp.float32),
        mesh=_sc_mesh(),
        scratch_types=[
            pltpu.VMEM((_CHUNK,), jnp.int32),
            pltpu.VMEM((_CHUNK,), jnp.float32),
            pltpu.VMEM_SHARED((_NP,), jnp.float32),
        ],
    )(dst3, ones_c, zeros_1d)



def _edges_body(hp_hbm, src_hbm, dst_hbm, zeros_hbm, out_hbm,
                src_v, dst_v, rows_v, acc_sh, sem):
    cid = lax.axis_index("c")
    sid = lax.axis_index("s")
    wid = cid * _NS + sid
    pltpu.sync_copy(zeros_hbm.at[pl.ds(sid * _RPT, _RPT)],
                    acc_sh.at[pl.ds(sid * _RPT, _RPT)])
    plsc.subcore_barrier()

    def body(k, carry):
        base = wid * _EPW + k * _CHUNK
        pltpu.sync_copy(src_hbm.at[pl.ds(base, _CHUNK)], src_v)
        pltpu.sync_copy(dst_hbm.at[pl.ds(base, _CHUNK)], dst_v)
        pltpu.async_copy(hp_hbm.at[src_v], rows_v, sem).wait()
        pltpu.sync_copy(rows_v, acc_sh.at[dst_v], add=True)
        return carry

    lax.fori_loop(0, _NCH, body, 0)
    plsc.subcore_barrier()
    pltpu.sync_copy(acc_sh.at[pl.ds(sid * _RPT, _RPT)],
                    out_hbm.at[cid, pl.ds(sid * _RPT, _RPT)])


def _edge_scatter(hp, srcp, dstp, zeros_2d):
    return pl.kernel(
        _edges_body,
        out_type=jax.ShapeDtypeStruct((_NC, _NP, _H), jnp.float32),
        mesh=_sc_mesh(),
        scratch_types=[
            pltpu.VMEM((_CHUNK,), jnp.int32),
            pltpu.VMEM((_CHUNK,), jnp.int32),
            pltpu.VMEM((_CHUNK, _H), jnp.float32),
            pltpu.VMEM_SHARED((_NP, _H), jnp.float32),
            pltpu.SemaphoreType.DMA,
        ],
    )(hp, srcp, dstp, zeros_2d)



def _hp_body(d0_ref, d1_ref, *refs):
    nx = (len(refs) - 1) // 2
    x_refs = refs[:nx]
    w_refs = refs[nx:2 * nx]
    out_ref = refs[2 * nx]
    h = jnp.dot(x_refs[0][...], w_refs[0][...], preferred_element_type=jnp.float32)
    for j in range(1, nx):
        h += jnp.dot(x_refs[j][...], w_refs[j][...], preferred_element_type=jnp.float32)
    dinv = lax.rsqrt(1.0 + d0_ref[...] + d1_ref[...])
    out_ref[...] = dinv * h


def _hprime(x_blocks, W, deg0, deg1):
    nx = len(x_blocks)
    w_parts = [W[j * _H:(j + 1) * _H] for j in range(nx)]
    grid = _N // _BR
    in_specs = (
        [pl.BlockSpec((_BR, 1), lambda i: (i, 0)),
         pl.BlockSpec((_BR, 1), lambda i: (i, 0))]
        + [pl.BlockSpec((_BR, _H), lambda i: (i, 0))] * nx
        + [pl.BlockSpec((_H, _H), lambda i: (0, 0))] * nx
    )
    return pl.pallas_call(
        _hp_body,
        grid=(grid,),
        in_specs=in_specs,
        out_specs=pl.BlockSpec((_BR, _H), lambda i: (i, 0)),
        out_shape=jax.ShapeDtypeStruct((_N, _H), jnp.float32),
    )(deg0, deg1, *x_blocks, *w_parts)


def _epi_body(xp_ref, s0_ref, s1_ref, hp_ref, d0_ref, d1_ref, b_ref, out_ref):
    dinv = lax.rsqrt(1.0 + d0_ref[...] + d1_ref[...])
    agg = dinv * (s0_ref[0] + s1_ref[0] + hp_ref[...]) + b_ref[...]
    out_ref[...] = jnp.maximum(xp_ref[...] + agg, 0.0)


def _epilogue(x_prev, parts, hp, deg0, deg1, b):
    grid = _N // _BR
    return pl.pallas_call(
        _epi_body,
        grid=(grid,),
        in_specs=[
            pl.BlockSpec((_BR, _H), lambda i: (i, 0)),
            pl.BlockSpec((1, _BR, _H), lambda i: (0, i, 0)),
            pl.BlockSpec((1, _BR, _H), lambda i: (1, i, 0)),
            pl.BlockSpec((_BR, _H), lambda i: (i, 0)),
            pl.BlockSpec((_BR, 1), lambda i: (i, 0)),
            pl.BlockSpec((_BR, 1), lambda i: (i, 0)),
            pl.BlockSpec((1, _H), lambda i: (0, 0)),
        ],
        out_specs=pl.BlockSpec((_BR, _H), lambda i: (i, 0)),
        out_shape=jax.ShapeDtypeStruct((_N, _H), jnp.float32),
    )(x_prev, parts, parts, hp, deg0, deg1, b.reshape(1, _H))


def kernel(x, edge_index, W1, b1, W2, b2, W3, b3, W4, b4, W5, b5):
    src = edge_index[0]
    dst = edge_index[1]
    pad = _EP - _E
    ppos = _E + jnp.arange(pad, dtype=jnp.int32)
    dump = _N + (ppos // _CHUNK) % _NW
    srcp = jnp.concatenate([src, jnp.zeros((pad,), jnp.int32)])
    dstp = jnp.concatenate([dst, dump])
    srcp = srcp.reshape(_NCH, _NW, _CHUNK).transpose(1, 0, 2).reshape(-1)
    dstp = dstp.reshape(_NCH, _NW, _CHUNK).transpose(1, 0, 2).reshape(-1)
    dst3 = dstp.reshape(_NW, _NCH, _CHUNK)
    ones_c = jnp.ones((_CHUNK,), jnp.float32)
    zeros_1d = jnp.zeros((_NP,), jnp.float32)
    zeros_2d = jnp.zeros((_NP, _H), jnp.float32)

    degs = _deg_partials(dst3, ones_c, zeros_1d)
    degs3 = degs.reshape(_NC, _NP, 1)
    deg0 = degs3[0]
    deg1 = degs3[1]

    Ws = [W1, W2, W3, W4, W5]
    bs = [b1, b2, b3, b4, b5]
    blocks = [x]
    x_prev = x
    for W, b in zip(Ws, bs):
        hp = _hprime(blocks, W, deg0, deg1)
        parts = _edge_scatter(hp, srcp, dstp, zeros_2d)
        x_new = _epilogue(x_prev, parts, hp, deg0, deg1, b)
        blocks.append(x_new)
        x_prev = x_new
    return jnp.concatenate(blocks, axis=1)

# --- scband reference (transcript-rebuilt; emitter-appended) ---
"""Pipeline reference for scband-dcb-88579405512834 (READ-ONLY COPY).

The authoritative reference and input builder live on the scoring server;
editing this copy changes nothing except your own understanding.
"""

import jax, jax.numpy as jnp
import numpy as np

N = 10000
H = 128
E = 320000


def gcn_conv(x, edge_index, W, b, num_nodes):
    # PyG GCNConv: add self-loops, symmetric normalization, linear, scatter-add, bias
    loops = jnp.arange(num_nodes, dtype=edge_index.dtype)
    src = jnp.concatenate([edge_index[0], loops])
    dst = jnp.concatenate([edge_index[1], loops])
    ones = jnp.ones(src.shape[0], dtype=x.dtype)
    deg = jax.ops.segment_sum(ones, dst, num_segments=num_nodes)
    dinv = jnp.where(deg > 0, jax.lax.rsqrt(jnp.maximum(deg, 1e-12)), 0.0)
    norm = dinv[src] * dinv[dst]
    h = x @ W
    msg = h[src] * norm[:, None]
    agg = jax.ops.segment_sum(msg, dst, num_segments=num_nodes)
    return agg + b


def setup_inputs(seed: int = 0):
    key = jax.random.key(seed)
    ks = jax.random.split(key, 12)
    x = jax.random.normal(ks[0], (N, H), dtype=jnp.float32)
    edge_index = jax.random.randint(ks[1], (2, E), 0, N, dtype=jnp.int32)
    inp = {"x": x, "edge_index": edge_index}
    for i in range(5):
        fan_in = (i + 1) * H
        inp["W%d" % (i + 1)] = jax.random.normal(ks[2 + 2 * i], (fan_in, H), dtype=jnp.float32) * (1.0 / np.sqrt(fan_in))
        inp["b%d" % (i + 1)] = jnp.zeros((H,), dtype=jnp.float32)
    return inp


def reference(x, edge_index, W1, b1, W2, b2, W3, b3, W4, b4, W5, b5):
    Ws = [W1, W2, W3, W4, W5]
    bs = [b1, b2, b3, b4, b5]
    x_cat = x
    for W, b in zip(Ws, bs):
        x = jax.nn.relu(x + gcn_conv(x_cat, edge_index, W, b, N))
        x_cat = jnp.concatenate([x_cat, x], axis=1)
    return x_cat

if __name__ == "__main__":
    import jax
    _d = setup_inputs()
    print(jax.jit(kernel)(*tuple(_d.values())))

</pallas_src>

<mosaic_0001>
#map = affine_map<(d0, d1) -> (0, 0)>
#map1 = affine_map<(d0, d1) -> (0)>
#map2 = affine_map<(d0, d1) -> (0, 0, 0)>
module attributes {stable_mosaic.version = 14 : i64} {
  func.func @_edges_body(%arg0: i32, %arg1: i32, %arg2: memref<10000x128xf32, #tpu.memory_space<hbm>>, %arg3: memref<323584xi32, #tpu.memory_space<hbm>>, %arg4: memref<323584xi32, #tpu.memory_space<hbm>>, %arg5: memref<10240x128xf32, #tpu.memory_space<hbm>>, %arg6: memref<2x10240x128xf32, #tpu.memory_space<hbm>>, %arg7: memref<128xi32, #tpu.memory_space<vmem>>, %arg8: memref<128xi32, #tpu.memory_space<vmem>>, %arg9: memref<128x128xf32, #tpu.memory_space<vmem>>, %arg10: memref<10240x128xf32, #tpu.memory_space<vmem_shared>>, %arg11: memref<!tpu.dma_semaphore, #tpu.memory_space<semaphore_mem>>) attributes {dimension_semantics = [#tpu.dimension_semantics<core_parallel>, #tpu.dimension_semantics<subcore_parallel>], iteration_bounds = array<i64: 2, 16>, scalar_prefetch = 0 : i64, scratch_operands = 5 : i64, tpu.core_type = #tpu.core_type<sc_vector_subcore>, window_params = [{transform_indices = #map}, {transform_indices = #map1}, {transform_indices = #map1}, {transform_indices = #map}, {transform_indices = #map2}]} {
    %mul3A = arith.constant 16 : i32
    %mul3A_0 = arith.muli %arg0, %mul3A : i32
    %add3A = arith.addi %mul3A_0, %arg1 : i32
    %mul3A_1 = arith.constant 640 : i32
    %mul3A_2 = arith.muli %arg1, %mul3A_1 : i32
    %mul3A_3 = arith.constant 640 : i32
    %mul3A_4 = arith.muli %arg1, %mul3A_3 : i32
    "tpu.region"() ({
      %run_scoped3A = tpu.sem_alloc : memref<!tpu.dma_semaphore, #tpu.memory_space<semaphore_mem>>
      %dma_start3A = arith.constant 0 : i32
      %dma_start3A_15 = tpu.memref_slice %arg10[%mul3A_4, %dma_start3A] : memref<10240x128xf32, #tpu.memory_space<vmem_shared>> -> memref<640x128xf32, #tpu.memory_space<vmem_shared>>
      %dma_start3A_16 = arith.constant 0 : i32
      %dma_start3A_17 = tpu.memref_slice %arg5[%mul3A_2, %dma_start3A_16] : memref<10240x128xf32, #tpu.memory_space<hbm>> -> memref<640x128xf32, #tpu.memory_space<hbm>>
      tpu.enqueue_dma source(%dma_start3A_17 : memref<640x128xf32, #tpu.memory_space<hbm>>) target(%dma_start3A_15 : memref<640x128xf32, #tpu.memory_space<vmem_shared>>) target_semaphore(%run_scoped3A : memref<!tpu.dma_semaphore, #tpu.memory_space<semaphore_mem>>)
      %dma_wait3A = arith.constant 0 : i32
      %dma_wait3A_18 = tpu.memref_slice %arg10[%mul3A_4, %dma_wait3A] : memref<10240x128xf32, #tpu.memory_space<vmem_shared>> -> memref<640x128xf32, #tpu.memory_space<vmem_shared>>
      %dma_wait3A_19 = arith.constant 0 : i32
      %dma_wait3A_20 = tpu.memref_slice %arg5[%mul3A_2, %dma_wait3A_19] : memref<10240x128xf32, #tpu.memory_space<hbm>> -> memref<640x128xf32, #tpu.memory_space<hbm>>
      tpu.wait_dma2 semaphore(%run_scoped3A : memref<!tpu.dma_semaphore, #tpu.memory_space<semaphore_mem>>) src(%dma_wait3A_20 : memref<640x128xf32, #tpu.memory_space<hbm>>) dst(%dma_wait3A_18 : memref<640x128xf32, #tpu.memory_space<vmem_shared>>)
      tpu.yield
    }) : () -> ()
    %barrier3A = arith.constant 0 : index
    tpu.barrier barrier_id(%barrier3A)
    %scan3A = arith.constant 0 : i32
    %scan3A_5 = arith.constant 0 : i32
    %scan3A_6 = arith.constant 79 : i32
    %scan3A_7 = arith.addi %scan3A_5, %scan3A_6 : i32
    %scan3A_8 = arith.constant 1 : i32
    scf.for %scan3A_15 = %scan3A_5 to %scan3A_7 step %scan3A_8  : i32 {
      %mul3A_16 = arith.constant 10112 : i32
      %mul3A_17 = arith.muli %add3A, %mul3A_16 : i32
      %mul3A_18 = arith.constant 128 : i32
      %mul3A_19 = arith.muli %scan3A_15, %mul3A_18 : i32
      %add3A_20 = arith.addi %mul3A_17, %mul3A_19 : i32
      "tpu.region"() ({
        %run_scoped3A = tpu.sem_alloc : memref<!tpu.dma_semaphore, #tpu.memory_space<semaphore_mem>>
        %dma_start3A_25 = tpu.memref_slice %arg3[%add3A_20] : memref<323584xi32, #tpu.memory_space<hbm>> -> memref<128xi32, #tpu.memory_space<hbm>>
        %dma_start3A_26 = tpu.memref_slice %arg3[%add3A_20] : memref<323584xi32, #tpu.memory_space<hbm>> -> memref<128xi32, #tpu.memory_space<hbm>>
        tpu.enqueue_dma source(%dma_start3A_26 : memref<128xi32, #tpu.memory_space<hbm>>) target(%arg7 : memref<128xi32, #tpu.memory_space<vmem>>) target_semaphore(%run_scoped3A : memref<!tpu.dma_semaphore, #tpu.memory_space<semaphore_mem>>)
        %dma_wait3A_27 = tpu.memref_slice %arg3[%add3A_20] : memref<323584xi32, #tpu.memory_space<hbm>> -> memref<128xi32, #tpu.memory_space<hbm>>
        %dma_wait3A_28 = tpu.memref_slice %arg3[%add3A_20] : memref<323584xi32, #tpu.memory_space<hbm>> -> memref<128xi32, #tpu.memory_space<hbm>>
        tpu.wait_dma2 semaphore(%run_scoped3A : memref<!tpu.dma_semaphore, #tpu.memory_space<semaphore_mem>>) src(%dma_wait3A_28 : memref<128xi32, #tpu.memory_space<hbm>>) dst(%arg7 : memref<128xi32, #tpu.memory_space<vmem>>)
        tpu.yield
      }) : () -> ()
      "tpu.region"() ({
        %run_scoped3A = tpu.sem_alloc : memref<!tpu.dma_semaphore, #tpu.memory_space<semaphore_mem>>
        %dma_start3A_25 = tpu.memref_slice %arg4[%add3A_20] : memref<323584xi32, #tpu.memory_space<hbm>> -> memref<128xi32, #tpu.memory_space<hbm>>
        %dma_start3A_26 = tpu.memref_slice %arg4[%add3A_20] : memref<323584xi32, #tpu.memory_space<hbm>> -> memref<128xi32, #tpu.memory_space<hbm>>
        tpu.enqueue_dma source(%dma_start3A_26 : memref<128xi32, #tpu.memory_space<hbm>>) target(%arg8 : memref<128xi32, #tpu.memory_space<vmem>>) target_semaphore(%run_scoped3A : memref<!tpu.dma_semaphore, #tpu.memory_space<semaphore_mem>>)
        %dma_wait3A_27 = tpu.memref_slice %arg4[%add3A_20] : memref<323584xi32, #tpu.memory_space<hbm>> -> memref<128xi32, #tpu.memory_space<hbm>>
        %dma_wait3A_28 = tpu.memref_slice %arg4[%add3A_20] : memref<323584xi32, #tpu.memory_space<hbm>> -> memref<128xi32, #tpu.memory_space<hbm>>
        tpu.wait_dma2 semaphore(%run_scoped3A : memref<!tpu.dma_semaphore, #tpu.memory_space<semaphore_mem>>) src(%dma_wait3A_28 : memref<128xi32, #tpu.memory_space<hbm>>) dst(%arg8 : memref<128xi32, #tpu.memory_space<vmem>>)
        tpu.yield
      }) : () -> ()
      %dma_start3A = arith.constant 0 : i32
      %dma_start3A_21 = arith.constant 0 : i32
      %dma_start3A_22 = tpu.memref_slice %arg2[%dma_start3A, %dma_start3A_21] : memref<10000x128xf32, #tpu.memory_space<hbm>> -> memref<10000x128xf32, #tpu.memory_space<hbm>>
      tpu.enqueue_indirect_dma source(%dma_start3A_22 : memref<10000x128xf32, #tpu.memory_space<hbm>>) target(%arg9 : memref<128x128xf32, #tpu.memory_space<vmem>>) offsets(%arg7 : memref<128xi32, #tpu.memory_space<vmem>>) semaphore(%arg11 : memref<!tpu.dma_semaphore, #tpu.memory_space<semaphore_mem>>)
      %dma_wait3A = arith.constant 0 : i32
      %dma_wait3A_23 = arith.constant 0 : i32
      %dma_wait3A_24 = tpu.memref_slice %arg2[%dma_wait3A, %dma_wait3A_23] : memref<10000x128xf32, #tpu.memory_space<hbm>> -> memref<10000x128xf32, #tpu.memory_space<hbm>>
      tpu.wait_indirect_dma semaphore(%arg11 : memref<!tpu.dma_semaphore, #tpu.memory_space<semaphore_mem>>) src(%dma_wait3A_24 : memref<10000x128xf32, #tpu.memory_space<hbm>>) dst(%arg9 : memref<128x128xf32, #tpu.memory_space<vmem>>)
      "tpu.region"() ({
        %run_scoped3A = tpu.sem_alloc : memref<!tpu.dma_semaphore, #tpu.memory_space<semaphore_mem>>
        %dma_start3A_25 = arith.constant 0 : i32
        %dma_start3A_26 = arith.constant 0 : i32
        %dma_start3A_27 = tpu.memref_slice %arg10[%dma_start3A_25, %dma_start3A_26] : memref<10240x128xf32, #tpu.memory_space<vmem_shared>> -> memref<10240x128xf32, #tpu.memory_space<vmem_shared>>
        tpu.enqueue_indirect_dma source(%arg9 : memref<128x128xf32, #tpu.memory_space<vmem>>) target(%dma_start3A_27 : memref<10240x128xf32, #tpu.memory_space<vmem_shared>>) offsets(%arg8 : memref<128xi32, #tpu.memory_space<vmem>>) semaphore(%run_scoped3A : memref<!tpu.dma_semaphore, #tpu.memory_space<semaphore_mem>>) {add = true}
        %dma_wait3A_28 = arith.constant 0 : i32
        %dma_wait3A_29 = arith.constant 0 : i32
        %dma_wait3A_30 = tpu.memref_slice %arg10[%dma_wait3A_28, %dma_wait3A_29] : memref<10240x128xf32, #tpu.memory_space<vmem_shared>> -> memref<10240x128xf32, #tpu.memory_space<vmem_shared>>
        tpu.wait_indirect_dma semaphore(%run_scoped3A : memref<!tpu.dma_semaphore, #tpu.memory_space<semaphore_mem>>) src(%arg9 : memref<128x128xf32, #tpu.memory_space<vmem>>) dst(%dma_wait3A_30 : memref<10240x128xf32, #tpu.memory_space<vmem_shared>>)
        tpu.yield
      }) : () -> ()
    }
    %scan3A_9 = arith.constant 79 : i32
    %barrier3A_10 = arith.constant 0 : index
    tpu.barrier barrier_id(%barrier3A_10)
    %mul3A_11 = arith.constant 640 : i32
    %mul3A_12 = arith.muli %arg1, %mul3A_11 : i32
    %mul3A_13 = arith.constant 640 : i32
    %mul3A_14 = arith.muli %arg1, %mul3A_13 : i32
    "tpu.region"() ({
      %run_scoped3A = tpu.sem_alloc : memref<!tpu.dma_semaphore, #tpu.memory_space<semaphore_mem>>
      %dma_start3A = arith.constant 0 : i32
      %dma_start3A_15 = tpu.memref_slice %arg6[%arg0, %mul3A_14, %dma_start3A] : memref<2x10240x128xf32, #tpu.memory_space<hbm>> -> memref<1x640x128xf32, #tpu.memory_space<hbm>>
      %dma_start3A_16 = tpu.memref_squeeze %dma_start3A_15 : memref<1x640x128xf32, #tpu.memory_space<hbm>> -> memref<640x128xf32, #tpu.memory_space<hbm>>
      %dma_start3A_17 = arith.constant 0 : i32
      %dma_start3A_18 = tpu.memref_slice %arg10[%mul3A_12, %dma_start3A_17] : memref<10240x128xf32, #tpu.memory_space<vmem_shared>> -> memref<640x128xf32, #tpu.memory_space<vmem_shared>>
      tpu.enqueue_dma source(%dma_start3A_18 : memref<640x128xf32, #tpu.memory_space<vmem_shared>>) target(%dma_start3A_16 : memref<640x128xf32, #tpu.memory_space<hbm>>) target_semaphore(%run_scoped3A : memref<!tpu.dma_semaphore, #tpu.memory_space<semaphore_mem>>)
      %dma_wait3A = arith.constant 0 : i32
      %dma_wait3A_19 = tpu.memref_slice %arg6[%arg0, %mul3A_14, %dma_wait3A] : memref<2x10240x128xf32, #tpu.memory_space<hbm>> -> memref<1x640x128xf32, #tpu.memory_space<hbm>>
      %dma_wait3A_20 = tpu.memref_squeeze %dma_wait3A_19 : memref<1x640x128xf32, #tpu.memory_space<hbm>> -> memref<640x128xf32, #tpu.memory_space<hbm>>
      %dma_wait3A_21 = arith.constant 0 : i32
      %dma_wait3A_22 = tpu.memref_slice %arg10[%mul3A_12, %dma_wait3A_21] : memref<10240x128xf32, #tpu.memory_space<vmem_shared>> -> memref<640x128xf32, #tpu.memory_space<vmem_shared>>
      tpu.wait_dma2 semaphore(%run_scoped3A : memref<!tpu.dma_semaphore, #tpu.memory_space<semaphore_mem>>) src(%dma_wait3A_22 : memref<640x128xf32, #tpu.memory_space<vmem_shared>>) dst(%dma_wait3A_20 : memref<640x128xf32, #tpu.memory_space<hbm>>)
      tpu.yield
    }) : () -> ()
    return
  }
}

#map = affine_map<(d0, d1) -> (0, 0, 0)>
#map1 = affine_map<(d0, d1) -> (0)>
#map2 = affine_map<(d0, d1) -> (0, 0)>
module attributes {stable_mosaic.version = 14 : i64} {
  func.func @_deg_body(%arg0: i32, %arg1: i32, %arg2: memref<32x79x128xi32, #tpu.memory_space<hbm>>, %arg3: memref<128xf32, #tpu.memory_space<hbm>>, %arg4: memref<10240xf32, #tpu.memory_space<hbm>>, %arg5: memref<2x10240xf32, #tpu.memory_space<hbm>>, %arg6: memref<128xi32, #tpu.memory_space<vmem>>, %arg7: memref<128xf32, #tpu.memory_space<vmem>>, %arg8: memref<10240xf32, #tpu.memory_space<vmem_shared>>) attributes {dimension_semantics = [#tpu.dimension_semantics<core_parallel>, #tpu.dimension_semantics<subcore_parallel>], iteration_bounds = array<i64: 2, 16>, scalar_prefetch = 0 : i64, scratch_operands = 3 : i64, tpu.core_type = #tpu.core_type<sc_vector_subcore>, window_params = [{transform_indices = #map}, {transform_indices = #map1}, {transform_indices = #map1}, {transform_indices = #map2}]} {
    %mul3A = arith.constant 16 : i32
    %mul3A_0 = arith.muli %arg0, %mul3A : i32
    %add3A = arith.addi %mul3A_0, %arg1 : i32
    "tpu.region"() ({
      %run_scoped3A = tpu.sem_alloc : memref<!tpu.dma_semaphore, #tpu.memory_space<semaphore_mem>>
      tpu.enqueue_dma source(%arg3 : memref<128xf32, #tpu.memory_space<hbm>>) target(%arg7 : memref<128xf32, #tpu.memory_space<vmem>>) target_semaphore(%run_scoped3A : memref<!tpu.dma_semaphore, #tpu.memory_space<semaphore_mem>>)
      tpu.wait_dma2 semaphore(%run_scoped3A : memref<!tpu.dma_semaphore, #tpu.memory_space<semaphore_mem>>) src(%arg3 : memref<128xf32, #tpu.memory_space<hbm>>) dst(%arg7 : memref<128xf32, #tpu.memory_space<vmem>>)
      tpu.yield
    }) : () -> ()
    %mul3A_1 = arith.constant 640 : i32
    %mul3A_2 = arith.muli %arg1, %mul3A_1 : i32
    %mul3A_3 = arith.constant 640 : i32
    %mul3A_4 = arith.muli %arg1, %mul3A_3 : i32
    "tpu.region"() ({
      %run_scoped3A = tpu.sem_alloc : memref<!tpu.dma_semaphore, #tpu.memory_space<semaphore_mem>>
      %dma_start3A = tpu.memref_slice %arg8[%mul3A_4] : memref<10240xf32, #tpu.memory_space<vmem_shared>> -> memref<640xf32, #tpu.memory_space<vmem_shared>>
      %dma_start3A_15 = tpu.memref_slice %arg4[%mul3A_2] : memref<10240xf32, #tpu.memory_space<hbm>> -> memref<640xf32, #tpu.memory_space<hbm>>
      tpu.enqueue_dma source(%dma_start3A_15 : memref<640xf32, #tpu.memory_space<hbm>>) target(%dma_start3A : memref<640xf32, #tpu.memory_space<vmem_shared>>) target_semaphore(%run_scoped3A : memref<!tpu.dma_semaphore, #tpu.memory_space<semaphore_mem>>)
      %dma_wait3A = tpu.memref_slice %arg8[%mul3A_4] : memref<10240xf32, #tpu.memory_space<vmem_shared>> -> memref<640xf32, #tpu.memory_space<vmem_shared>>
      %dma_wait3A_16 = tpu.memref_slice %arg4[%mul3A_2] : memref<10240xf32, #tpu.memory_space<hbm>> -> memref<640xf32, #tpu.memory_space<hbm>>
      tpu.wait_dma2 semaphore(%run_scoped3A : memref<!tpu.dma_semaphore, #tpu.memory_space<semaphore_mem>>) src(%dma_wait3A_16 : memref<640xf32, #tpu.memory_space<hbm>>) dst(%dma_wait3A : memref<640xf32, #tpu.memory_space<vmem_shared>>)
      tpu.yield
    }) : () -> ()
    %barrier3A = arith.constant 0 : index
    tpu.barrier barrier_id(%barrier3A)
    %scan3A = arith.constant 0 : i32
    %scan3A_5 = arith.constant 0 : i32
    %scan3A_6 = arith.constant 79 : i32
    %scan3A_7 = arith.addi %scan3A_5, %scan3A_6 : i32
    %scan3A_8 = arith.constant 1 : i32
    scf.for %scan3A_15 = %scan3A_5 to %scan3A_7 step %scan3A_8  : i32 {
      "tpu.region"() ({
        %run_scoped3A = tpu.sem_alloc : memref<!tpu.dma_semaphore, #tpu.memory_space<semaphore_mem>>
        %dma_start3A = arith.constant 0 : i32
        %dma_start3A_16 = tpu.memref_slice %arg2[%add3A, %scan3A_15, %dma_start3A] : memref<32x79x128xi32, #tpu.memory_space<hbm>> -> memref<1x1x128xi32, #tpu.memory_space<hbm>>
        %dma_start3A_17 = tpu.memref_squeeze %dma_start3A_16 : memref<1x1x128xi32, #tpu.memory_space<hbm>> -> memref<128xi32, #tpu.memory_space<hbm>>
        %dma_start3A_18 = arith.constant 0 : i32
        %dma_start3A_19 = tpu.memref_slice %arg2[%add3A, %scan3A_15, %dma_start3A_18] : memref<32x79x128xi32, #tpu.memory_space<hbm>> -> memref<1x1x128xi32, #tpu.memory_space<hbm>>
        %dma_start3A_20 = tpu.memref_squeeze %dma_start3A_19 : memref<1x1x128xi32, #tpu.memory_space<hbm>> -> memref<128xi32, #tpu.memory_space<hbm>>
        tpu.enqueue_dma source(%dma_start3A_20 : memref<128xi32, #tpu.memory_space<hbm>>) target(%arg6 : memref<128xi32, #tpu.memory_space<vmem>>) target_semaphore(%run_scoped3A : memref<!tpu.dma_semaphore, #tpu.memory_space<semaphore_mem>>)
        %dma_wait3A = arith.constant 0 : i32
        %dma_wait3A_21 = tpu.memref_slice %arg2[%add3A, %scan3A_15, %dma_wait3A] : memref<32x79x128xi32, #tpu.memory_space<hbm>> -> memref<1x1x128xi32, #tpu.memory_space<hbm>>
        %dma_wait3A_22 = tpu.memref_squeeze %dma_wait3A_21 : memref<1x1x128xi32, #tpu.memory_space<hbm>> -> memref<128xi32, #tpu.memory_space<hbm>>
        %dma_wait3A_23 = arith.constant 0 : i32
        %dma_wait3A_24 = tpu.memref_slice %arg2[%add3A, %scan3A_15, %dma_wait3A_23] : memref<32x79x128xi32, #tpu.memory_space<hbm>> -> memref<1x1x128xi32, #tpu.memory_space<hbm>>
        %dma_wait3A_25 = tpu.memref_squeeze %dma_wait3A_24 : memref<1x1x128xi32, #tpu.memory_space<hbm>> -> memref<128xi32, #tpu.memory_space<hbm>>
        tpu.wait_dma2 semaphore(%run_scoped3A : memref<!tpu.dma_semaphore, #tpu.memory_space<semaphore_mem>>) src(%dma_wait3A_25 : memref<128xi32, #tpu.memory_space<hbm>>) dst(%arg6 : memref<128xi32, #tpu.memory_space<vmem>>)
        tpu.yield
      }) : () -> ()
      "tpu.region"() ({
        %run_scoped3A = tpu.sem_alloc : memref<!tpu.dma_semaphore, #tpu.memory_space<semaphore_mem>>
        %dma_start3A = arith.constant 0 : i32
        %dma_start3A_16 = tpu.memref_slice %arg8[%dma_start3A] : memref<10240xf32, #tpu.memory_space<vmem_shared>> -> memref<10240xf32, #tpu.memory_space<vmem_shared>>
        tpu.enqueue_indirect_dma source(%arg7 : memref<128xf32, #tpu.memory_space<vmem>>) target(%dma_start3A_16 : memref<10240xf32, #tpu.memory_space<vmem_shared>>) offsets(%arg6 : memref<128xi32, #tpu.memory_space<vmem>>) semaphore(%run_scoped3A : memref<!tpu.dma_semaphore, #tpu.memory_space<semaphore_mem>>) {add = true}
        %dma_wait3A = arith.constant 0 : i32
        %dma_wait3A_17 = tpu.memref_slice %arg8[%dma_wait3A] : memref<10240xf32, #tpu.memory_space<vmem_shared>> -> memref<10240xf32, #tpu.memory_space<vmem_shared>>
        tpu.wait_indirect_dma semaphore(%run_scoped3A : memref<!tpu.dma_semaphore, #tpu.memory_space<semaphore_mem>>) src(%arg7 : memref<128xf32, #tpu.memory_space<vmem>>) dst(%dma_wait3A_17 : memref<10240xf32, #tpu.memory_space<vmem_shared>>)
        tpu.yield
      }) : () -> ()
    }
    %scan3A_9 = arith.constant 79 : i32
    %barrier3A_10 = arith.constant 0 : index
    tpu.barrier barrier_id(%barrier3A_10)
    %mul3A_11 = arith.constant 640 : i32
    %mul3A_12 = arith.muli %arg1, %mul3A_11 : i32
    %mul3A_13 = arith.constant 640 : i32
    %mul3A_14 = arith.muli %arg1, %mul3A_13 : i32
    "tpu.region"() ({
      %run_scoped3A = tpu.sem_alloc : memref<!tpu.dma_semaphore, #tpu.memory_space<semaphore_mem>>
      %dma_start3A = tpu.memref_slice %arg5[%arg0, %mul3A_14] : memref<2x10240xf32, #tpu.memory_space<hbm>> -> memref<1x640xf32, #tpu.memory_space<hbm>>
      %dma_start3A_15 = tpu.memref_squeeze %dma_start3A : memref<1x640xf32, #tpu.memory_space<hbm>> -> memref<640xf32, #tpu.memory_space<hbm>>
      %dma_start3A_16 = tpu.memref_slice %arg8[%mul3A_12] : memref<10240xf32, #tpu.memory_space<vmem_shared>> -> memref<640xf32, #tpu.memory_space<vmem_shared>>
      tpu.enqueue_dma source(%dma_start3A_16 : memref<640xf32, #tpu.memory_space<vmem_shared>>) target(%dma_start3A_15 : memref<640xf32, #tpu.memory_space<hbm>>) target_semaphore(%run_scoped3A : memref<!tpu.dma_semaphore, #tpu.memory_space<semaphore_mem>>)
      %dma_wait3A = tpu.memref_slice %arg5[%arg0, %mul3A_14] : memref<2x10240xf32, #tpu.memory_space<hbm>> -> memref<1x640xf32, #tpu.memory_space<hbm>>
      %dma_wait3A_17 = tpu.memref_squeeze %dma_wait3A : memref<1x640xf32, #tpu.memory_space<hbm>> -> memref<640xf32, #tpu.memory_space<hbm>>
      %dma_wait3A_18 = tpu.memref_slice %arg8[%mul3A_12] : memref<10240xf32, #tpu.memory_space<vmem_shared>> -> memref<640xf32, #tpu.memory_space<vmem_shared>>
      tpu.wait_dma2 semaphore(%run_scoped3A : memref<!tpu.dma_semaphore, #tpu.memory_space<semaphore_mem>>) src(%dma_wait3A_18 : memref<640xf32, #tpu.memory_space<vmem_shared>>) dst(%dma_wait3A_17 : memref<640xf32, #tpu.memory_space<hbm>>)
      tpu.yield
    }) : () -> ()
    return
  }
}

#map = affine_map<(d0, d1) -> (0, 0)>
#map1 = affine_map<(d0, d1) -> (0)>
#map2 = affine_map<(d0, d1) -> (0, 0, 0)>
module attributes {stable_mosaic.version = 14 : i64} {
  func.func @_edges_body(%arg0: i32, %arg1: i32, %arg2: memref<10000x128xf32, #tpu.memory_space<hbm>>, %arg3: memref<323584xi32, #tpu.memory_space<hbm>>, %arg4: memref<323584xi32, #tpu.memory_space<hbm>>, %arg5: memref<10240x128xf32, #tpu.memory_space<hbm>>, %arg6: memref<2x10240x128xf32, #tpu.memory_space<hbm>>, %arg7: memref<128xi32, #tpu.memory_space<vmem>>, %arg8: memref<128xi32, #tpu.memory_space<vmem>>, %arg9: memref<128x128xf32, #tpu.memory_space<vmem>>, %arg10: memref<10240x128xf32, #tpu.memory_space<vmem_shared>>, %arg11: memref<!tpu.dma_semaphore, #tpu.memory_space<semaphore_mem>>) attributes {dimension_semantics = [#tpu.dimension_semantics<core_parallel>, #tpu.dimension_semantics<subcore_parallel>], iteration_bounds = array<i64: 2, 16>, scalar_prefetch = 0 : i64, scratch_operands = 5 : i64, tpu.core_type = #tpu.core_type<sc_vector_subcore>, window_params = [{transform_indices = #map}, {transform_indices = #map1}, {transform_indices = #map1}, {transform_indices = #map}, {transform_indices = #map2}]} {
    %mul3A = arith.constant 16 : i32
    %mul3A_0 = arith.muli %arg0, %mul3A : i32
    %add3A = arith.addi %mul3A_0, %arg1 : i32
    %mul3A_1 = arith.constant 640 : i32
    %mul3A_2 = arith.muli %arg1, %mul3A_1 : i32
    %mul3A_3 = arith.constant 640 : i32
    %mul3A_4 = arith.muli %arg1, %mul3A_3 : i32
    "tpu.region"() ({
      %run_scoped3A = tpu.sem_alloc : memref<!tpu.dma_semaphore, #tpu.memory_space<semaphore_mem>>
      %dma_start3A = arith.constant 0 : i32
      %dma_start3A_15 = tpu.memref_slice %arg10[%mul3A_4, %dma_start3A] : memref<10240x128xf32, #tpu.memory_space<vmem_shared>> -> memref<640x128xf32, #tpu.memory_space<vmem_shared>>
      %dma_start3A_16 = arith.constant 0 : i32
      %dma_start3A_17 = tpu.memref_slice %arg5[%mul3A_2, %dma_start3A_16] : memref<10240x128xf32, #tpu.memory_space<hbm>> -> memref<640x128xf32, #tpu.memory_space<hbm>>
      tpu.enqueue_dma source(%dma_start3A_17 : memref<640x128xf32, #tpu.memory_space<hbm>>) target(%dma_start3A_15 : memref<640x128xf32, #tpu.memory_space<vmem_shared>>) target_semaphore(%run_scoped3A : memref<!tpu.dma_semaphore, #tpu.memory_space<semaphore_mem>>)
      %dma_wait3A = arith.constant 0 : i32
      %dma_wait3A_18 = tpu.memref_slice %arg10[%mul3A_4, %dma_wait3A] : memref<10240x128xf32, #tpu.memory_space<vmem_shared>> -> memref<640x128xf32, #tpu.memory_space<vmem_shared>>
      %dma_wait3A_19 = arith.constant 0 : i32
      %dma_wait3A_20 = tpu.memref_slice %arg5[%mul3A_2, %dma_wait3A_19] : memref<10240x128xf32, #tpu.memory_space<hbm>> -> memref<640x128xf32, #tpu.memory_space<hbm>>
      tpu.wait_dma2 semaphore(%run_scoped3A : memref<!tpu.dma_semaphore, #tpu.memory_space<semaphore_mem>>) src(%dma_wait3A_20 : memref<640x128xf32, #tpu.memory_space<hbm>>) dst(%dma_wait3A_18 : memref<640x128xf32, #tpu.memory_space<vmem_shared>>)
      tpu.yield
    }) : () -> ()
    %barrier3A = arith.constant 0 : index
    tpu.barrier barrier_id(%barrier3A)
    %scan3A = arith.constant 0 : i32
    %scan3A_5 = arith.constant 0 : i32
    %scan3A_6 = arith.constant 79 : i32
    %scan3A_7 = arith.addi %scan3A_5, %scan3A_6 : i32
    %scan3A_8 = arith.constant 1 : i32
    scf.for %scan3A_15 = %scan3A_5 to %scan3A_7 step %scan3A_8  : i32 {
      %mul3A_16 = arith.constant 10112 : i32
      %mul3A_17 = arith.muli %add3A, %mul3A_16 : i32
      %mul3A_18 = arith.constant 128 : i32
      %mul3A_19 = arith.muli %scan3A_15, %mul3A_18 : i32
      %add3A_20 = arith.addi %mul3A_17, %mul3A_19 : i32
      "tpu.region"() ({
        %run_scoped3A = tpu.sem_alloc : memref<!tpu.dma_semaphore, #tpu.memory_space<semaphore_mem>>
        %dma_start3A_25 = tpu.memref_slice %arg3[%add3A_20] : memref<323584xi32, #tpu.memory_space<hbm>> -> memref<128xi32, #tpu.memory_space<hbm>>
        %dma_start3A_26 = tpu.memref_slice %arg3[%add3A_20] : memref<323584xi32, #tpu.memory_space<hbm>> -> memref<128xi32, #tpu.memory_space<hbm>>
        tpu.enqueue_dma source(%dma_start3A_26 : memref<128xi32, #tpu.memory_space<hbm>>) target(%arg7 : memref<128xi32, #tpu.memory_space<vmem>>) target_semaphore(%run_scoped3A : memref<!tpu.dma_semaphore, #tpu.memory_space<semaphore_mem>>)
        %dma_wait3A_27 = tpu.memref_slice %arg3[%add3A_20] : memref<323584xi32, #tpu.memory_space<hbm>> -> memref<128xi32, #tpu.memory_space<hbm>>
        %dma_wait3A_28 = tpu.memref_slice %arg3[%add3A_20] : memref<323584xi32, #tpu.memory_space<hbm>> -> memref<128xi32, #tpu.memory_space<hbm>>
        tpu.wait_dma2 semaphore(%run_scoped3A : memref<!tpu.dma_semaphore, #tpu.memory_space<semaphore_mem>>) src(%dma_wait3A_28 : memref<128xi32, #tpu.memory_space<hbm>>) dst(%arg7 : memref<128xi32, #tpu.memory_space<vmem>>)
        tpu.yield
      }) : () -> ()
      "tpu.region"() ({
        %run_scoped3A = tpu.sem_alloc : memref<!tpu.dma_semaphore, #tpu.memory_space<semaphore_mem>>
        %dma_start3A_25 = tpu.memref_slice %arg4[%add3A_20] : memref<323584xi32, #tpu.memory_space<hbm>> -> memref<128xi32, #tpu.memory_space<hbm>>
        %dma_start3A_26 = tpu.memref_slice %arg4[%add3A_20] : memref<323584xi32, #tpu.memory_space<hbm>> -> memref<128xi32, #tpu.memory_space<hbm>>
        tpu.enqueue_dma source(%dma_start3A_26 : memref<128xi32, #tpu.memory_space<hbm>>) target(%arg8 : memref<128xi32, #tpu.memory_space<vmem>>) target_semaphore(%run_scoped3A : memref<!tpu.dma_semaphore, #tpu.memory_space<semaphore_mem>>)
        %dma_wait3A_27 = tpu.memref_slice %arg4[%add3A_20] : memref<323584xi32, #tpu.memory_space<hbm>> -> memref<128xi32, #tpu.memory_space<hbm>>
        %dma_wait3A_28 = tpu.memref_slice %arg4[%add3A_20] : memref<323584xi32, #tpu.memory_space<hbm>> -> memref<128xi32, #tpu.memory_space<hbm>>
        tpu.wait_dma2 semaphore(%run_scoped3A : memref<!tpu.dma_semaphore, #tpu.memory_space<semaphore_mem>>) src(%dma_wait3A_28 : memref<128xi32, #tpu.memory_space<hbm>>) dst(%arg8 : memref<128xi32, #tpu.memory_space<vmem>>)
        tpu.yield
      }) : () -> ()
      %dma_start3A = arith.constant 0 : i32
      %dma_start3A_21 = arith.constant 0 : i32
      %dma_start3A_22 = tpu.memref_slice %arg2[%dma_start3A, %dma_start3A_21] : memref<10000x128xf32, #tpu.memory_space<hbm>> -> memref<10000x128xf32, #tpu.memory_space<hbm>>
      tpu.enqueue_indirect_dma source(%dma_start3A_22 : memref<10000x128xf32, #tpu.memory_space<hbm>>) target(%arg9 : memref<128x128xf32, #tpu.memory_space<vmem>>) offsets(%arg7 : memref<128xi32, #tpu.memory_space<vmem>>) semaphore(%arg11 : memref<!tpu.dma_semaphore, #tpu.memory_space<semaphore_mem>>)
      %dma_wait3A = arith.constant 0 : i32
      %dma_wait3A_23 = arith.constant 0 : i32
      %dma_wait3A_24 = tpu.memref_slice %arg2[%dma_wait3A, %dma_wait3A_23] : memref<10000x128xf32, #tpu.memory_space<hbm>> -> memref<10000x128xf32, #tpu.memory_space<hbm>>
      tpu.wait_indirect_dma semaphore(%arg11 : memref<!tpu.dma_semaphore, #tpu.memory_space<semaphore_mem>>) src(%dma_wait3A_24 : memref<10000x128xf32, #tpu.memory_space<hbm>>) dst(%arg9 : memref<128x128xf32, #tpu.memory_space<vmem>>)
      "tpu.region"() ({
        %run_scoped3A = tpu.sem_alloc : memref<!tpu.dma_semaphore, #tpu.memory_space<semaphore_mem>>
        %dma_start3A_25 = arith.constant 0 : i32
        %dma_start3A_26 = arith.constant 0 : i32
        %dma_start3A_27 = tpu.memref_slice %arg10[%dma_start3A_25, %dma_start3A_26] : memref<10240x128xf32, #tpu.memory_space<vmem_shared>> -> memref<10240x128xf32, #tpu.memory_space<vmem_shared>>
        tpu.enqueue_indirect_dma source(%arg9 : memref<128x128xf32, #tpu.memory_space<vmem>>) target(%dma_start3A_27 : memref<10240x128xf32, #tpu.memory_space<vmem_shared>>) offsets(%arg8 : memref<128xi32, #tpu.memory_space<vmem>>) semaphore(%run_scoped3A : memref<!tpu.dma_semaphore, #tpu.memory_space<semaphore_mem>>) {add = true}
        %dma_wait3A_28 = arith.constant 0 : i32
        %dma_wait3A_29 = arith.constant 0 : i32
        %dma_wait3A_30 = tpu.memref_slice %arg10[%dma_wait3A_28, %dma_wait3A_29] : memref<10240x128xf32, #tpu.memory_space<vmem_shared>> -> memref<10240x128xf32, #tpu.memory_space<vmem_shared>>
        tpu.wait_indirect_dma semaphore(%run_scoped3A : memref<!tpu.dma_semaphore, #tpu.memory_space<semaphore_mem>>) src(%arg9 : memref<128x128xf32, #tpu.memory_space<vmem>>) dst(%dma_wait3A_30 : memref<10240x128xf32, #tpu.memory_space<vmem_shared>>)
        tpu.yield
      }) : () -> ()
    }
    %scan3A_9 = arith.constant 79 : i32
    %barrier3A_10 = arith.constant 0 : index
    tpu.barrier barrier_id(%barrier3A_10)
    %mul3A_11 = arith.constant 640 : i32
    %mul3A_12 = arith.muli %arg1, %mul3A_11 : i32
    %mul3A_13 = arith.constant 640 : i32
    %mul3A_14 = arith.muli %arg1, %mul3A_13 : i32
    "tpu.region"() ({
      %run_scoped3A = tpu.sem_alloc : memref<!tpu.dma_semaphore, #tpu.memory_space<semaphore_mem>>
      %dma_start3A = arith.constant 0 : i32
      %dma_start3A_15 = tpu.memref_slice %arg6[%arg0, %mul3A_14, %dma_start3A] : memref<2x10240x128xf32, #tpu.memory_space<hbm>> -> memref<1x640x128xf32, #tpu.memory_space<hbm>>
      %dma_start3A_16 = tpu.memref_squeeze %dma_start3A_15 : memref<1x640x128xf32, #tpu.memory_space<hbm>> -> memref<640x128xf32, #tpu.memory_space<hbm>>
      %dma_start3A_17 = arith.constant 0 : i32
      %dma_start3A_18 = tpu.memref_slice %arg10[%mul3A_12, %dma_start3A_17] : memref<10240x128xf32, #tpu.memory_space<vmem_shared>> -> memref<640x128xf32, #tpu.memory_space<vmem_shared>>
      tpu.enqueue_dma source(%dma_start3A_18 : memref<640x128xf32, #tpu.memory_space<vmem_shared>>) target(%dma_start3A_16 : memref<640x128xf32, #tpu.memory_space<hbm>>) target_semaphore(%run_scoped3A : memref<!tpu.dma_semaphore, #tpu.memory_space<semaphore_mem>>)
      %dma_wait3A = arith.constant 0 : i32
      %dma_wait3A_19 = tpu.memref_slice %arg6[%arg0, %mul3A_14, %dma_wait3A] : memref<2x10240x128xf32, #tpu.memory_space<hbm>> -> memref<1x640x128xf32, #tpu.memory_space<hbm>>
      %dma_wait3A_20 = tpu.memref_squeeze %dma_wait3A_19 : memref<1x640x128xf32, #tpu.memory_space<hbm>> -> memref<640x128xf32, #tpu.memory_space<hbm>>
      %dma_wait3A_21 = arith.constant 0 : i32
      %dma_wait3A_22 = tpu.memref_slice %arg10[%mul3A_12, %dma_wait3A_21] : memref<10240x128xf32, #tpu.memory_space<vmem_shared>> -> memref<640x128xf32, #tpu.memory_space<vmem_shared>>
      tpu.wait_dma2 semaphore(%run_scoped3A : memref<!tpu.dma_semaphore, #tpu.memory_space<semaphore_mem>>) src(%dma_wait3A_22 : memref<640x128xf32, #tpu.memory_space<vmem_shared>>) dst(%dma_wait3A_20 : memref<640x128xf32, #tpu.memory_space<hbm>>)
      tpu.yield
    }) : () -> ()
    return
  }
}

#map = affine_map<(d0, d1) -> (0, 0)>
#map1 = affine_map<(d0, d1) -> (0)>
#map2 = affine_map<(d0, d1) -> (0, 0, 0)>
module attributes {stable_mosaic.version = 14 : i64} {
  func.func @_edges_body(%arg0: i32, %arg1: i32, %arg2: memref<10000x128xf32, #tpu.memory_space<hbm>>, %arg3: memref<323584xi32, #tpu.memory_space<hbm>>, %arg4: memref<323584xi32, #tpu.memory_space<hbm>>, %arg5: memref<10240x128xf32, #tpu.memory_space<hbm>>, %arg6: memref<2x10240x128xf32, #tpu.memory_space<hbm>>, %arg7: memref<128xi32, #tpu.memory_space<vmem>>, %arg8: memref<128xi32, #tpu.memory_space<vmem>>, %arg9: memref<128x128xf32, #tpu.memory_space<vmem>>, %arg10: memref<10240x128xf32, #tpu.memory_space<vmem_shared>>, %arg11: memref<!tpu.dma_semaphore, #tpu.memory_space<semaphore_mem>>) attributes {dimension_semantics = [#tpu.dimension_semantics<core_parallel>, #tpu.dimension_semantics<subcore_parallel>], iteration_bounds = array<i64: 2, 16>, scalar_prefetch = 0 : i64, scratch_operands = 5 : i64, tpu.core_type = #tpu.core_type<sc_vector_subcore>, window_params = [{transform_indices = #map}, {transform_indices = #map1}, {transform_indices = #map1}, {transform_indices = #map}, {transform_indices = #map2}]} {
    %mul3A = arith.constant 16 : i32
    %mul3A_0 = arith.muli %arg0, %mul3A : i32
    %add3A = arith.addi %mul3A_0, %arg1 : i32
    %mul3A_1 = arith.constant 640 : i32
    %mul3A_2 = arith.muli %arg1, %mul3A_1 : i32
    %mul3A_3 = arith.constant 640 : i32
    %mul3A_4 = arith.muli %arg1, %mul3A_3 : i32
    "tpu.region"() ({
      %run_scoped3A = tpu.sem_alloc : memref<!tpu.dma_semaphore, #tpu.memory_space<semaphore_mem>>
      %dma_start3A = arith.constant 0 : i32
      %dma_start3A_15 = tpu.memref_slice %arg10[%mul3A_4, %dma_start3A] : memref<10240x128xf32, #tpu.memory_space<vmem_shared>> -> memref<640x128xf32, #tpu.memory_space<vmem_shared>>
      %dma_start3A_16 = arith.constant 0 : i32
      %dma_start3A_17 = tpu.memref_slice %arg5[%mul3A_2, %dma_start3A_16] : memref<10240x128xf32, #tpu.memory_space<hbm>> -> memref<640x128xf32, #tpu.memory_space<hbm>>
      tpu.enqueue_dma source(%dma_start3A_17 : memref<640x128xf32, #tpu.memory_space<hbm>>) target(%dma_start3A_15 : memref<640x128xf32, #tpu.memory_space<vmem_shared>>) target_semaphore(%run_scoped3A : memref<!tpu.dma_semaphore, #tpu.memory_space<semaphore_mem>>)
      %dma_wait3A = arith.constant 0 : i32
      %dma_wait3A_18 = tpu.memref_slice %arg10[%mul3A_4, %dma_wait3A] : memref<10240x128xf32, #tpu.memory_space<vmem_shared>> -> memref<640x128xf32, #tpu.memory_space<vmem_shared>>
      %dma_wait3A_19 = arith.constant 0 : i32
      %dma_wait3A_20 = tpu.memref_slice %arg5[%mul3A_2, %dma_wait3A_19] : memref<10240x128xf32, #tpu.memory_space<hbm>> -> memref<640x128xf32, #tpu.memory_space<hbm>>
      tpu.wait_dma2 semaphore(%run_scoped3A : memref<!tpu.dma_semaphore, #tpu.memory_space<semaphore_mem>>) src(%dma_wait3A_20 : memref<640x128xf32, #tpu.memory_space<hbm>>) dst(%dma_wait3A_18 : memref<640x128xf32, #tpu.memory_space<vmem_shared>>)
      tpu.yield
    }) : () -> ()
    %barrier3A = arith.constant 0 : index
    tpu.barrier barrier_id(%barrier3A)
    %scan3A = arith.constant 0 : i32
    %scan3A_5 = arith.constant 0 : i32
    %scan3A_6 = arith.constant 79 : i32
    %scan3A_7 = arith.addi %scan3A_5, %scan3A_6 : i32
    %scan3A_8 = arith.constant 1 : i32
    scf.for %scan3A_15 = %scan3A_5 to %scan3A_7 step %scan3A_8  : i32 {
      %mul3A_16 = arith.constant 10112 : i32
      %mul3A_17 = arith.muli %add3A, %mul3A_16 : i32
      %mul3A_18 = arith.constant 128 : i32
      %mul3A_19 = arith.muli %scan3A_15, %mul3A_18 : i32
      %add3A_20 = arith.addi %mul3A_17, %mul3A_19 : i32
      "tpu.region"() ({
        %run_scoped3A = tpu.sem_alloc : memref<!tpu.dma_semaphore, #tpu.memory_space<semaphore_mem>>
        %dma_start3A_25 = tpu.memref_slice %arg3[%add3A_20] : memref<323584xi32, #tpu.memory_space<hbm>> -> memref<128xi32, #tpu.memory_space<hbm>>
        %dma_start3A_26 = tpu.memref_slice %arg3[%add3A_20] : memref<323584xi32, #tpu.memory_space<hbm>> -> memref<128xi32, #tpu.memory_space<hbm>>
        tpu.enqueue_dma source(%dma_start3A_26 : memref<128xi32, #tpu.memory_space<hbm>>) target(%arg7 : memref<128xi32, #tpu.memory_space<vmem>>) target_semaphore(%run_scoped3A : memref<!tpu.dma_semaphore, #tpu.memory_space<semaphore_mem>>)
        %dma_wait3A_27 = tpu.memref_slice %arg3[%add3A_20] : memref<323584xi32, #tpu.memory_space<hbm>> -> memref<128xi32, #tpu.memory_space<hbm>>
        %dma_wait3A_28 = tpu.memref_slice %arg3[%add3A_20] : memref<323584xi32, #tpu.memory_space<hbm>> -> memref<128xi32, #tpu.memory_space<hbm>>
        tpu.wait_dma2 semaphore(%run_scoped3A : memref<!tpu.dma_semaphore, #tpu.memory_space<semaphore_mem>>) src(%dma_wait3A_28 : memref<128xi32, #tpu.memory_space<hbm>>) dst(%arg7 : memref<128xi32, #tpu.memory_space<vmem>>)
        tpu.yield
      }) : () -> ()
      "tpu.region"() ({
        %run_scoped3A = tpu.sem_alloc : memref<!tpu.dma_semaphore, #tpu.memory_space<semaphore_mem>>
        %dma_start3A_25 = tpu.memref_slice %arg4[%add3A_20] : memref<323584xi32, #tpu.memory_space<hbm>> -> memref<128xi32, #tpu.memory_space<hbm>>
        %dma_start3A_26 = tpu.memref_slice %arg4[%add3A_20] : memref<323584xi32, #tpu.memory_space<hbm>> -> memref<128xi32, #tpu.memory_space<hbm>>
        tpu.enqueue_dma source(%dma_start3A_26 : memref<128xi32, #tpu.memory_space<hbm>>) target(%arg8 : memref<128xi32, #tpu.memory_space<vmem>>) target_semaphore(%run_scoped3A : memref<!tpu.dma_semaphore, #tpu.memory_space<semaphore_mem>>)
        %dma_wait3A_27 = tpu.memref_slice %arg4[%add3A_20] : memref<323584xi32, #tpu.memory_space<hbm>> -> memref<128xi32, #tpu.memory_space<hbm>>
        %dma_wait3A_28 = tpu.memref_slice %arg4[%add3A_20] : memref<323584xi32, #tpu.memory_space<hbm>> -> memref<128xi32, #tpu.memory_space<hbm>>
        tpu.wait_dma2 semaphore(%run_scoped3A : memref<!tpu.dma_semaphore, #tpu.memory_space<semaphore_mem>>) src(%dma_wait3A_28 : memref<128xi32, #tpu.memory_space<hbm>>) dst(%arg8 : memref<128xi32, #tpu.memory_space<vmem>>)
        tpu.yield
      }) : () -> ()
      %dma_start3A = arith.constant 0 : i32
      %dma_start3A_21 = arith.constant 0 : i32
      %dma_start3A_22 = tpu.memref_slice %arg2[%dma_start3A, %dma_start3A_21] : memref<10000x128xf32, #tpu.memory_space<hbm>> -> memref<10000x128xf32, #tpu.memory_space<hbm>>
      tpu.enqueue_indirect_dma source(%dma_start3A_22 : memref<10000x128xf32, #tpu.memory_space<hbm>>) target(%arg9 : memref<128x128xf32, #tpu.memory_space<vmem>>) offsets(%arg7 : memref<128xi32, #tpu.memory_space<vmem>>) semaphore(%arg11 : memref<!tpu.dma_semaphore, #tpu.memory_space<semaphore_mem>>)
      %dma_wait3A = arith.constant 0 : i32
      %dma_wait3A_23 = arith.constant 0 : i32
      %dma_wait3A_24 = tpu.memref_slice %arg2[%dma_wait3A, %dma_wait3A_23] : memref<10000x128xf32, #tpu.memory_space<hbm>> -> memref<10000x128xf32, #tpu.memory_space<hbm>>
      tpu.wait_indirect_dma semaphore(%arg11 : memref<!tpu.dma_semaphore, #tpu.memory_space<semaphore_mem>>) src(%dma_wait3A_24 : memref<10000x128xf32, #tpu.memory_space<hbm>>) dst(%arg9 : memref<128x128xf32, #tpu.memory_space<vmem>>)
      "tpu.region"() ({
        %run_scoped3A = tpu.sem_alloc : memref<!tpu.dma_semaphore, #tpu.memory_space<semaphore_mem>>
        %dma_start3A_25 = arith.constant 0 : i32
        %dma_start3A_26 = arith.constant 0 : i32
        %dma_start3A_27 = tpu.memref_slice %arg10[%dma_start3A_25, %dma_start3A_26] : memref<10240x128xf32, #tpu.memory_space<vmem_shared>> -> memref<10240x128xf32, #tpu.memory_space<vmem_shared>>
        tpu.enqueue_indirect_dma source(%arg9 : memref<128x128xf32, #tpu.memory_space<vmem>>) target(%dma_start3A_27 : memref<10240x128xf32, #tpu.memory_space<vmem_shared>>) offsets(%arg8 : memref<128xi32, #tpu.memory_space<vmem>>) semaphore(%run_scoped3A : memref<!tpu.dma_semaphore, #tpu.memory_space<semaphore_mem>>) {add = true}
        %dma_wait3A_28 = arith.constant 0 : i32
        %dma_wait3A_29 = arith.constant 0 : i32
        %dma_wait3A_30 = tpu.memref_slice %arg10[%dma_wait3A_28, %dma_wait3A_29] : memref<10240x128xf32, #tpu.memory_space<vmem_shared>> -> memref<10240x128xf32, #tpu.memory_space<vmem_shared>>
        tpu.wait_indirect_dma semaphore(%run_scoped3A : memref<!tpu.dma_semaphore, #tpu.memory_space<semaphore_mem>>) src(%arg9 : memref<128x128xf32, #tpu.memory_space<vmem>>) dst(%dma_wait3A_30 : memref<10240x128xf32, #tpu.memory_space<vmem_shared>>)
        tpu.yield
      }) : () -> ()
    }
    %scan3A_9 = arith.constant 79 : i32
    %barrier3A_10 = arith.constant 0 : index
    tpu.barrier barrier_id(%barrier3A_10)
    %mul3A_11 = arith.constant 640 : i32
    %mul3A_12 = arith.muli %arg1, %mul3A_11 : i32
    %mul3A_13 = arith.constant 640 : i32
    %mul3A_14 = arith.muli %arg1, %mul3A_13 : i32
    "tpu.region"() ({
      %run_scoped3A = tpu.sem_alloc : memref<!tpu.dma_semaphore, #tpu.memory_space<semaphore_mem>>
      %dma_start3A = arith.constant 0 : i32
      %dma_start3A_15 = tpu.memref_slice %arg6[%arg0, %mul3A_14, %dma_start3A] : memref<2x10240x128xf32, #tpu.memory_space<hbm>> -> memref<1x640x128xf32, #tpu.memory_space<hbm>>
      %dma_start3A_16 = tpu.memref_squeeze %dma_start3A_15 : memref<1x640x128xf32, #tpu.memory_space<hbm>> -> memref<640x128xf32, #tpu.memory_space<hbm>>
      %dma_start3A_17 = arith.constant 0 : i32
      %dma_start3A_18 = tpu.memref_slice %arg10[%mul3A_12, %dma_start3A_17] : memref<10240x128xf32, #tpu.memory_space<vmem_shared>> -> memref<640x128xf32, #tpu.memory_space<vmem_shared>>
      tpu.enqueue_dma source(%dma_start3A_18 : memref<640x128xf32, #tpu.memory_space<vmem_shared>>) target(%dma_start3A_16 : memref<640x128xf32, #tpu.memory_space<hbm>>) target_semaphore(%run_scoped3A : memref<!tpu.dma_semaphore, #tpu.memory_space<semaphore_mem>>)
      %dma_wait3A = arith.constant 0 : i32
      %dma_wait3A_19 = tpu.memref_slice %arg6[%arg0, %mul3A_14, %dma_wait3A] : memref<2x10240x128xf32, #tpu.memory_space<hbm>> -> memref<1x640x128xf32, #tpu.memory_space<hbm>>
      %dma_wait3A_20 = tpu.memref_squeeze %dma_wait3A_19 : memref<1x640x128xf32, #tpu.memory_space<hbm>> -> memref<640x128xf32, #tpu.memory_space<hbm>>
      %dma_wait3A_21 = arith.constant 0 : i32
      %dma_wait3A_22 = tpu.memref_slice %arg10[%mul3A_12, %dma_wait3A_21] : memref<10240x128xf32, #tpu.memory_space<vmem_shared>> -> memref<640x128xf32, #tpu.memory_space<vmem_shared>>
      tpu.wait_dma2 semaphore(%run_scoped3A : memref<!tpu.dma_semaphore, #tpu.memory_space<semaphore_mem>>) src(%dma_wait3A_22 : memref<640x128xf32, #tpu.memory_space<vmem_shared>>) dst(%dma_wait3A_20 : memref<640x128xf32, #tpu.memory_space<hbm>>)
      tpu.yield
    }) : () -> ()
    return
  }
}

#map = affine_map<(d0, d1) -> (0, 0)>
#map1 = affine_map<(d0, d1) -> (0)>
#map2 = affine_map<(d0, d1) -> (0, 0, 0)>
module attributes {stable_mosaic.version = 14 : i64} {
  func.func @_edges_body(%arg0: i32, %arg1: i32, %arg2: memref<10000x128xf32, #tpu.memory_space<hbm>>, %arg3: memref<323584xi32, #tpu.memory_space<hbm>>, %arg4: memref<323584xi32, #tpu.memory_space<hbm>>, %arg5: memref<10240x128xf32, #tpu.memory_space<hbm>>, %arg6: memref<2x10240x128xf32, #tpu.memory_space<hbm>>, %arg7: memref<128xi32, #tpu.memory_space<vmem>>, %arg8: memref<128xi32, #tpu.memory_space<vmem>>, %arg9: memref<128x128xf32, #tpu.memory_space<vmem>>, %arg10: memref<10240x128xf32, #tpu.memory_space<vmem_shared>>, %arg11: memref<!tpu.dma_semaphore, #tpu.memory_space<semaphore_mem>>) attributes {dimension_semantics = [#tpu.dimension_semantics<core_parallel>, #tpu.dimension_semantics<subcore_parallel>], iteration_bounds = array<i64: 2, 16>, scalar_prefetch = 0 : i64, scratch_operands = 5 : i64, tpu.core_type = #tpu.core_type<sc_vector_subcore>, window_params = [{transform_indices = #map}, {transform_indices = #map1}, {transform_indices = #map1}, {transform_indices = #map}, {transform_indices = #map2}]} {
    %mul3A = arith.constant 16 : i32
    %mul3A_0 = arith.muli %arg0, %mul3A : i32
    %add3A = arith.addi %mul3A_0, %arg1 : i32
    %mul3A_1 = arith.constant 640 : i32
    %mul3A_2 = arith.muli %arg1, %mul3A_1 : i32
    %mul3A_3 = arith.constant 640 : i32
    %mul3A_4 = arith.muli %arg1, %mul3A_3 : i32
    "tpu.region"() ({
      %run_scoped3A = tpu.sem_alloc : memref<!tpu.dma_semaphore, #tpu.memory_space<semaphore_mem>>
      %dma_start3A = arith.constant 0 : i32
      %dma_start3A_15 = tpu.memref_slice %arg10[%mul3A_4, %dma_start3A] : memref<10240x128xf32, #tpu.memory_space<vmem_shared>> -> memref<640x128xf32, #tpu.memory_space<vmem_shared>>
      %dma_start3A_16 = arith.constant 0 : i32
      %dma_start3A_17 = tpu.memref_slice %arg5[%mul3A_2, %dma_start3A_16] : memref<10240x128xf32, #tpu.memory_space<hbm>> -> memref<640x128xf32, #tpu.memory_space<hbm>>
      tpu.enqueue_dma source(%dma_start3A_17 : memref<640x128xf32, #tpu.memory_space<hbm>>) target(%dma_start3A_15 : memref<640x128xf32, #tpu.memory_space<vmem_shared>>) target_semaphore(%run_scoped3A : memref<!tpu.dma_semaphore, #tpu.memory_space<semaphore_mem>>)
      %dma_wait3A = arith.constant 0 : i32
      %dma_wait3A_18 = tpu.memref_slice %arg10[%mul3A_4, %dma_wait3A] : memref<10240x128xf32, #tpu.memory_space<vmem_shared>> -> memref<640x128xf32, #tpu.memory_space<vmem_shared>>
      %dma_wait3A_19 = arith.constant 0 : i32
      %dma_wait3A_20 = tpu.memref_slice %arg5[%mul3A_2, %dma_wait3A_19] : memref<10240x128xf32, #tpu.memory_space<hbm>> -> memref<640x128xf32, #tpu.memory_space<hbm>>
      tpu.wait_dma2 semaphore(%run_scoped3A : memref<!tpu.dma_semaphore, #tpu.memory_space<semaphore_mem>>) src(%dma_wait3A_20 : memref<640x128xf32, #tpu.memory_space<hbm>>) dst(%dma_wait3A_18 : memref<640x128xf32, #tpu.memory_space<vmem_shared>>)
      tpu.yield
    }) : () -> ()
    %barrier3A = arith.constant 0 : index
    tpu.barrier barrier_id(%barrier3A)
    %scan3A = arith.constant 0 : i32
    %scan3A_5 = arith.constant 0 : i32
    %scan3A_6 = arith.constant 79 : i32
    %scan3A_7 = arith.addi %scan3A_5, %scan3A_6 : i32
    %scan3A_8 = arith.constant 1 : i32
    scf.for %scan3A_15 = %scan3A_5 to %scan3A_7 step %scan3A_8  : i32 {
      %mul3A_16 = arith.constant 10112 : i32
      %mul3A_17 = arith.muli %add3A, %mul3A_16 : i32
      %mul3A_18 = arith.constant 128 : i32
      %mul3A_19 = arith.muli %scan3A_15, %mul3A_18 : i32
      %add3A_20 = arith.addi %mul3A_17, %mul3A_19 : i32
      "tpu.region"() ({
        %run_scoped3A = tpu.sem_alloc : memref<!tpu.dma_semaphore, #tpu.memory_space<semaphore_mem>>
        %dma_start3A_25 = tpu.memref_slice %arg3[%add3A_20] : memref<323584xi32, #tpu.memory_space<hbm>> -> memref<128xi32, #tpu.memory_space<hbm>>
        %dma_start3A_26 = tpu.memref_slice %arg3[%add3A_20] : memref<323584xi32, #tpu.memory_space<hbm>> -> memref<128xi32, #tpu.memory_space<hbm>>
        tpu.enqueue_dma source(%dma_start3A_26 : memref<128xi32, #tpu.memory_space<hbm>>) target(%arg7 : memref<128xi32, #tpu.memory_space<vmem>>) target_semaphore(%run_scoped3A : memref<!tpu.dma_semaphore, #tpu.memory_space<semaphore_mem>>)
        %dma_wait3A_27 = tpu.memref_slice %arg3[%add3A_20] : memref<323584xi32, #tpu.memory_space<hbm>> -> memref<128xi32, #tpu.memory_space<hbm>>
        %dma_wait3A_28 = tpu.memref_slice %arg3[%add3A_20] : memref<323584xi32, #tpu.memory_space<hbm>> -> memref<128xi32, #tpu.memory_space<hbm>>
        tpu.wait_dma2 semaphore(%run_scoped3A : memref<!tpu.dma_semaphore, #tpu.memory_space<semaphore_mem>>) src(%dma_wait3A_28 : memref<128xi32, #tpu.memory_space<hbm>>) dst(%arg7 : memref<128xi32, #tpu.memory_space<vmem>>)
        tpu.yield
      }) : () -> ()
      "tpu.region"() ({
        %run_scoped3A = tpu.sem_alloc : memref<!tpu.dma_semaphore, #tpu.memory_space<semaphore_mem>>
        %dma_start3A_25 = tpu.memref_slice %arg4[%add3A_20] : memref<323584xi32, #tpu.memory_space<hbm>> -> memref<128xi32, #tpu.memory_space<hbm>>
        %dma_start3A_26 = tpu.memref_slice %arg4[%add3A_20] : memref<323584xi32, #tpu.memory_space<hbm>> -> memref<128xi32, #tpu.memory_space<hbm>>
        tpu.enqueue_dma source(%dma_start3A_26 : memref<128xi32, #tpu.memory_space<hbm>>) target(%arg8 : memref<128xi32, #tpu.memory_space<vmem>>) target_semaphore(%run_scoped3A : memref<!tpu.dma_semaphore, #tpu.memory_space<semaphore_mem>>)
        %dma_wait3A_27 = tpu.memref_slice %arg4[%add3A_20] : memref<323584xi32, #tpu.memory_space<hbm>> -> memref<128xi32, #tpu.memory_space<hbm>>
        %dma_wait3A_28 = tpu.memref_slice %arg4[%add3A_20] : memref<323584xi32, #tpu.memory_space<hbm>> -> memref<128xi32, #tpu.memory_space<hbm>>
        tpu.wait_dma2 semaphore(%run_scoped3A : memref<!tpu.dma_semaphore, #tpu.memory_space<semaphore_mem>>) src(%dma_wait3A_28 : memref<128xi32, #tpu.memory_space<hbm>>) dst(%arg8 : memref<128xi32, #tpu.memory_space<vmem>>)
        tpu.yield
      }) : () -> ()
      %dma_start3A = arith.constant 0 : i32
      %dma_start3A_21 = arith.constant 0 : i32
      %dma_start3A_22 = tpu.memref_slice %arg2[%dma_start3A, %dma_start3A_21] : memref<10000x128xf32, #tpu.memory_space<hbm>> -> memref<10000x128xf32, #tpu.memory_space<hbm>>
      tpu.enqueue_indirect_dma source(%dma_start3A_22 : memref<10000x128xf32, #tpu.memory_space<hbm>>) target(%arg9 : memref<128x128xf32, #tpu.memory_space<vmem>>) offsets(%arg7 : memref<128xi32, #tpu.memory_space<vmem>>) semaphore(%arg11 : memref<!tpu.dma_semaphore, #tpu.memory_space<semaphore_mem>>)
      %dma_wait3A = arith.constant 0 : i32
      %dma_wait3A_23 = arith.constant 0 : i32
      %dma_wait3A_24 = tpu.memref_slice %arg2[%dma_wait3A, %dma_wait3A_23] : memref<10000x128xf32, #tpu.memory_space<hbm>> -> memref<10000x128xf32, #tpu.memory_space<hbm>>
      tpu.wait_indirect_dma semaphore(%arg11 : memref<!tpu.dma_semaphore, #tpu.memory_space<semaphore_mem>>) src(%dma_wait3A_24 : memref<10000x128xf32, #tpu.memory_space<hbm>>) dst(%arg9 : memref<128x128xf32, #tpu.memory_space<vmem>>)
      "tpu.region"() ({
        %run_scoped3A = tpu.sem_alloc : memref<!tpu.dma_semaphore, #tpu.memory_space<semaphore_mem>>
        %dma_start3A_25 = arith.constant 0 : i32
        %dma_start3A_26 = arith.constant 0 : i32
        %dma_start3A_27 = tpu.memref_slice %arg10[%dma_start3A_25, %dma_start3A_26] : memref<10240x128xf32, #tpu.memory_space<vmem_shared>> -> memref<10240x128xf32, #tpu.memory_space<vmem_shared>>
        tpu.enqueue_indirect_dma source(%arg9 : memref<128x128xf32, #tpu.memory_space<vmem>>) target(%dma_start3A_27 : memref<10240x128xf32, #tpu.memory_space<vmem_shared>>) offsets(%arg8 : memref<128xi32, #tpu.memory_space<vmem>>) semaphore(%run_scoped3A : memref<!tpu.dma_semaphore, #tpu.memory_space<semaphore_mem>>) {add = true}
        %dma_wait3A_28 = arith.constant 0 : i32
        %dma_wait3A_29 = arith.constant 0 : i32
        %dma_wait3A_30 = tpu.memref_slice %arg10[%dma_wait3A_28, %dma_wait3A_29] : memref<10240x128xf32, #tpu.memory_space<vmem_shared>> -> memref<10240x128xf32, #tpu.memory_space<vmem_shared>>
        tpu.wait_indirect_dma semaphore(%run_scoped3A : memref<!tpu.dma_semaphore, #tpu.memory_space<semaphore_mem>>) src(%arg9 : memref<128x128xf32, #tpu.memory_space<vmem>>) dst(%dma_wait3A_30 : memref<10240x128xf32, #tpu.memory_space<vmem_shared>>)
        tpu.yield
      }) : () -> ()
    }
    %scan3A_9 = arith.constant 79 : i32
    %barrier3A_10 = arith.constant 0 : index
    tpu.barrier barrier_id(%barrier3A_10)
    %mul3A_11 = arith.constant 640 : i32
    %mul3A_12 = arith.muli %arg1, %mul3A_11 : i32
    %mul3A_13 = arith.constant 640 : i32
    %mul3A_14 = arith.muli %arg1, %mul3A_13 : i32
    "tpu.region"() ({
      %run_scoped3A = tpu.sem_alloc : memref<!tpu.dma_semaphore, #tpu.memory_space<semaphore_mem>>
      %dma_start3A = arith.constant 0 : i32
      %dma_start3A_15 = tpu.memref_slice %arg6[%arg0, %mul3A_14, %dma_start3A] : memref<2x10240x128xf32, #tpu.memory_space<hbm>> -> memref<1x640x128xf32, #tpu.memory_space<hbm>>
      %dma_start3A_16 = tpu.memref_squeeze %dma_start3A_15 : memref<1x640x128xf32, #tpu.memory_space<hbm>> -> memref<640x128xf32, #tpu.memory_space<hbm>>
      %dma_start3A_17 = arith.constant 0 : i32
      %dma_start3A_18 = tpu.memref_slice %arg10[%mul3A_12, %dma_start3A_17] : memref<10240x128xf32, #tpu.memory_space<vmem_shared>> -> memref<640x128xf32, #tpu.memory_space<vmem_shared>>
      tpu.enqueue_dma source(%dma_start3A_18 : memref<640x128xf32, #tpu.memory_space<vmem_shared>>) target(%dma_start3A_16 : memref<640x128xf32, #tpu.memory_space<hbm>>) target_semaphore(%run_scoped3A : memref<!tpu.dma_semaphore, #tpu.memory_space<semaphore_mem>>)
      %dma_wait3A = arith.constant 0 : i32
      %dma_wait3A_19 = tpu.memref_slice %arg6[%arg0, %mul3A_14, %dma_wait3A] : memref<2x10240x128xf32, #tpu.memory_space<hbm>> -> memref<1x640x128xf32, #tpu.memory_space<hbm>>
      %dma_wait3A_20 = tpu.memref_squeeze %dma_wait3A_19 : memref<1x640x128xf32, #tpu.memory_space<hbm>> -> memref<640x128xf32, #tpu.memory_space<hbm>>
      %dma_wait3A_21 = arith.constant 0 : i32
      %dma_wait3A_22 = tpu.memref_slice %arg10[%mul3A_12, %dma_wait3A_21] : memref<10240x128xf32, #tpu.memory_space<vmem_shared>> -> memref<640x128xf32, #tpu.memory_space<vmem_shared>>
      tpu.wait_dma2 semaphore(%run_scoped3A : memref<!tpu.dma_semaphore, #tpu.memory_space<semaphore_mem>>) src(%dma_wait3A_22 : memref<640x128xf32, #tpu.memory_space<vmem_shared>>) dst(%dma_wait3A_20 : memref<640x128xf32, #tpu.memory_space<hbm>>)
      tpu.yield
    }) : () -> ()
    return
  }
}

#map = affine_map<(d0, d1) -> (0, 0)>
#map1 = affine_map<(d0, d1) -> (0)>
#map2 = affine_map<(d0, d1) -> (0, 0, 0)>
module attributes {stable_mosaic.version = 14 : i64} {
  func.func @_edges_body(%arg0: i32, %arg1: i32, %arg2: memref<10000x128xf32, #tpu.memory_space<hbm>>, %arg3: memref<323584xi32, #tpu.memory_space<hbm>>, %arg4: memref<323584xi32, #tpu.memory_space<hbm>>, %arg5: memref<10240x128xf32, #tpu.memory_space<hbm>>, %arg6: memref<2x10240x128xf32, #tpu.memory_space<hbm>>, %arg7: memref<128xi32, #tpu.memory_space<vmem>>, %arg8: memref<128xi32, #tpu.memory_space<vmem>>, %arg9: memref<128x128xf32, #tpu.memory_space<vmem>>, %arg10: memref<10240x128xf32, #tpu.memory_space<vmem_shared>>, %arg11: memref<!tpu.dma_semaphore, #tpu.memory_space<semaphore_mem>>) attributes {dimension_semantics = [#tpu.dimension_semantics<core_parallel>, #tpu.dimension_semantics<subcore_parallel>], iteration_bounds = array<i64: 2, 16>, scalar_prefetch = 0 : i64, scratch_operands = 5 : i64, tpu.core_type = #tpu.core_type<sc_vector_subcore>, window_params = [{transform_indices = #map}, {transform_indices = #map1}, {transform_indices = #map1}, {transform_indices = #map}, {transform_indices = #map2}]} {
    %mul3A = arith.constant 16 : i32
    %mul3A_0 = arith.muli %arg0, %mul3A : i32
    %add3A = arith.addi %mul3A_0, %arg1 : i32
    %mul3A_1 = arith.constant 640 : i32
    %mul3A_2 = arith.muli %arg1, %mul3A_1 : i32
    %mul3A_3 = arith.constant 640 : i32
    %mul3A_4 = arith.muli %arg1, %mul3A_3 : i32
    "tpu.region"() ({
      %run_scoped3A = tpu.sem_alloc : memref<!tpu.dma_semaphore, #tpu.memory_space<semaphore_mem>>
      %dma_start3A = arith.constant 0 : i32
      %dma_start3A_15 = tpu.memref_slice %arg10[%mul3A_4, %dma_start3A] : memref<10240x128xf32, #tpu.memory_space<vmem_shared>> -> memref<640x128xf32, #tpu.memory_space<vmem_shared>>
      %dma_start3A_16 = arith.constant 0 : i32
      %dma_start3A_17 = tpu.memref_slice %arg5[%mul3A_2, %dma_start3A_16] : memref<10240x128xf32, #tpu.memory_space<hbm>> -> memref<640x128xf32, #tpu.memory_space<hbm>>
      tpu.enqueue_dma source(%dma_start3A_17 : memref<640x128xf32, #tpu.memory_space<hbm>>) target(%dma_start3A_15 : memref<640x128xf32, #tpu.memory_space<vmem_shared>>) target_semaphore(%run_scoped3A : memref<!tpu.dma_semaphore, #tpu.memory_space<semaphore_mem>>)
      %dma_wait3A = arith.constant 0 : i32
      %dma_wait3A_18 = tpu.memref_slice %arg10[%mul3A_4, %dma_wait3A] : memref<10240x128xf32, #tpu.memory_space<vmem_shared>> -> memref<640x128xf32, #tpu.memory_space<vmem_shared>>
      %dma_wait3A_19 = arith.constant 0 : i32
      %dma_wait3A_20 = tpu.memref_slice %arg5[%mul3A_2, %dma_wait3A_19] : memref<10240x128xf32, #tpu.memory_space<hbm>> -> memref<640x128xf32, #tpu.memory_space<hbm>>
      tpu.wait_dma2 semaphore(%run_scoped3A : memref<!tpu.dma_semaphore, #tpu.memory_space<semaphore_mem>>) src(%dma_wait3A_20 : memref<640x128xf32, #tpu.memory_space<hbm>>) dst(%dma_wait3A_18 : memref<640x128xf32, #tpu.memory_space<vmem_shared>>)
      tpu.yield
    }) : () -> ()
    %barrier3A = arith.constant 0 : index
    tpu.barrier barrier_id(%barrier3A)
    %scan3A = arith.constant 0 : i32
    %scan3A_5 = arith.constant 0 : i32
    %scan3A_6 = arith.constant 79 : i32
    %scan3A_7 = arith.addi %scan3A_5, %scan3A_6 : i32
    %scan3A_8 = arith.constant 1 : i32
    scf.for %scan3A_15 = %scan3A_5 to %scan3A_7 step %scan3A_8  : i32 {
      %mul3A_16 = arith.constant 10112 : i32
      %mul3A_17 = arith.muli %add3A, %mul3A_16 : i32
      %mul3A_18 = arith.constant 128 : i32
      %mul3A_19 = arith.muli %scan3A_15, %mul3A_18 : i32
      %add3A_20 = arith.addi %mul3A_17, %mul3A_19 : i32
      "tpu.region"() ({
        %run_scoped3A = tpu.sem_alloc : memref<!tpu.dma_semaphore, #tpu.memory_space<semaphore_mem>>
        %dma_start3A_25 = tpu.memref_slice %arg3[%add3A_20] : memref<323584xi32, #tpu.memory_space<hbm>> -> memref<128xi32, #tpu.memory_space<hbm>>
        %dma_start3A_26 = tpu.memref_slice %arg3[%add3A_20] : memref<323584xi32, #tpu.memory_space<hbm>> -> memref<128xi32, #tpu.memory_space<hbm>>
        tpu.enqueue_dma source(%dma_start3A_26 : memref<128xi32, #tpu.memory_space<hbm>>) target(%arg7 : memref<128xi32, #tpu.memory_space<vmem>>) target_semaphore(%run_scoped3A : memref<!tpu.dma_semaphore, #tpu.memory_space<semaphore_mem>>)
        %dma_wait3A_27 = tpu.memref_slice %arg3[%add3A_20] : memref<323584xi32, #tpu.memory_space<hbm>> -> memref<128xi32, #tpu.memory_space<hbm>>
        %dma_wait3A_28 = tpu.memref_slice %arg3[%add3A_20] : memref<323584xi32, #tpu.memory_space<hbm>> -> memref<128xi32, #tpu.memory_space<hbm>>
        tpu.wait_dma2 semaphore(%run_scoped3A : memref<!tpu.dma_semaphore, #tpu.memory_space<semaphore_mem>>) src(%dma_wait3A_28 : memref<128xi32, #tpu.memory_space<hbm>>) dst(%arg7 : memref<128xi32, #tpu.memory_space<vmem>>)
        tpu.yield
      }) : () -> ()
      "tpu.region"() ({
        %run_scoped3A = tpu.sem_alloc : memref<!tpu.dma_semaphore, #tpu.memory_space<semaphore_mem>>
        %dma_start3A_25 = tpu.memref_slice %arg4[%add3A_20] : memref<323584xi32, #tpu.memory_space<hbm>> -> memref<128xi32, #tpu.memory_space<hbm>>
        %dma_start3A_26 = tpu.memref_slice %arg4[%add3A_20] : memref<323584xi32, #tpu.memory_space<hbm>> -> memref<128xi32, #tpu.memory_space<hbm>>
        tpu.enqueue_dma source(%dma_start3A_26 : memref<128xi32, #tpu.memory_space<hbm>>) target(%arg8 : memref<128xi32, #tpu.memory_space<vmem>>) target_semaphore(%run_scoped3A : memref<!tpu.dma_semaphore, #tpu.memory_space<semaphore_mem>>)
        %dma_wait3A_27 = tpu.memref_slice %arg4[%add3A_20] : memref<323584xi32, #tpu.memory_space<hbm>> -> memref<128xi32, #tpu.memory_space<hbm>>
        %dma_wait3A_28 = tpu.memref_slice %arg4[%add3A_20] : memref<323584xi32, #tpu.memory_space<hbm>> -> memref<128xi32, #tpu.memory_space<hbm>>
        tpu.wait_dma2 semaphore(%run_scoped3A : memref<!tpu.dma_semaphore, #tpu.memory_space<semaphore_mem>>) src(%dma_wait3A_28 : memref<128xi32, #tpu.memory_space<hbm>>) dst(%arg8 : memref<128xi32, #tpu.memory_space<vmem>>)
        tpu.yield
      }) : () -> ()
      %dma_start3A = arith.constant 0 : i32
      %dma_start3A_21 = arith.constant 0 : i32
      %dma_start3A_22 = tpu.memref_slice %arg2[%dma_start3A, %dma_start3A_21] : memref<10000x128xf32, #tpu.memory_space<hbm>> -> memref<10000x128xf32, #tpu.memory_space<hbm>>
      tpu.enqueue_indirect_dma source(%dma_start3A_22 : memref<10000x128xf32, #tpu.memory_space<hbm>>) target(%arg9 : memref<128x128xf32, #tpu.memory_space<vmem>>) offsets(%arg7 : memref<128xi32, #tpu.memory_space<vmem>>) semaphore(%arg11 : memref<!tpu.dma_semaphore, #tpu.memory_space<semaphore_mem>>)
      %dma_wait3A = arith.constant 0 : i32
      %dma_wait3A_23 = arith.constant 0 : i32
      %dma_wait3A_24 = tpu.memref_slice %arg2[%dma_wait3A, %dma_wait3A_23] : memref<10000x128xf32, #tpu.memory_space<hbm>> -> memref<10000x128xf32, #tpu.memory_space<hbm>>
      tpu.wait_indirect_dma semaphore(%arg11 : memref<!tpu.dma_semaphore, #tpu.memory_space<semaphore_mem>>) src(%dma_wait3A_24 : memref<10000x128xf32, #tpu.memory_space<hbm>>) dst(%arg9 : memref<128x128xf32, #tpu.memory_space<vmem>>)
      "tpu.region"() ({
        %run_scoped3A = tpu.sem_alloc : memref<!tpu.dma_semaphore, #tpu.memory_space<semaphore_mem>>
        %dma_start3A_25 = arith.constant 0 : i32
        %dma_start3A_26 = arith.constant 0 : i32
        %dma_start3A_27 = tpu.memref_slice %arg10[%dma_start3A_25, %dma_start3A_26] : memref<10240x128xf32, #tpu.memory_space<vmem_shared>> -> memref<10240x128xf32, #tpu.memory_space<vmem_shared>>
        tpu.enqueue_indirect_dma source(%arg9 : memref<128x128xf32, #tpu.memory_space<vmem>>) target(%dma_start3A_27 : memref<10240x128xf32, #tpu.memory_space<vmem_shared>>) offsets(%arg8 : memref<128xi32, #tpu.memory_space<vmem>>) semaphore(%run_scoped3A : memref<!tpu.dma_semaphore, #tpu.memory_space<semaphore_mem>>) {add = true}
        %dma_wait3A_28 = arith.constant 0 : i32
        %dma_wait3A_29 = arith.constant 0 : i32
        %dma_wait3A_30 = tpu.memref_slice %arg10[%dma_wait3A_28, %dma_wait3A_29] : memref<10240x128xf32, #tpu.memory_space<vmem_shared>> -> memref<10240x128xf32, #tpu.memory_space<vmem_shared>>
        tpu.wait_indirect_dma semaphore(%run_scoped3A : memref<!tpu.dma_semaphore, #tpu.memory_space<semaphore_mem>>) src(%arg9 : memref<128x128xf32, #tpu.memory_space<vmem>>) dst(%dma_wait3A_30 : memref<10240x128xf32, #tpu.memory_space<vmem_shared>>)
        tpu.yield
      }) : () -> ()
    }
    %scan3A_9 = arith.constant 79 : i32
    %barrier3A_10 = arith.constant 0 : index
    tpu.barrier barrier_id(%barrier3A_10)
    %mul3A_11 = arith.constant 640 : i32
    %mul3A_12 = arith.muli %arg1, %mul3A_11 : i32
    %mul3A_13 = arith.constant 640 : i32
    %mul3A_14 = arith.muli %arg1, %mul3A_13 : i32
    "tpu.region"() ({
      %run_scoped3A = tpu.sem_alloc : memref<!tpu.dma_semaphore, #tpu.memory_space<semaphore_mem>>
      %dma_start3A = arith.constant 0 : i32
      %dma_start3A_15 = tpu.memref_slice %arg6[%arg0, %mul3A_14, %dma_start3A] : memref<2x10240x128xf32, #tpu.memory_space<hbm>> -> memref<1x640x128xf32, #tpu.memory_space<hbm>>
      %dma_start3A_16 = tpu.memref_squeeze %dma_start3A_15 : memref<1x640x128xf32, #tpu.memory_space<hbm>> -> memref<640x128xf32, #tpu.memory_space<hbm>>
      %dma_start3A_17 = arith.constant 0 : i32
      %dma_start3A_18 = tpu.memref_slice %arg10[%mul3A_12, %dma_start3A_17] : memref<10240x128xf32, #tpu.memory_space<vmem_shared>> -> memref<640x128xf32, #tpu.memory_space<vmem_shared>>
      tpu.enqueue_dma source(%dma_start3A_18 : memref<640x128xf32, #tpu.memory_space<vmem_shared>>) target(%dma_start3A_16 : memref<640x128xf32, #tpu.memory_space<hbm>>) target_semaphore(%run_scoped3A : memref<!tpu.dma_semaphore, #tpu.memory_space<semaphore_mem>>)
      %dma_wait3A = arith.constant 0 : i32
      %dma_wait3A_19 = tpu.memref_slice %arg6[%arg0, %mul3A_14, %dma_wait3A] : memref<2x10240x128xf32, #tpu.memory_space<hbm>> -> memref<1x640x128xf32, #tpu.memory_space<hbm>>
      %dma_wait3A_20 = tpu.memref_squeeze %dma_wait3A_19 : memref<1x640x128xf32, #tpu.memory_space<hbm>> -> memref<640x128xf32, #tpu.memory_space<hbm>>
      %dma_wait3A_21 = arith.constant 0 : i32
      %dma_wait3A_22 = tpu.memref_slice %arg10[%mul3A_12, %dma_wait3A_21] : memref<10240x128xf32, #tpu.memory_space<vmem_shared>> -> memref<640x128xf32, #tpu.memory_space<vmem_shared>>
      tpu.wait_dma2 semaphore(%run_scoped3A : memref<!tpu.dma_semaphore, #tpu.memory_space<semaphore_mem>>) src(%dma_wait3A_22 : memref<640x128xf32, #tpu.memory_space<vmem_shared>>) dst(%dma_wait3A_20 : memref<640x128xf32, #tpu.memory_space<hbm>>)
      tpu.yield
    }) : () -> ()
    return
  }
}

module attributes {stable_mosaic.version = 14 : i64} {
  func.func @_hp_body(%arg0: i32, %arg1: memref<1000x1xf32, #tpu.memory_space<vmem>>, %arg2: memref<1000x1xf32, #tpu.memory_space<vmem>>, %arg3: memref<1000x128xf32, #tpu.memory_space<vmem>>, %arg4: memref<128x128xf32, #tpu.memory_space<vmem>>, %arg5: memref<1000x128xf32, #tpu.memory_space<vmem>>) attributes {dimension_semantics = [#tpu.dimension_semantics<arbitrary>], iteration_bounds = array<i64: 10>, scalar_prefetch = 0 : i64, scratch_operands = 0 : i64, tpu.core_type = #tpu.core_type<tc>, window_params = [{transform_indices = @transform_0, window_bounds = array<i64: 1000, 1>}, {transform_indices = @transform_1, window_bounds = array<i64: 1000, 1>}, {transform_indices = @transform_2, window_bounds = array<i64: 1000, 128>}, {pipeline_mode = #tpu.pipeline_mode<synchronous>, transform_indices = @transform_3, window_bounds = array<i64: 128, 128>}, {transform_indices = @transform_4, window_bounds = array<i64: 1000, 128>}]} {
    %get3A = arith.constant 0 : index
    %get3A_0 = arith.constant 0 : index
    %get3A_1 = vector.load %arg3[%get3A, %get3A_0] : memref<1000x128xf32, #tpu.memory_space<vmem>>, vector<1000x128xf32>
    %get3A_2 = arith.constant 0 : index
    %get3A_3 = arith.constant 0 : index
    %get3A_4 = vector.load %arg4[%get3A_2, %get3A_3] : memref<128x128xf32, #tpu.memory_space<vmem>>, vector<128x128xf32>
    %dot_general3A = arith.constant dense<0.000000e+00> : vector<1000x128xf32>
    %dot_general3A_5 = tpu.matmul %get3A_1, %get3A_4, %dot_general3A {dimension_numbers = #tpu.dot_dimension_numbers<[1], [0], [0], [1], [0, 0, 1, 1], [], []>, transpose_lhs_hint = false} : vector<1000x128xf32>, vector<128x128xf32>, vector<1000x128xf32> -> vector<1000x128xf32>
    %get3A_6 = arith.constant 0 : index
    %get3A_7 = arith.constant 0 : index
    %get3A_8 = vector.load %arg1[%get3A_6, %get3A_7] : memref<1000x1xf32, #tpu.memory_space<vmem>>, vector<1000x1xf32>
    %add3A = arith.constant 1.000000e+00 : f32
    %add3A_9 = vector.broadcast %add3A : f32 to vector<1000x1xf32>
    %add3A_10 = arith.addf %add3A_9, %get3A_8 : vector<1000x1xf32>
    %get3A_11 = arith.constant 0 : index
    %get3A_12 = arith.constant 0 : index
    %get3A_13 = vector.load %arg2[%get3A_11, %get3A_12] : memref<1000x1xf32, #tpu.memory_space<vmem>>, vector<1000x1xf32>
    %add3A_14 = arith.addf %add3A_10, %get3A_13 : vector<1000x1xf32>
    %rsqrt3A = math.rsqrt %add3A_14 : vector<1000x1xf32>
    %mul3A = vector.broadcast %rsqrt3A : vector<1000x1xf32> to vector<1000x128xf32>
    %mul3A_15 = arith.mulf %mul3A, %dot_general3A_5 : vector<1000x128xf32>
    %swap3A = arith.constant 0 : index
    %swap3A_16 = arith.constant 0 : index
    %swap3A_17 = vector.load %arg5[%swap3A, %swap3A_16] : memref<1000x128xf32, #tpu.memory_space<vmem>>, vector<1000x128xf32>
    tpu.vector_store %arg5[%swap3A, %swap3A_16], %mul3A_15 {strides = array<i32>} : memref<1000x128xf32, #tpu.memory_space<vmem>>, vector<1000x128xf32>,
    return
  }
  func.func @transform_0(%arg0: i32) -> (i32, i32) {
    %c0_i32 = arith.constant 0 : i32
    %c0_i32_0 = arith.constant 0 : i32
    return %arg0, %c0_i32 : i32, i32
  }
  func.func @transform_1(%arg0: i32) -> (i32, i32) {
    %c0_i32 = arith.constant 0 : i32
    %c0_i32_0 = arith.constant 0 : i32
    return %arg0, %c0_i32 : i32, i32
  }
  func.func @transform_2(%arg0: i32) -> (i32, i32) {
    %c0_i32 = arith.constant 0 : i32
    %c0_i32_0 = arith.constant 0 : i32
    return %arg0, %c0_i32 : i32, i32
  }
  func.func @transform_3(%arg0: i32) -> (i32, i32) {
    %c0_i32 = arith.constant 0 : i32
    %c0_i32_0 = arith.constant 0 : i32
    %c0_i32_1 = arith.constant 0 : i32
    return %c0_i32, %c0_i32_0 : i32, i32
  }
  func.func @transform_4(%arg0: i32) -> (i32, i32) {
    %c0_i32 = arith.constant 0 : i32
    %c0_i32_0 = arith.constant 0 : i32
    return %arg0, %c0_i32 : i32, i32
  }
}

module attributes {stable_mosaic.version = 14 : i64} {
  func.func @_epi_body(%arg0: i32, %arg1: memref<1000x128xf32, #tpu.memory_space<vmem>>, %arg2: memref<1x1000x128xf32, #tpu.memory_space<vmem>>, %arg3: memref<1x1000x128xf32, #tpu.memory_space<vmem>>, %arg4: memref<1000x128xf32, #tpu.memory_space<vmem>>, %arg5: memref<1000x1xf32, #tpu.memory_space<vmem>>, %arg6: memref<1000x1xf32, #tpu.memory_space<vmem>>, %arg7: memref<1x128xf32, #tpu.memory_space<vmem>>, %arg8: memref<1000x128xf32, #tpu.memory_space<vmem>>) attributes {dimension_semantics = [#tpu.dimension_semantics<arbitrary>], iteration_bounds = array<i64: 10>, scalar_prefetch = 0 : i64, scratch_operands = 0 : i64, tpu.core_type = #tpu.core_type<tc>, window_params = [{transform_indices = @transform_0, window_bounds = array<i64: 1000, 128>}, {transform_indices = @transform_1, window_bounds = array<i64: 1, 1000, 128>}, {transform_indices = @transform_2, window_bounds = array<i64: 1, 1000, 128>}, {transform_indices = @transform_3, window_bounds = array<i64: 1000, 128>}, {transform_indices = @transform_4, window_bounds = array<i64: 1000, 1>}, {transform_indices = @transform_5, window_bounds = array<i64: 1000, 1>}, {pipeline_mode = #tpu.pipeline_mode<synchronous>, transform_indices = @transform_6, window_bounds = array<i64: 1, 128>}, {transform_indices = @transform_7, window_bounds = array<i64: 1000, 128>}]} {
    %get3A = arith.constant 0 : index
    %get3A_0 = arith.constant 0 : index
    %get3A_1 = vector.load %arg5[%get3A, %get3A_0] : memref<1000x1xf32, #tpu.memory_space<vmem>>, vector<1000x1xf32>
    %add3A = arith.constant 1.000000e+00 : f32
    %add3A_2 = vector.broadcast %add3A : f32 to vector<1000x1xf32>
    %add3A_3 = arith.addf %add3A_2, %get3A_1 : vector<1000x1xf32>
    %get3A_4 = arith.constant 0 : index
    %get3A_5 = arith.constant 0 : index
    %get3A_6 = vector.load %arg6[%get3A_4, %get3A_5] : memref<1000x1xf32, #tpu.memory_space<vmem>>, vector<1000x1xf32>
    %add3A_7 = arith.addf %add3A_3, %get3A_6 : vector<1000x1xf32>
    %rsqrt3A = math.rsqrt %add3A_7 : vector<1000x1xf32>
    %get3A_8 = arith.constant 0 : index
    %get3A_9 = arith.constant 0 : index
    %get3A_10 = arith.constant 0 : index
    %get3A_11 = vector.load %arg2[%get3A_8, %get3A_9, %get3A_10] : memref<1x1000x128xf32, #tpu.memory_space<vmem>>, vector<1x1000x128xf32>
    %get3A_12 = vector.shape_cast %get3A_11 : vector<1x1000x128xf32> to vector<1000x128xf32>
    %get3A_13 = arith.constant 0 : index
    %get3A_14 = arith.constant 0 : index
    %get3A_15 = arith.constant 0 : index
    %get3A_16 = vector.load %arg3[%get3A_13, %get3A_14, %get3A_15] : memref<1x1000x128xf32, #tpu.memory_space<vmem>>, vector<1x1000x128xf32>
    %get3A_17 = vector.shape_cast %get3A_16 : vector<1x1000x128xf32> to vector<1000x128xf32>
    %add3A_18 = arith.addf %get3A_12, %get3A_17 : vector<1000x128xf32>
    %get3A_19 = arith.constant 0 : index
    %get3A_20 = arith.constant 0 : index
    %get3A_21 = vector.load %arg4[%get3A_19, %get3A_20] : memref<1000x128xf32, #tpu.memory_space<vmem>>, vector<1000x128xf32>
    %add3A_22 = arith.addf %add3A_18, %get3A_21 : vector<1000x128xf32>
    %mul3A = vector.broadcast %rsqrt3A : vector<1000x1xf32> to vector<1000x128xf32>
    %mul3A_23 = arith.mulf %mul3A, %add3A_22 : vector<1000x128xf32>
    %get3A_24 = arith.constant 0 : index
    %get3A_25 = arith.constant 0 : index
    %get3A_26 = vector.load %arg7[%get3A_24, %get3A_25] : memref<1x128xf32, #tpu.memory_space<vmem>>, vector<1x128xf32>
    %add3A_27 = vector.broadcast %get3A_26 : vector<1x128xf32> to vector<1000x128xf32>
    %add3A_28 = arith.addf %mul3A_23, %add3A_27 : vector<1000x128xf32>
    %get3A_29 = arith.constant 0 : index
    %get3A_30 = arith.constant 0 : index
    %get3A_31 = vector.load %arg1[%get3A_29, %get3A_30] : memref<1000x128xf32, #tpu.memory_space<vmem>>, vector<1000x128xf32>
    %add3A_32 = arith.addf %get3A_31, %add3A_28 : vector<1000x128xf32>
    %max3A = arith.constant 0.000000e+00 : f32
    %max3A_33 = vector.broadcast %max3A : f32 to vector<1000x128xf32>
    %max3A_34 = arith.maximumf %add3A_32, %max3A_33 : vector<1000x128xf32>
    %swap3A = arith.constant 0 : index
    %swap3A_35 = arith.constant 0 : index
    %swap3A_36 = vector.load %arg8[%swap3A, %swap3A_35] : memref<1000x128xf32, #tpu.memory_space<vmem>>, vector<1000x128xf32>
    tpu.vector_store %arg8[%swap3A, %swap3A_35], %max3A_34 {strides = array<i32>} : memref<1000x128xf32, #tpu.memory_space<vmem>>, vector<1000x128xf32>,
    return
  }
  func.func @transform_0(%arg0: i32) -> (i32, i32) {
    %c0_i32 = arith.constant 0 : i32
    %c0_i32_0 = arith.constant 0 : i32
    return %arg0, %c0_i32 : i32, i32
  }
  func.func @transform_1(%arg0: i32) -> (i32, i32, i32) {
    %c0_i32 = arith.constant 0 : i32
    %c0_i32_0 = arith.constant 0 : i32
    %c0_i32_1 = arith.constant 0 : i32
    return %c0_i32, %arg0, %c0_i32_0 : i32, i32, i32
  }
  func.func @transform_2(%arg0: i32) -> (i32, i32, i32) {
    %c1_i32 = arith.constant 1 : i32
    %c0_i32 = arith.constant 0 : i32
    %c0_i32_0 = arith.constant 0 : i32
    return %c1_i32, %arg0, %c0_i32 : i32, i32, i32
  }
  func.func @transform_3(%arg0: i32) -> (i32, i32) {
    %c0_i32 = arith.constant 0 : i32
    %c0_i32_0 = arith.constant 0 : i32
    return %arg0, %c0_i32 : i32, i32
  }
  func.func @transform_4(%arg0: i32) -> (i32, i32) {
    %c0_i32 = arith.constant 0 : i32
    %c0_i32_0 = arith.constant 0 : i32
    return %arg0, %c0_i32 : i32, i32
  }
  func.func @transform_5(%arg0: i32) -> (i32, i32) {
    %c0_i32 = arith.constant 0 : i32
    %c0_i32_0 = arith.constant 0 : i32
    return %arg0, %c0_i32 : i32, i32
  }
  func.func @transform_6(%arg0: i32) -> (i32, i32) {
    %c0_i32 = arith.constant 0 : i32
    %c0_i32_0 = arith.constant 0 : i32
    %c0_i32_1 = arith.constant 0 : i32
    return %c0_i32, %c0_i32_0 : i32, i32
  }
  func.func @transform_7(%arg0: i32) -> (i32, i32) {
    %c0_i32 = arith.constant 0 : i32
    %c0_i32_0 = arith.constant 0 : i32
    return %arg0, %c0_i32 : i32, i32
  }
}

module attributes {stable_mosaic.version = 14 : i64} {
  func.func @_hp_body(%arg0: i32, %arg1: memref<1000x1xf32, #tpu.memory_space<vmem>>, %arg2: memref<1000x1xf32, #tpu.memory_space<vmem>>, %arg3: memref<1000x128xf32, #tpu.memory_space<vmem>>, %arg4: memref<1000x128xf32, #tpu.memory_space<vmem>>, %arg5: memref<128x128xf32, #tpu.memory_space<vmem>>, %arg6: memref<128x128xf32, #tpu.memory_space<vmem>>, %arg7: memref<1000x128xf32, #tpu.memory_space<vmem>>) attributes {dimension_semantics = [#tpu.dimension_semantics<arbitrary>], iteration_bounds = array<i64: 10>, scalar_prefetch = 0 : i64, scratch_operands = 0 : i64, tpu.core_type = #tpu.core_type<tc>, window_params = [{transform_indices = @transform_0, window_bounds = array<i64: 1000, 1>}, {transform_indices = @transform_1, window_bounds = array<i64: 1000, 1>}, {transform_indices = @transform_2, window_bounds = array<i64: 1000, 128>}, {transform_indices = @transform_3, window_bounds = array<i64: 1000, 128>}, {pipeline_mode = #tpu.pipeline_mode<synchronous>, transform_indices = @transform_4, window_bounds = array<i64: 128, 128>}, {pipeline_mode = #tpu.pipeline_mode<synchronous>, transform_indices = @transform_5, window_bounds = array<i64: 128, 128>}, {transform_indices = @transform_6, window_bounds = array<i64: 1000, 128>}]} {
    %get3A = arith.constant 0 : index
    %get3A_0 = arith.constant 0 : index
    %get3A_1 = vector.load %arg3[%get3A, %get3A_0] : memref<1000x128xf32, #tpu.memory_space<vmem>>, vector<1000x128xf32>
    %get3A_2 = arith.constant 0 : index
    %get3A_3 = arith.constant 0 : index
    %get3A_4 = vector.load %arg5[%get3A_2, %get3A_3] : memref<128x128xf32, #tpu.memory_space<vmem>>, vector<128x128xf32>
    %dot_general3A = arith.constant dense<0.000000e+00> : vector<1000x128xf32>
    %dot_general3A_5 = tpu.matmul %get3A_1, %get3A_4, %dot_general3A {dimension_numbers = #tpu.dot_dimension_numbers<[1], [0], [0], [1], [0, 0, 1, 1], [], []>, transpose_lhs_hint = false} : vector<1000x128xf32>, vector<128x128xf32>, vector<1000x128xf32> -> vector<1000x128xf32>
    %get3A_6 = arith.constant 0 : index
    %get3A_7 = arith.constant 0 : index
    %get3A_8 = vector.load %arg4[%get3A_6, %get3A_7] : memref<1000x128xf32, #tpu.memory_space<vmem>>, vector<1000x128xf32>
    %get3A_9 = arith.constant 0 : index
    %get3A_10 = arith.constant 0 : index
    %get3A_11 = vector.load %arg6[%get3A_9, %get3A_10] : memref<128x128xf32, #tpu.memory_space<vmem>>, vector<128x128xf32>
    %dot_general3A_12 = arith.constant dense<0.000000e+00> : vector<1000x128xf32>
    %dot_general3A_13 = tpu.matmul %get3A_8, %get3A_11, %dot_general3A_12 {dimension_numbers = #tpu.dot_dimension_numbers<[1], [0], [0], [1], [0, 0, 1, 1], [], []>, transpose_lhs_hint = false} : vector<1000x128xf32>, vector<128x128xf32>, vector<1000x128xf32> -> vector<1000x128xf32>
    %add3A = arith.addf %dot_general3A_5, %dot_general3A_13 : vector<1000x128xf32>
    %get3A_14 = arith.constant 0 : index
    %get3A_15 = arith.constant 0 : index
    %get3A_16 = vector.load %arg1[%get3A_14, %get3A_15] : memref<1000x1xf32, #tpu.memory_space<vmem>>, vector<1000x1xf32>
    %add3A_17 = arith.constant 1.000000e+00 : f32
    %add3A_18 = vector.broadcast %add3A_17 : f32 to vector<1000x1xf32>
    %add3A_19 = arith.addf %add3A_18, %get3A_16 : vector<1000x1xf32>
    %get3A_20 = arith.constant 0 : index
    %get3A_21 = arith.constant 0 : index
    %get3A_22 = vector.load %arg2[%get3A_20, %get3A_21] : memref<1000x1xf32, #tpu.memory_space<vmem>>, vector<1000x1xf32>
    %add3A_23 = arith.addf %add3A_19, %get3A_22 : vector<1000x1xf32>
    %rsqrt3A = math.rsqrt %add3A_23 : vector<1000x1xf32>
    %mul3A = vector.broadcast %rsqrt3A : vector<1000x1xf32> to vector<1000x128xf32>
    %mul3A_24 = arith.mulf %mul3A, %add3A : vector<1000x128xf32>
    %swap3A = arith.constant 0 : index
    %swap3A_25 = arith.constant 0 : index
    %swap3A_26 = vector.load %arg7[%swap3A, %swap3A_25] : memref<1000x128xf32, #tpu.memory_space<vmem>>, vector<1000x128xf32>
    tpu.vector_store %arg7[%swap3A, %swap3A_25], %mul3A_24 {strides = array<i32>} : memref<1000x128xf32, #tpu.memory_space<vmem>>, vector<1000x128xf32>,
    return
  }
  func.func @transform_0(%arg0: i32) -> (i32, i32) {
    %c0_i32 = arith.constant 0 : i32
    %c0_i32_0 = arith.constant 0 : i32
    return %arg0, %c0_i32 : i32, i32
  }
  func.func @transform_1(%arg0: i32) -> (i32, i32) {
    %c0_i32 = arith.constant 0 : i32
    %c0_i32_0 = arith.constant 0 : i32
    return %arg0, %c0_i32 : i32, i32
  }
  func.func @transform_2(%arg0: i32) -> (i32, i32) {
    %c0_i32 = arith.constant 0 : i32
    %c0_i32_0 = arith.constant 0 : i32
    return %arg0, %c0_i32 : i32, i32
  }
  func.func @transform_3(%arg0: i32) -> (i32, i32) {
    %c0_i32 = arith.constant 0 : i32
    %c0_i32_0 = arith.constant 0 : i32
    return %arg0, %c0_i32 : i32, i32
  }
  func.func @transform_4(%arg0: i32) -> (i32, i32) {
    %c0_i32 = arith.constant 0 : i32
    %c0_i32_0 = arith.constant 0 : i32
    %c0_i32_1 = arith.constant 0 : i32
    return %c0_i32, %c0_i32_0 : i32, i32
  }
  func.func @transform_5(%arg0: i32) -> (i32, i32) {
    %c0_i32 = arith.constant 0 : i32
    %c0_i32_0 = arith.constant 0 : i32
    %c0_i32_1 = arith.constant 0 : i32
    return %c0_i32, %c0_i32_0 : i32, i32
  }
  func.func @transform_6(%arg0: i32) -> (i32, i32) {
    %c0_i32 = arith.constant 0 : i32
    %c0_i32_0 = arith.constant 0 : i32
    return %arg0, %c0_i32 : i32, i32
  }
}

module attributes {stable_mosaic.version = 14 : i64} {
  func.func @_hp_body(%arg0: i32, %arg1: memref<1000x1xf32, #tpu.memory_space<vmem>>, %arg2: memref<1000x1xf32, #tpu.memory_space<vmem>>, %arg3: memref<1000x128xf32, #tpu.memory_space<vmem>>, %arg4: memref<1000x128xf32, #tpu.memory_space<vmem>>, %arg5: memref<1000x128xf32, #tpu.memory_space<vmem>>, %arg6: memref<128x128xf32, #tpu.memory_space<vmem>>, %arg7: memref<128x128xf32, #tpu.memory_space<vmem>>, %arg8: memref<128x128xf32, #tpu.memory_space<vmem>>, %arg9: memref<1000x128xf32, #tpu.memory_space<vmem>>) attributes {dimension_semantics = [#tpu.dimension_semantics<arbitrary>], iteration_bounds = array<i64: 10>, scalar_prefetch = 0 : i64, scratch_operands = 0 : i64, tpu.core_type = #tpu.core_type<tc>, window_params = [{transform_indices = @transform_0, window_bounds = array<i64: 1000, 1>}, {transform_indices = @transform_1, window_bounds = array<i64: 1000, 1>}, {transform_indices = @transform_2, window_bounds = array<i64: 1000, 128>}, {transform_indices = @transform_3, window_bounds = array<i64: 1000, 128>}, {transform_indices = @transform_4, window_bounds = array<i64: 1000, 128>}, {pipeline_mode = #tpu.pipeline_mode<synchronous>, transform_indices = @transform_5, window_bounds = array<i64: 128, 128>}, {pipeline_mode = #tpu.pipeline_mode<synchronous>, transform_indices = @transform_6, window_bounds = array<i64: 128, 128>}, {pipeline_mode = #tpu.pipeline_mode<synchronous>, transform_indices = @transform_7, window_bounds = array<i64: 128, 128>}, {transform_indices = @transform_8, window_bounds = array<i64: 1000, 128>}]} {
    %get3A = arith.constant 0 : index
    %get3A_0 = arith.constant 0 : index
    %get3A_1 = vector.load %arg3[%get3A, %get3A_0] : memref<1000x128xf32, #tpu.memory_space<vmem>>, vector<1000x128xf32>
    %get3A_2 = arith.constant 0 : index
    %get3A_3 = arith.constant 0 : index
    %get3A_4 = vector.load %arg6[%get3A_2, %get3A_3] : memref<128x128xf32, #tpu.memory_space<vmem>>, vector<128x128xf32>
    %dot_general3A = arith.constant dense<0.000000e+00> : vector<1000x128xf32>
    %dot_general3A_5 = tpu.matmul %get3A_1, %get3A_4, %dot_general3A {dimension_numbers = #tpu.dot_dimension_numbers<[1], [0], [0], [1], [0, 0, 1, 1], [], []>, transpose_lhs_hint = false} : vector<1000x128xf32>, vector<128x128xf32>, vector<1000x128xf32> -> vector<1000x128xf32>
    %get3A_6 = arith.constant 0 : index
    %get3A_7 = arith.constant 0 : index
    %get3A_8 = vector.load %arg4[%get3A_6, %get3A_7] : memref<1000x128xf32, #tpu.memory_space<vmem>>, vector<1000x128xf32>
    %get3A_9 = arith.constant 0 : index
    %get3A_10 = arith.constant 0 : index
    %get3A_11 = vector.load %arg7[%get3A_9, %get3A_10] : memref<128x128xf32, #tpu.memory_space<vmem>>, vector<128x128xf32>
    %dot_general3A_12 = arith.constant dense<0.000000e+00> : vector<1000x128xf32>
    %dot_general3A_13 = tpu.matmul %get3A_8, %get3A_11, %dot_general3A_12 {dimension_numbers = #tpu.dot_dimension_numbers<[1], [0], [0], [1], [0, 0, 1, 1], [], []>, transpose_lhs_hint = false} : vector<1000x128xf32>, vector<128x128xf32>, vector<1000x128xf32> -> vector<1000x128xf32>
    %add3A = arith.addf %dot_general3A_5, %dot_general3A_13 : vector<1000x128xf32>
    %get3A_14 = arith.constant 0 : index
    %get3A_15 = arith.constant 0 : index
    %get3A_16 = vector.load %arg5[%get3A_14, %get3A_15] : memref<1000x128xf32, #tpu.memory_space<vmem>>, vector<1000x128xf32>
    %get3A_17 = arith.constant 0 : index
    %get3A_18 = arith.constant 0 : index
    %get3A_19 = vector.load %arg8[%get3A_17, %get3A_18] : memref<128x128xf32, #tpu.memory_space<vmem>>, vector<128x128xf32>
    %dot_general3A_20 = arith.constant dense<0.000000e+00> : vector<1000x128xf32>
    %dot_general3A_21 = tpu.matmul %get3A_16, %get3A_19, %dot_general3A_20 {dimension_numbers = #tpu.dot_dimension_numbers<[1], [0], [0], [1], [0, 0, 1, 1], [], []>, transpose_lhs_hint = false} : vector<1000x128xf32>, vector<128x128xf32>, vector<1000x128xf32> -> vector<1000x128xf32>
    %add3A_22 = arith.addf %add3A, %dot_general3A_21 : vector<1000x128xf32>
    %get3A_23 = arith.constant 0 : index
    %get3A_24 = arith.constant 0 : index
    %get3A_25 = vector.load %arg1[%get3A_23, %get3A_24] : memref<1000x1xf32, #tpu.memory_space<vmem>>, vector<1000x1xf32>
    %add3A_26 = arith.constant 1.000000e+00 : f32
    %add3A_27 = vector.broadcast %add3A_26 : f32 to vector<1000x1xf32>
    %add3A_28 = arith.addf %add3A_27, %get3A_25 : vector<1000x1xf32>
    %get3A_29 = arith.constant 0 : index
    %get3A_30 = arith.constant 0 : index
    %get3A_31 = vector.load %arg2[%get3A_29, %get3A_30] : memref<1000x1xf32, #tpu.memory_space<vmem>>, vector<1000x1xf32>
    %add3A_32 = arith.addf %add3A_28, %get3A_31 : vector<1000x1xf32>
    %rsqrt3A = math.rsqrt %add3A_32 : vector<1000x1xf32>
    %mul3A = vector.broadcast %rsqrt3A : vector<1000x1xf32> to vector<1000x128xf32>
    %mul3A_33 = arith.mulf %mul3A, %add3A_22 : vector<1000x128xf32>
    %swap3A = arith.constant 0 : index
    %swap3A_34 = arith.constant 0 : index
    %swap3A_35 = vector.load %arg9[%swap3A, %swap3A_34] : memref<1000x128xf32, #tpu.memory_space<vmem>>, vector<1000x128xf32>
    tpu.vector_store %arg9[%swap3A, %swap3A_34], %mul3A_33 {strides = array<i32>} : memref<1000x128xf32, #tpu.memory_space<vmem>>, vector<1000x128xf32>,
    return
  }
  func.func @transform_0(%arg0: i32) -> (i32, i32) {
    %c0_i32 = arith.constant 0 : i32
    %c0_i32_0 = arith.constant 0 : i32
    return %arg0, %c0_i32 : i32, i32
  }
  func.func @transform_1(%arg0: i32) -> (i32, i32) {
    %c0_i32 = arith.constant 0 : i32
    %c0_i32_0 = arith.constant 0 : i32
    return %arg0, %c0_i32 : i32, i32
  }
  func.func @transform_2(%arg0: i32) -> (i32, i32) {
    %c0_i32 = arith.constant 0 : i32
    %c0_i32_0 = arith.constant 0 : i32
    return %arg0, %c0_i32 : i32, i32
  }
  func.func @transform_3(%arg0: i32) -> (i32, i32) {
    %c0_i32 = arith.constant 0 : i32
    %c0_i32_0 = arith.constant 0 : i32
    return %arg0, %c0_i32 : i32, i32
  }
  func.func @transform_4(%arg0: i32) -> (i32, i32) {
    %c0_i32 = arith.constant 0 : i32
    %c0_i32_0 = arith.constant 0 : i32
    return %arg0, %c0_i32 : i32, i32
  }
  func.func @transform_5(%arg0: i32) -> (i32, i32) {
    %c0_i32 = arith.constant 0 : i32
    %c0_i32_0 = arith.constant 0 : i32
    %c0_i32_1 = arith.constant 0 : i32
    return %c0_i32, %c0_i32_0 : i32, i32
  }
  func.func @transform_6(%arg0: i32) -> (i32, i32) {
    %c0_i32 = arith.constant 0 : i32
    %c0_i32_0 = arith.constant 0 : i32
    %c0_i32_1 = arith.constant 0 : i32
    return %c0_i32, %c0_i32_0 : i32, i32
  }
  func.func @transform_7(%arg0: i32) -> (i32, i32) {
    %c0_i32 = arith.constant 0 : i32
    %c0_i32_0 = arith.constant 0 : i32
    %c0_i32_1 = arith.constant 0 : i32
    return %c0_i32, %c0_i32_0 : i32, i32
  }
  func.func @transform_8(%arg0: i32) -> (i32, i32) {
    %c0_i32 = arith.constant 0 : i32
    %c0_i32_0 = arith.constant 0 : i32
    return %arg0, %c0_i32 : i32, i32
  }
}

module attributes {stable_mosaic.version = 14 : i64} {
  func.func @_hp_body(%arg0: i32, %arg1: memref<1000x1xf32, #tpu.memory_space<vmem>>, %arg2: memref<1000x1xf32, #tpu.memory_space<vmem>>, %arg3: memref<1000x128xf32, #tpu.memory_space<vmem>>, %arg4: memref<1000x128xf32, #tpu.memory_space<vmem>>, %arg5: memref<1000x128xf32, #tpu.memory_space<vmem>>, %arg6: memref<1000x128xf32, #tpu.memory_space<vmem>>, %arg7: memref<128x128xf32, #tpu.memory_space<vmem>>, %arg8: memref<128x128xf32, #tpu.memory_space<vmem>>, %arg9: memref<128x128xf32, #tpu.memory_space<vmem>>, %arg10: memref<128x128xf32, #tpu.memory_space<vmem>>, %arg11: memref<1000x128xf32, #tpu.memory_space<vmem>>) attributes {dimension_semantics = [#tpu.dimension_semantics<arbitrary>], iteration_bounds = array<i64: 10>, scalar_prefetch = 0 : i64, scratch_operands = 0 : i64, tpu.core_type = #tpu.core_type<tc>, window_params = [{transform_indices = @transform_0, window_bounds = array<i64: 1000, 1>}, {transform_indices = @transform_1, window_bounds = array<i64: 1000, 1>}, {transform_indices = @transform_2, window_bounds = array<i64: 1000, 128>}, {transform_indices = @transform_3, window_bounds = array<i64: 1000, 128>}, {transform_indices = @transform_4, window_bounds = array<i64: 1000, 128>}, {transform_indices = @transform_5, window_bounds = array<i64: 1000, 128>}, {pipeline_mode = #tpu.pipeline_mode<synchronous>, transform_indices = @transform_6, window_bounds = array<i64: 128, 128>}, {pipeline_mode = #tpu.pipeline_mode<synchronous>, transform_indices = @transform_7, window_bounds = array<i64: 128, 128>}, {pipeline_mode = #tpu.pipeline_mode<synchronous>, transform_indices = @transform_8, window_bounds = array<i64: 128, 128>}, {pipeline_mode = #tpu.pipeline_mode<synchronous>, transform_indices = @transform_9, window_bounds = array<i64: 128, 128>}, {transform_indices = @transform_10, window_bounds = array<i64: 1000, 128>}]} {
    %get3A = arith.constant 0 : index
    %get3A_0 = arith.constant 0 : index
    %get3A_1 = vector.load %arg3[%get3A, %get3A_0] : memref<1000x128xf32, #tpu.memory_space<vmem>>, vector<1000x128xf32>
    %get3A_2 = arith.constant 0 : index
    %get3A_3 = arith.constant 0 : index
    %get3A_4 = vector.load %arg7[%get3A_2, %get3A_3] : memref<128x128xf32, #tpu.memory_space<vmem>>, vector<128x128xf32>
    %dot_general3A = arith.constant dense<0.000000e+00> : vector<1000x128xf32>
    %dot_general3A_5 = tpu.matmul %get3A_1, %get3A_4, %dot_general3A {dimension_numbers = #tpu.dot_dimension_numbers<[1], [0], [0], [1], [0, 0, 1, 1], [], []>, transpose_lhs_hint = false} : vector<1000x128xf32>, vector<128x128xf32>, vector<1000x128xf32> -> vector<1000x128xf32>
    %get3A_6 = arith.constant 0 : index
    %get3A_7 = arith.constant 0 : index
    %get3A_8 = vector.load %arg4[%get3A_6, %get3A_7] : memref<1000x128xf32, #tpu.memory_space<vmem>>, vector<1000x128xf32>
    %get3A_9 = arith.constant 0 : index
    %get3A_10 = arith.constant 0 : index
    %get3A_11 = vector.load %arg8[%get3A_9, %get3A_10] : memref<128x128xf32, #tpu.memory_space<vmem>>, vector<128x128xf32>
    %dot_general3A_12 = arith.constant dense<0.000000e+00> : vector<1000x128xf32>
    %dot_general3A_13 = tpu.matmul %get3A_8, %get3A_11, %dot_general3A_12 {dimension_numbers = #tpu.dot_dimension_numbers<[1], [0], [0], [1], [0, 0, 1, 1], [], []>, transpose_lhs_hint = false} : vector<1000x128xf32>, vector<128x128xf32>, vector<1000x128xf32> -> vector<1000x128xf32>
    %add3A = arith.addf %dot_general3A_5, %dot_general3A_13 : vector<1000x128xf32>
    %get3A_14 = arith.constant 0 : index
    %get3A_15 = arith.constant 0 : index
    %get3A_16 = vector.load %arg5[%get3A_14, %get3A_15] : memref<1000x128xf32, #tpu.memory_space<vmem>>, vector<1000x128xf32>
    %get3A_17 = arith.constant 0 : index
    %get3A_18 = arith.constant 0 : index
    %get3A_19 = vector.load %arg9[%get3A_17, %get3A_18] : memref<128x128xf32, #tpu.memory_space<vmem>>, vector<128x128xf32>
    %dot_general3A_20 = arith.constant dense<0.000000e+00> : vector<1000x128xf32>
    %dot_general3A_21 = tpu.matmul %get3A_16, %get3A_19, %dot_general3A_20 {dimension_numbers = #tpu.dot_dimension_numbers<[1], [0], [0], [1], [0, 0, 1, 1], [], []>, transpose_lhs_hint = false} : vector<1000x128xf32>, vector<128x128xf32>, vector<1000x128xf32> -> vector<1000x128xf32>
    %add3A_22 = arith.addf %add3A, %dot_general3A_21 : vector<1000x128xf32>
    %get3A_23 = arith.constant 0 : index
    %get3A_24 = arith.constant 0 : index
    %get3A_25 = vector.load %arg6[%get3A_23, %get3A_24] : memref<1000x128xf32, #tpu.memory_space<vmem>>, vector<1000x128xf32>
    %get3A_26 = arith.constant 0 : index
    %get3A_27 = arith.constant 0 : index
    %get3A_28 = vector.load %arg10[%get3A_26, %get3A_27] : memref<128x128xf32, #tpu.memory_space<vmem>>, vector<128x128xf32>
    %dot_general3A_29 = arith.constant dense<0.000000e+00> : vector<1000x128xf32>
    %dot_general3A_30 = tpu.matmul %get3A_25, %get3A_28, %dot_general3A_29 {dimension_numbers = #tpu.dot_dimension_numbers<[1], [0], [0], [1], [0, 0, 1, 1], [], []>, transpose_lhs_hint = false} : vector<1000x128xf32>, vector<128x128xf32>, vector<1000x128xf32> -> vector<1000x128xf32>
    %add3A_31 = arith.addf %add3A_22, %dot_general3A_30 : vector<1000x128xf32>
    %get3A_32 = arith.constant 0 : index
    %get3A_33 = arith.constant 0 : index
    %get3A_34 = vector.load %arg1[%get3A_32, %get3A_33] : memref<1000x1xf32, #tpu.memory_space<vmem>>, vector<1000x1xf32>
    %add3A_35 = arith.constant 1.000000e+00 : f32
    %add3A_36 = vector.broadcast %add3A_35 : f32 to vector<1000x1xf32>
    %add3A_37 = arith.addf %add3A_36, %get3A_34 : vector<1000x1xf32>
    %get3A_38 = arith.constant 0 : index
    %get3A_39 = arith.constant 0 : index
    %get3A_40 = vector.load %arg2[%get3A_38, %get3A_39] : memref<1000x1xf32, #tpu.memory_space<vmem>>, vector<1000x1xf32>
    %add3A_41 = arith.addf %add3A_37, %get3A_40 : vector<1000x1xf32>
    %rsqrt3A = math.rsqrt %add3A_41 : vector<1000x1xf32>
    %mul3A = vector.broadcast %rsqrt3A : vector<1000x1xf32> to vector<1000x128xf32>
    %mul3A_42 = arith.mulf %mul3A, %add3A_31 : vector<1000x128xf32>
    %swap3A = arith.constant 0 : index
    %swap3A_43 = arith.constant 0 : index
    %swap3A_44 = vector.load %arg11[%swap3A, %swap3A_43] : memref<1000x128xf32, #tpu.memory_space<vmem>>, vector<1000x128xf32>
    tpu.vector_store %arg11[%swap3A, %swap3A_43], %mul3A_42 {strides = array<i32>} : memref<1000x128xf32, #tpu.memory_space<vmem>>, vector<1000x128xf32>,
    return
  }
  func.func @transform_0(%arg0: i32) -> (i32, i32) {
    %c0_i32 = arith.constant 0 : i32
    %c0_i32_0 = arith.constant 0 : i32
    return %arg0, %c0_i32 : i32, i32
  }
  func.func @transform_1(%arg0: i32) -> (i32, i32) {
    %c0_i32 = arith.constant 0 : i32
    %c0_i32_0 = arith.constant 0 : i32
    return %arg0, %c0_i32 : i32, i32
  }
  func.func @transform_2(%arg0: i32) -> (i32, i32) {
    %c0_i32 = arith.constant 0 : i32
    %c0_i32_0 = arith.constant 0 : i32
    return %arg0, %c0_i32 : i32, i32
  }
  func.func @transform_3(%arg0: i32) -> (i32, i32) {
    %c0_i32 = arith.constant 0 : i32
    %c0_i32_0 = arith.constant 0 : i32
    return %arg0, %c0_i32 : i32, i32
  }
  func.func @transform_4(%arg0: i32) -> (i32, i32) {
    %c0_i32 = arith.constant 0 : i32
    %c0_i32_0 = arith.constant 0 : i32
    return %arg0, %c0_i32 : i32, i32
  }
  func.func @transform_5(%arg0: i32) -> (i32, i32) {
    %c0_i32 = arith.constant 0 : i32
    %c0_i32_0 = arith.constant 0 : i32
    return %arg0, %c0_i32 : i32, i32
  }
  func.func @transform_6(%arg0: i32) -> (i32, i32) {
    %c0_i32 = arith.constant 0 : i32
    %c0_i32_0 = arith.constant 0 : i32
    %c0_i32_1 = arith.constant 0 : i32
    return %c0_i32, %c0_i32_0 : i32, i32
  }
  func.func @transform_7(%arg0: i32) -> (i32, i32) {
    %c0_i32 = arith.constant 0 : i32
    %c0_i32_0 = arith.constant 0 : i32
    %c0_i32_1 = arith.constant 0 : i32
    return %c0_i32, %c0_i32_0 : i32, i32
  }
  func.func @transform_8(%arg0: i32) -> (i32, i32) {
    %c0_i32 = arith.constant 0 : i32
    %c0_i32_0 = arith.constant 0 : i32
    %c0_i32_1 = arith.constant 0 : i32
    return %c0_i32, %c0_i32_0 : i32, i32
  }
  func.func @transform_9(%arg0: i32) -> (i32, i32) {
    %c0_i32 = arith.constant 0 : i32
    %c0_i32_0 = arith.constant 0 : i32
    %c0_i32_1 = arith.constant 0 : i32
    return %c0_i32, %c0_i32_0 : i32, i32
  }
  func.func @transform_10(%arg0: i32) -> (i32, i32) {
    %c0_i32 = arith.constant 0 : i32
    %c0_i32_0 = arith.constant 0 : i32
    return %arg0, %c0_i32 : i32, i32
  }
}

module attributes {stable_mosaic.version = 14 : i64} {
  func.func @_hp_body(%arg0: i32, %arg1: memref<1000x1xf32, #tpu.memory_space<vmem>>, %arg2: memref<1000x1xf32, #tpu.memory_space<vmem>>, %arg3: memref<1000x128xf32, #tpu.memory_space<vmem>>, %arg4: memref<1000x128xf32, #tpu.memory_space<vmem>>, %arg5: memref<1000x128xf32, #tpu.memory_space<vmem>>, %arg6: memref<1000x128xf32, #tpu.memory_space<vmem>>, %arg7: memref<1000x128xf32, #tpu.memory_space<vmem>>, %arg8: memref<128x128xf32, #tpu.memory_space<vmem>>, %arg9: memref<128x128xf32, #tpu.memory_space<vmem>>, %arg10: memref<128x128xf32, #tpu.memory_space<vmem>>, %arg11: memref<128x128xf32, #tpu.memory_space<vmem>>, %arg12: memref<128x128xf32, #tpu.memory_space<vmem>>, %arg13: memref<1000x128xf32, #tpu.memory_space<vmem>>) attributes {dimension_semantics = [#tpu.dimension_semantics<arbitrary>], iteration_bounds = array<i64: 10>, scalar_prefetch = 0 : i64, scratch_operands = 0 : i64, tpu.core_type = #tpu.core_type<tc>, window_params = [{transform_indices = @transform_0, window_bounds = array<i64: 1000, 1>}, {transform_indices = @transform_1, window_bounds = array<i64: 1000, 1>}, {transform_indices = @transform_2, window_bounds = array<i64: 1000, 128>}, {transform_indices = @transform_3, window_bounds = array<i64: 1000, 128>}, {transform_indices = @transform_4, window_bounds = array<i64: 1000, 128>}, {transform_indices = @transform_5, window_bounds = array<i64: 1000, 128>}, {transform_indices = @transform_6, window_bounds = array<i64: 1000, 128>}, {pipeline_mode = #tpu.pipeline_mode<synchronous>, transform_indices = @transform_7, window_bounds = array<i64: 128, 128>}, {pipeline_mode = #tpu.pipeline_mode<synchronous>, transform_indices = @transform_8, window_bounds = array<i64: 128, 128>}, {pipeline_mode = #tpu.pipeline_mode<synchronous>, transform_indices = @transform_9, window_bounds = array<i64: 128, 128>}, {pipeline_mode = #tpu.pipeline_mode<synchronous>, transform_indices = @transform_10, window_bounds = array<i64: 128, 128>}, {pipeline_mode = #tpu.pipeline_mode<synchronous>, transform_indices = @transform_11, window_bounds = array<i64: 128, 128>}, {transform_indices = @transform_12, window_bounds = array<i64: 1000, 128>}]} {
    %get3A = arith.constant 0 : index
    %get3A_0 = arith.constant 0 : index
    %get3A_1 = vector.load %arg3[%get3A, %get3A_0] : memref<1000x128xf32, #tpu.memory_space<vmem>>, vector<1000x128xf32>
    %get3A_2 = arith.constant 0 : index
    %get3A_3 = arith.constant 0 : index
    %get3A_4 = vector.load %arg8[%get3A_2, %get3A_3] : memref<128x128xf32, #tpu.memory_space<vmem>>, vector<128x128xf32>
    %dot_general3A = arith.constant dense<0.000000e+00> : vector<1000x128xf32>
    %dot_general3A_5 = tpu.matmul %get3A_1, %get3A_4, %dot_general3A {dimension_numbers = #tpu.dot_dimension_numbers<[1], [0], [0], [1], [0, 0, 1, 1], [], []>, transpose_lhs_hint = false} : vector<1000x128xf32>, vector<128x128xf32>, vector<1000x128xf32> -> vector<1000x128xf32>
    %get3A_6 = arith.constant 0 : index
    %get3A_7 = arith.constant 0 : index
    %get3A_8 = vector.load %arg4[%get3A_6, %get3A_7] : memref<1000x128xf32, #tpu.memory_space<vmem>>, vector<1000x128xf32>
    %get3A_9 = arith.constant 0 : index
    %get3A_10 = arith.constant 0 : index
    %get3A_11 = vector.load %arg9[%get3A_9, %get3A_10] : memref<128x128xf32, #tpu.memory_space<vmem>>, vector<128x128xf32>
    %dot_general3A_12 = arith.constant dense<0.000000e+00> : vector<1000x128xf32>
    %dot_general3A_13 = tpu.matmul %get3A_8, %get3A_11, %dot_general3A_12 {dimension_numbers = #tpu.dot_dimension_numbers<[1], [0], [0], [1], [0, 0, 1, 1], [], []>, transpose_lhs_hint = false} : vector<1000x128xf32>, vector<128x128xf32>, vector<1000x128xf32> -> vector<1000x128xf32>
    %add3A = arith.addf %dot_general3A_5, %dot_general3A_13 : vector<1000x128xf32>
    %get3A_14 = arith.constant 0 : index
    %get3A_15 = arith.constant 0 : index
    %get3A_16 = vector.load %arg5[%get3A_14, %get3A_15] : memref<1000x128xf32, #tpu.memory_space<vmem>>, vector<1000x128xf32>
    %get3A_17 = arith.constant 0 : index
    %get3A_18 = arith.constant 0 : index
    %get3A_19 = vector.load %arg10[%get3A_17, %get3A_18] : memref<128x128xf32, #tpu.memory_space<vmem>>, vector<128x128xf32>
    %dot_general3A_20 = arith.constant dense<0.000000e+00> : vector<1000x128xf32>
    %dot_general3A_21 = tpu.matmul %get3A_16, %get3A_19, %dot_general3A_20 {dimension_numbers = #tpu.dot_dimension_numbers<[1], [0], [0], [1], [0, 0, 1, 1], [], []>, transpose_lhs_hint = false} : vector<1000x128xf32>, vector<128x128xf32>, vector<1000x128xf32> -> vector<1000x128xf32>
    %add3A_22 = arith.addf %add3A, %dot_general3A_21 : vector<1000x128xf32>
    %get3A_23 = arith.constant 0 : index
    %get3A_24 = arith.constant 0 : index
    %get3A_25 = vector.load %arg6[%get3A_23, %get3A_24] : memref<1000x128xf32, #tpu.memory_space<vmem>>, vector<1000x128xf32>
    %get3A_26 = arith.constant 0 : index
    %get3A_27 = arith.constant 0 : index
    %get3A_28 = vector.load %arg11[%get3A_26, %get3A_27] : memref<128x128xf32, #tpu.memory_space<vmem>>, vector<128x128xf32>
    %dot_general3A_29 = arith.constant dense<0.000000e+00> : vector<1000x128xf32>
    %dot_general3A_30 = tpu.matmul %get3A_25, %get3A_28, %dot_general3A_29 {dimension_numbers = #tpu.dot_dimension_numbers<[1], [0], [0], [1], [0, 0, 1, 1], [], []>, transpose_lhs_hint = false} : vector<1000x128xf32>, vector<128x128xf32>, vector<1000x128xf32> -> vector<1000x128xf32>
    %add3A_31 = arith.addf %add3A_22, %dot_general3A_30 : vector<1000x128xf32>
    %get3A_32 = arith.constant 0 : index
    %get3A_33 = arith.constant 0 : index
    %get3A_34 = vector.load %arg7[%get3A_32, %get3A_33] : memref<1000x128xf32, #tpu.memory_space<vmem>>, vector<1000x128xf32>
    %get3A_35 = arith.constant 0 : index
    %get3A_36 = arith.constant 0 : index
    %get3A_37 = vector.load %arg12[%get3A_35, %get3A_36] : memref<128x128xf32, #tpu.memory_space<vmem>>, vector<128x128xf32>
    %dot_general3A_38 = arith.constant dense<0.000000e+00> : vector<1000x128xf32>
    %dot_general3A_39 = tpu.matmul %get3A_34, %get3A_37, %dot_general3A_38 {dimension_numbers = #tpu.dot_dimension_numbers<[1], [0], [0], [1], [0, 0, 1, 1], [], []>, transpose_lhs_hint = false} : vector<1000x128xf32>, vector<128x128xf32>, vector<1000x128xf32> -> vector<1000x128xf32>
    %add3A_40 = arith.addf %add3A_31, %dot_general3A_39 : vector<1000x128xf32>
    %get3A_41 = arith.constant 0 : index
    %get3A_42 = arith.constant 0 : index
    %get3A_43 = vector.load %arg1[%get3A_41, %get3A_42] : memref<1000x1xf32, #tpu.memory_space<vmem>>, vector<1000x1xf32>
    %add3A_44 = arith.constant 1.000000e+00 : f32
    %add3A_45 = vector.broadcast %add3A_44 : f32 to vector<1000x1xf32>
    %add3A_46 = arith.addf %add3A_45, %get3A_43 : vector<1000x1xf32>
    %get3A_47 = arith.constant 0 : index
    %get3A_48 = arith.constant 0 : index
    %get3A_49 = vector.load %arg2[%get3A_47, %get3A_48] : memref<1000x1xf32, #tpu.memory_space<vmem>>, vector<1000x1xf32>
    %add3A_50 = arith.addf %add3A_46, %get3A_49 : vector<1000x1xf32>
    %rsqrt3A = math.rsqrt %add3A_50 : vector<1000x1xf32>
    %mul3A = vector.broadcast %rsqrt3A : vector<1000x1xf32> to vector<1000x128xf32>
    %mul3A_51 = arith.mulf %mul3A, %add3A_40 : vector<1000x128xf32>
    %swap3A = arith.constant 0 : index
    %swap3A_52 = arith.constant 0 : index
    %swap3A_53 = vector.load %arg13[%swap3A, %swap3A_52] : memref<1000x128xf32, #tpu.memory_space<vmem>>, vector<1000x128xf32>
    tpu.vector_store %arg13[%swap3A, %swap3A_52], %mul3A_51 {strides = array<i32>} : memref<1000x128xf32, #tpu.memory_space<vmem>>, vector<1000x128xf32>,
    return
  }
  func.func @transform_0(%arg0: i32) -> (i32, i32) {
    %c0_i32 = arith.constant 0 : i32
    %c0_i32_0 = arith.constant 0 : i32
    return %arg0, %c0_i32 : i32, i32
  }
  func.func @transform_1(%arg0: i32) -> (i32, i32) {
    %c0_i32 = arith.constant 0 : i32
    %c0_i32_0 = arith.constant 0 : i32
    return %arg0, %c0_i32 : i32, i32
  }
  func.func @transform_2(%arg0: i32) -> (i32, i32) {
    %c0_i32 = arith.constant 0 : i32
    %c0_i32_0 = arith.constant 0 : i32
    return %arg0, %c0_i32 : i32, i32
  }
  func.func @transform_3(%arg0: i32) -> (i32, i32) {
    %c0_i32 = arith.constant 0 : i32
    %c0_i32_0 = arith.constant 0 : i32
    return %arg0, %c0_i32 : i32, i32
  }
  func.func @transform_4(%arg0: i32) -> (i32, i32) {
    %c0_i32 = arith.constant 0 : i32
    %c0_i32_0 = arith.constant 0 : i32
    return %arg0, %c0_i32 : i32, i32
  }
  func.func @transform_5(%arg0: i32) -> (i32, i32) {
    %c0_i32 = arith.constant 0 : i32
    %c0_i32_0 = arith.constant 0 : i32
    return %arg0, %c0_i32 : i32, i32
  }
  func.func @transform_6(%arg0: i32) -> (i32, i32) {
    %c0_i32 = arith.constant 0 : i32
    %c0_i32_0 = arith.constant 0 : i32
    return %arg0, %c0_i32 : i32, i32
  }
  func.func @transform_7(%arg0: i32) -> (i32, i32) {
    %c0_i32 = arith.constant 0 : i32
    %c0_i32_0 = arith.constant 0 : i32
    %c0_i32_1 = arith.constant 0 : i32
    return %c0_i32, %c0_i32_0 : i32, i32
  }
  func.func @transform_8(%arg0: i32) -> (i32, i32) {
    %c0_i32 = arith.constant 0 : i32
    %c0_i32_0 = arith.constant 0 : i32
    %c0_i32_1 = arith.constant 0 : i32
    return %c0_i32, %c0_i32_0 : i32, i32
  }
  func.func @transform_9(%arg0: i32) -> (i32, i32) {
    %c0_i32 = arith.constant 0 : i32
    %c0_i32_0 = arith.constant 0 : i32
    %c0_i32_1 = arith.constant 0 : i32
    return %c0_i32, %c0_i32_0 : i32, i32
  }
  func.func @transform_10(%arg0: i32) -> (i32, i32) {
    %c0_i32 = arith.constant 0 : i32
    %c0_i32_0 = arith.constant 0 : i32
    %c0_i32_1 = arith.constant 0 : i32
    return %c0_i32, %c0_i32_0 : i32, i32
  }
  func.func @transform_11(%arg0: i32) -> (i32, i32) {
    %c0_i32 = arith.constant 0 : i32
    %c0_i32_0 = arith.constant 0 : i32
    %c0_i32_1 = arith.constant 0 : i32
    return %c0_i32, %c0_i32_0 : i32, i32
  }
  func.func @transform_12(%arg0: i32) -> (i32, i32) {
    %c0_i32 = arith.constant 0 : i32
    %c0_i32_0 = arith.constant 0 : i32
    return %arg0, %c0_i32 : i32, i32
  }
}

</mosaic_0001>

<sc_bundles>
// kernel: kernel.18.cloned.1.call-start
scs
__scs_entry_jumppad:
0x0: {  	(pc) =	sbr.rel $0x88, $3  }
0x1: {  	(tag) =	ssettag $0x0;
	lr =	simm.s32 $0x1  }
0x2: {  	[smem:$0x3F95] =	sst lr;
	_ =	strace $0xD0000000  }
0x3: {  	_ = 	snop  }
0x4: {  	_ = 	snop  }
0x5: {  	_ = 	snop  }
0x6: {  	_ = 	snop  }
0x7: {  	_ = 	snop  }
__scs_overlays_trampoline_lowered:
0x8: {  	[smem:$0x3FA4] =	sst s0  }
0x9: {  	[smem:$0x3FA5] =	sst s1  }
0xa: {  	[smem:$0x3FA6] =	sst s2  }
0xb: {  	[smem:$0x3FA7] =	sst s3  }
0xc: {  	[smem:$0x3FA8] =	sst s4  }
0xd: {  	[smem:$0x3FA9] =	sst s5  }
0xe: {  	[smem:$0x3FAA] =	sst s6  }
0xf: {  	[smem:$0x3FAB] =	sst s7  }
0x10: {  	[smem:$0x3FAC] =	sst s8  }
0x11: {  	[smem:$0x3FAD] =	sst s9;
	s0 =	simm.s32 @!p0 $0x0  }
0x12: {  	s1 =	sld [smem:$0x3F93];
	s0 =	simm.s32 @p0 $0x1  }
0x13: {  	[smem:$0x3FAE] =	sst s0;
	s0 =	simm.s32 @!p1 $0x0  }
0x14: {  	s2 =	sld [smem:$0x3F92];
	s0 =	simm.s32 @p1 $0x1  }
0x15: {  	[smem:$0x3FAF] =	sst s0;
	s0 =	simm.s32 @!p2 $0x0  }
0x16: {  	s3 =	sld [smem:$0x3FDB];
	s0 =	simm.s32 @p2 $0x1  }
0x17: {  	s4 =	simm.s32 $0x1BF5;
	[smem:$0x3FB1] =	sst s0  }
0x18: {  	s0 =	sld [smem:$0x3F94];
	_ =	swait.ge [sflag:s4], $0x0  }
0x19: {  	s7 =	sld [smem:$0x3F95]  }
0x1a: {  	s8 =	sadd.s32 $0xFFFFE003, lr  }
0x1b: {  	s9 =	sadd.s32 $0xFFFFFEF7, lr;
	s5 =	simm.s32 $0xFFFFFFFF;
	p2 =	slt.u32 s8, $0xFFFFF086  }
0x1c: {  	p1 =	slt.u32 s9, $0xF7A;
	s5 =	simm.s32 @!p2 $0x0  }
0x1d: {  	s5 =	simm.s32 @p1 $0x1;
	p0 =	seq.s32 s7, s2  }
0x1e: {  	s7 =	smul.u32 @!p0 $0xF7A, s2;
	p2 =	seq.s32 @!p0 s5, $0x0  }
0x1f: {  	s9 =	smul.u32 $0xF7A, s1;
	s8 =	simm.s32 @!p0 $0x1BF5;
	p2 =	por !p2, p0  }
0x20: {  	[sflag:s8] =	ssyncset.s32 @!p0 $0xFFFFF086;
	s6 =	sadd.s32 @!p0 s3, s7;
	s7 =	simm.s32 @!p0 $0x108  }
0x21: {  	s3 =	sadd.s32 s3, s9;
	s6 =	sadd.s32 @!p0 $0x88, s6;
	s7 =	simm.s32 @p2 $0x1082  }
0x22: {  	[simem:s7], [sflag:s8] =	dma.local @!p0 [hbm:s6], $0xF7A  }
0x23: {  	s9 =	sor.u32 $0xD0000000, s2;
	s6 =	simm.s32 $0x108;
	_ =	swait.ge @!p0 [sflag:s8], $0x0  }
0x24: {  	s3 =	sadd.s32 $0x88, s3;
	s6 =	simm.s32 @!p1 $0x1082;
	[sflag:s4] =	ssyncset.s32 $0xFFFFF086  }
0x25: {  	[simem:s6], [sflag:s4] =	dma.local [hbm:s3], $0xF7A  }
0x26: {  	[smem:$0x3F95] =	sst s1;
	(tag) =	ssettag s2;
	_ =	strace s9  }
0x27: {  	s1 =	sld [smem:$0x3FA5]  }
0x28: {  	s2 =	sld [smem:$0x3FA6]  }
0x29: {  	s4 =	sld [smem:$0x3FA8]  }
0x2a: {  	p0 =	seq.s32 s5, $0x0;
	s5 =	sld [smem:$0x3FA9]  }
0x2b: {  	s6 =	sld [smem:$0x3FAA]  }
0x2c: {  	s7 =	sld [smem:$0x3FAB]  }
0x2d: {  	s3 =	simm.s32 $0x108;
	s8 =	sld [smem:$0x3FAC]  }
0x2e: {  	s3 =	simm.s32 @!p0 $0x1082;
	s9 =	sld [smem:$0x3FAD]  }
0x2f: {  	lr =	sadd.s32 s0, s3;
	s0 =	sld [smem:$0x3FA4]  }
0x30: {  	s3 =	sld [smem:$0x3FA7]  }
0x31: {  	[smem:$0x3FB0] =	sst s10  }
0x32: {  	s10 =	sld [smem:$0x3FAE];
	_ =	sdelay $0x3  }
0x33: {  	p0 =	seq.s32 s10, $0x1;
	s10 =	sld [smem:$0x3FB0];
	_ =	sdelay $0x3  }
0x34: {  	[smem:$0x3FB0] =	sst s10  }
0x35: {  	s10 =	sld [smem:$0x3FAF];
	_ =	sdelay $0x3  }
0x36: {  	p1 =	seq.s32 s10, $0x1;
	s10 =	sld [smem:$0x3FB0];
	_ =	sdelay $0x3  }
0x37: {  	[smem:$0x3FB0] =	sst s10  }
0x38: {  	s10 =	sld [smem:$0x3FB1]  }
0x39: {  	_ = 	snop;
	(pc) =	sbr.ind lr, $3  }
0x3a: {  	_ = 	snop  }
0x3b: {  	_ = 	snop  }
0x3c: {  	p2 =	seq.s32 s10, $0x1;
	s10 =	sld [smem:$0x3FB0]  }
0x3d: {  	_ =	shalt  }
0x3e: {  	_ =	shalt  }
0x3f: {  	_ =	shalt  }
0x40: {  	_ =	shalt  }
0x41: {  	_ =	shalt  }
0x42: {  	_ =	shalt  }
0x43: {  	_ =	shalt  }
0x44: {  	_ =	shalt  }
0x45: {  	_ =	shalt  }
0x46: {  	_ =	shalt  }
0x47: {  	_ =	shalt  }
0x48: {  	_ =	shalt  }
0x49: {  	_ =	shalt  }
0x4a: {  	_ =	shalt  }
0x4b: {  	_ =	shalt  }
0x4c: {  	_ =	shalt  }
0x4d: {  	_ =	shalt  }
0x4e: {  	_ =	shalt  }
0x4f: {  	_ =	shalt  }
0x50: {  	_ =	shalt  }
0x51: {  	_ =	shalt  }
0x52: {  	_ =	shalt  }
0x53: {  	_ =	shalt  }
0x54: {  	_ =	shalt  }
0x55: {  	_ =	shalt  }
0x56: {  	_ =	shalt  }
0x57: {  	_ =	shalt  }
0x58: {  	_ =	shalt  }
0x59: {  	_ =	shalt  }
0x5a: {  	_ =	shalt  }
0x5b: {  	_ =	shalt  }
0x5c: {  	_ =	shalt  }
0x5d: {  	_ =	shalt  }
0x5e: {  	_ =	shalt  }
0x5f: {  	_ =	shalt  }
0x60: {  	_ =	shalt  }
0x61: {  	_ =	shalt  }
0x62: {  	_ =	shalt  }
0x63: {  	_ =	shalt  }
0x64: {  	_ =	shalt  }
0x65: {  	_ =	shalt  }
0x66: {  	_ =	shalt  }
0x67: {  	_ =	shalt  }
0x68: {  	_ =	shalt  }
0x69: {  	_ =	shalt  }
0x6a: {  	_ =	shalt  }
0x6b: {  	_ =	shalt  }
0x6c: {  	_ =	shalt  }
0x6d: {  	_ =	shalt  }
0x6e: {  	_ =	shalt  }
0x6f: {  	_ =	shalt  }
0x70: {  	_ =	shalt  }
0x71: {  	_ =	shalt  }
0x72: {  	_ =	shalt  }
0x73: {  	_ =	shalt  }
0x74: {  	_ =	shalt  }
0x75: {  	_ =	shalt  }
0x76: {  	_ =	shalt  }
0x77: {  	_ =	shalt  }
0x78: {  	_ =	shalt  }
0x79: {  	_ =	shalt  }
0x7a: {  	_ =	shalt  }
0x7b: {  	_ =	shalt  }
0x7c: {  	_ =	shalt  }
0x7d: {  	_ =	shalt  }
0x7e: {  	_ =	shalt  }
0x7f: {  	_ =	shalt  }
0x80: {  	_ =	shalt  }
0x81: {  	_ =	shalt  }
0x82: {  	_ =	shalt  }
0x83: {  	_ =	shalt  }
0x84: {  	_ =	shalt  }
0x85: {  	_ =	shalt  }
0x86: {  	_ =	shalt  }
0x87: {  	_ =	shalt  }
.Lfunc_end0:
.L_simem_size_0:
called_computation_lowered:
.L_overlay_start_0:
0x88: {  	s2 =	sld [smem:$0x3FD9]  }
0x89: {  	s3 =	sld [smem:$0x3FFE];
	_ =	sdelay $0x1  }
0x8a: {  	s1 =	srdreg.scid  }
0x8b: {  	s0 =	sand.u32 $0x1, s1  }
0x8c: {  	s17 =	sshll.u32 s0, $0xA;
	s2 =	sadd.s32 s3, s2  }
0x8d: {  	s2 =	sadd.s32 s2, s17  }
0x8e: {  	[smem:$0x3FBC] =	sst s2  }
0x8f: {  	_ = 	snop  }
0x90: {  	s2 =	sld [smem:$0x3FD0];
	(tm) =	ssettm $0x1  }
0x91: {  	s18 =	sld [smem:$0x3FFB];
	_ =	sdelay $0x3  }
0x92: {  	_ =	strace s18  }
0x93: {  	s3 =	sld [smem:$0x3FFC];
	_ =	sdelay $0x3  }
0x94: {  	_ =	strace s3  }
0x95: {  	s3 =	sld [smem:$0x3FFD];
	_ =	sdelay $0x3  }
0x96: {  	_ =	strace s3  }
0x97: {  	_ =	strace $0x8FFFFFFF  }
0x98: {  	s19 =	sld [smem:$0x3FDB];
	_ =	sdelay $0x1  }
0x99: {  	s4 =	simm.s32 $_scs_section_size  }
0x9a: {  	s5 =	simm.s32 $_size__tile_overlayer_lowered;
	s6 =	simm.s32 $_tile_overlayer_lowered  }
0x9b: {  	s22 =	simm.s32 $0x1BFF;
	s21 =	sshll.u32 s6, $0x1;
	s3 =	sadd.s32 s4, s19  }
0x9c: {  	s7 =	simm.s32 $0x0;
	s20 =	sshll.u32 s5, $0x1;
	s5 =	sadd.s32 s21, s3  }
0x9d: {  	[timem:s7], [sflag:s22] =	dma.local [hbm:s5], s20  }
0x9e: {  	_ =	swait.ge [sflag:s22], s20  }
0x9f: {  	s4 =	ssub.s32 $0x0, s20;
	[sflag:s22] =	ssyncset.done $0x0  }
0xa0: {  	[sflag:s22] =	ssyncadd.s32 s4;
	_ =	sdelay $0x1  }
0xa1: {  	s23 =	simm.s32 $0x1B8B  }
0xa2: {  	_ =	swait.ge [sflag:s23], $0x1  }
0xa3: {  	[sflag:s23] =	ssyncset.done $0x0  }
0xa4: {  	s25 =	simm.s32 $0x1B8E;
	s24 =	sld [smem:$0x3FFE];
	[sflag:s23] =	ssyncadd.s32 $0xFFFFFFFF  }
0xa5: {  	s26 =	simm.s32 $execute0_lowered;
	[smem:$0x3FD2] =	sst s25  }
0xa6: {  	s5 =	sshll.u32 s26, $0x1;
	_ =	strace $0x80000046;
	[dreg:$0x1] =	wrdreg $0xFFFFFFFF  }
0xa7: {  	s28 =	simm.s32 $_size_execute0_lowered;
	s3 =	sadd.s32 s3, s5;
	[dreg:$0x0] =	wrdreg $0x0  }
0xa8: {  	s5 =	sshll.u32 s28, $0x1;
	[dreg:$0x2] =	wrdreg s3  }
0xa9: {  	[dreg:$0x3] =	wrdreg s5  }
0xaa: {  	[dreg:$0x4] =	wrdreg $0xC0  }
0xab: {  	_ =	task [dreg:s7], $0x5FFFF  }
0xac: {  	[dreg:$0x1] =	wrdreg $0xFFFFFFFF  }
0xad: {  	[dreg:$0x0] =	wrdreg $0x60  }
0xae: {  	[dreg:$0x2] =	wrdreg s2  }
0xaf: {  	[dreg:$0x3] =	wrdreg s24  }
0xb0: {  	[dreg:$0x4] =	wrdreg $0x1000  }
0xb1: {  	[dreg:$0x5] =	wrdreg $0x9  }
0xb2: {  	_ =	task.clear_ibuf [dreg:s7], $0x6FFFF;
	_ =	strace $0x90000046  }
0xb3: {  	s29 =	simm.s32 $0x9;
	_ =	strace $0x80000048  }
0xb4: {  	_ =	swait.ge [sflag:s29], $0x1  }
0xb5: {  	[sflag:s29] =	ssyncadd.s32 $0xFFFFFFFF  }
0xb6: {  	_ =	strace $0x90000048  }
0xb7: {  	_ =	sfence  }
0xb8: {  	s30 =	sld [smem:$0x0];
	_ =	sdelay $0x2  }
0xb9: {  	s31 =	sshll.u32 s1, $0xD;
	s1 =	sshrl.u32 s1, $0x2  }
0xba: {  	s3 =	sand.u32 $0x4000, s31;
	s1 =	sadd.s32 s1, s30  }
0xbb: {  	s0 =	sor.u32 s3, s0;
	s1 =	sshll.u32 s1, $0x11  }
0xbc: {  	s0 =	sor.u32 s1, s0  }
0xbd: {  	s0 =	sadd.s32 $0x8F2B, s0  }
0xbe: {  	[sflag:s0] =	ssyncadd.remote.s32 $0x1  }
0xbf: {  	_ =	sfence.sel $0xFFFF  }
0xc0: {  	[dreg:$0x0] =	wrdreg $0xFFFFFFFF;
	(pc) =	sbr.abs _section_cstart, $3  }
0xc1: {  	[dreg:$0x1] =	wrdreg $0xFFFFFFFF  }
0xc2: {  	_ =	task.clear_ibuf [dreg:s7], $0x2FFFF;
	_ =	strace $0x9FFFFFFF  }
0xc3: {  	(tm) =	ssettm $0x7FFFFFFF  }
tec
execute0_lowered:
.L_overlay_start_1:
0x0: {  	(tag) =	ssettag $0x1  }
0x1: {  	s2 =	rddreg [dreg:$0x0]  }
0x2: {  	s6 =	rddreg [dreg:$0x1]  }
0x3: {  	s3 =	rddreg [dreg:$0x2]  }
0x4: {  	s0 =	rddreg [dreg:$0x3]  }
0x5: {  	s1 =	stileid.u32;
	s4 =	simm.s32 $0x0;
	s5 =	srdreg.scid  }
0x6: {  	s14 =	simm.s32 $0x20;
	s15 =	simm.s32 $0x10;
	s16 =	simm.s32 $0x0  }
0x7: {  	s7 =	smul.u32 $0x280, s1;
	[smem:$0x7FF] =	sst s4;
	s8 =	sand.u32 $0x1, s5  }
0x8: {  	s9 =	smul.u32 $0x500, s1;
	s5 =	sadd.s32 $0x8600, s6;
	s12 =	sshll.u32 s1, $0x6  }
0x9: {  	_ =	strace $0x80000047;
	s10 =	sshll.u32 s8, $0x7;
	s30 =	ssub.s32 $0x2, s8  }
0xa: {  	s8 =	sshll.u32 s8, $0x4;
	s12 =	sor.u32 $0x1C01, s12;
	s11 =	sshrl.u32 s7, $0x3  }
0xb: {  	s9 =	sor.u32 s10, s9;
	s31 =	sshrl.u32 s30, $0x1;
	s8 =	sor.u32 s1, s8  }
0xc: {  	s13 =	sadd.s32 s7, s3;
	s10 =	simm.s32 $0x80;
	s29 =	sadd.s32 s11, s6  }
0xd: {  	s9 =	sshrl.u32 s9, $0x3;
	s11 =	ssub.s32 s30, s31;
	s7 =	smul.u32 $0x2800, s8  }
0xe: {  	s13 =	sshrl.u32 s13, $0x3;
	s9 =	sadd.s32 s9, s6;
	s6 =	sadd.s32 $0x8800, s29  }
0xf: {  	s8 =	sadd.s32 $0x8E00, s9;
	s9 =	smax.u32 s11, $0x1;
	s11 =	simm.s32 $0x1  }
.LBB2_1:
0x10: {  	[tilespmem:s10], [sflag:$0x1] =	stream.linear.gather [hbm4b:s5+s4], $0x80, $0x38;
	[tilespmem:$0x380] =	vst v63  }
0x11: {  	_ =	swait.ge [sflag:s11], $0x80  }
0x12: {  	[sflag:s11] =	ssyncset.done $0x0  }
0x13: {  	s17 =	sand.u32 $0x3C00, s4;
	[sflag:s11] =	ssyncadd.s32 $0xFFFFFF80  }
0x14: {  	[spmem:s13], [sflag:s12] =	dma.local [hbm:s6], $0x50  }
0x15: {  	s18 =	sand.u32 $0x380, s4;
	s17 =	sadd.s32 s7, s17;
	_ =	swait.ge [sflag:s11], $0x50  }
0x16: {  	s17 =	sor.u32 s18, s17;
	[sflag:s11] =	ssyncset.done $0x0  }
0x17: {  	s17 =	sshrl.u32 s17, $0x3;
	[sflag:s11] =	ssyncadd.s32 $0xFFFFFFB0  }
0x18: {  	s17 =	sadd.s32 s2, s17;
	[bflag:$0x0] =	sbarrier.arrive $0xFFFF  }
0x19: {  	[tilespmem:s4], [sflag:$0x1] =	stream.linear.gather [hbm4b:s17+s4], $0x80, $0x38;
	[tilespmem:$0x380] =	vst v63  }
0x1a: {  	_ =	swait.ge [sflag:s11], $0x80  }
0x1b: {  	s30 =	simm.s32 $0x80;
	[sflag:s11] =	ssyncset.done $0x0  }
0x1c: {  	s31 =	sand.u32 $0x3C00, s30;
	[sflag:s11] =	ssyncadd.s32 $0xFFFFFF80  }
0x1d: {  	[spmem:s3] =	stream.indirect.scatter.add.f32 [tilespmem:s10], [sflag:$0x1], $0x1, s4, s10, $0xb8;
	[tilespmem:$0x380] =	vst v63  }
0x1e: {  	s19 =	sand.u32 $0x380, s30;
	s18 =	sadd.s32 s7, s31;
	_ =	swait.ge [sflag:s11], $0x80  }
0x1f: {  	s18 =	sor.u32 s19, s18;
	s17 =	simm.s32 $0x100;
	[sflag:s11] =	ssyncset.done $0x0  }
.LBB2_2:
0x20: {  	s18 =	sshrl.u32 s18, $0x3  }
0x21: {  	[sflag:s11] =	ssyncadd.s32 $0xFFFFFF80;
	s19 =	smov.u32 s17;
	s20 =	sadd.s32 $0x80, s17  }
0x22: {  	p0 =	sne.s32 s17, $0x2700;
	s17 =	sadd.s32 s2, s18  }
0x23: {  	[tilespmem:s4], [sflag:$0x1] =	stream.linear.gather [hbm4b:s17+s4], $0x80, $0x38;
	[tilespmem:$0x380] =	vst v63  }
0x24: {  	_ =	swait.ge [sflag:s11], $0x80  }
.Ltmp0:
0x25: {  	[sflag:s11] =	ssyncset.done $0x0;
	(pc) =	sbr.rel @p0 .LBB2_2-.Ltmp0, $4  }
0x26: {  	s17 =	sand.u32 $0x3C00, s19;
	[sflag:s11] =	ssyncadd.s32 $0xFFFFFF80  }
0x27: {  	[spmem:s3] =	stream.indirect.scatter.add.f32 [tilespmem:s10], [sflag:$0x1], $0x1, s4, s10, $0xb8;
	[tilespmem:$0x380] =	vst v63  }
0x28: {  	s18 =	sand.u32 $0x380, s19;
	s17 =	sadd.s32 s7, s17;
	_ =	swait.ge [sflag:s11], $0x80  }
0x29: {  	s18 =	sor.u32 s18, s17;
	s17 =	smov.u32 s20;
	[sflag:s11] =	ssyncset.done $0x0  }
0x2a: {  	s17 =	sshrl.u32 s18, $0x3  }
0x2b: {  	[sflag:s11] =	ssyncadd.s32 $0xFFFFFF80;
	s17 =	sadd.s32 s2, s17  }
0x2c: {  	[tilespmem:s4], [sflag:$0x1] =	stream.linear.gather [hbm4b:s17+s4], $0x80, $0x38;
	[tilespmem:$0x380] =	vst v63  }
0x2d: {  	_ =	swait.ge [sflag:s11], $0x80  }
0x2e: {  	[sflag:s11] =	ssyncset.done $0x0  }
0x2f: {  	[sflag:s11] =	ssyncadd.s32 $0xFFFFFF80  }
0x30: {  	[spmem:s3] =	stream.indirect.scatter.add.f32 [tilespmem:s10], [sflag:$0x1], $0x1, s4, s10, $0xb8;
	[tilespmem:$0x380] =	vst v63  }
0x31: {  	_ =	swait.ge [sflag:s11], $0x80  }
0x32: {  	s16 =	sadd.s32 $0x1, s16;
	[sflag:s11] =	ssyncset.done $0x0  }
0x33: {  	p0 =	sne.s32 s16, s9;
	[sflag:s11] =	ssyncadd.s32 $0xFFFFFF80  }
.Ltmp1:
0x34: {  	[bflag:$0x0] =	sbarrier.arrive $0xFFFF;
	(pc) =	sbr.rel @p0 .LBB2_1-.Ltmp1, $4  }
0x35: {  	[hbm:s8@s14], [sflag:s12] =	dma.strided [spmem:s13@s15], $0x50, s11, $0x10   }
0x36: {  	_ =	swait.ge [sflag:s11], $0x50  }
0x37: {  	[sflag:s11] =	ssyncset.done $0x0  }
0x38: {  	[sflag:s11] =	ssyncadd.s32 $0xFFFFFFB0  }
0x39: {  	_ =	sfence.sel $0x180000  }
0x3a: {  	[bflag:$0x0] =	sbarrier.arrive $0xFFFF  }
0x3b: {  	p0 =	sne.s32 s1, $0x0;
	_ =	strace $0x90000047  }
0x3c: {  	s0 =	sadd.s32 @!p0 $0x100000, s0;
	[bflag:$0x2] =	sbarrier.arrive $0xFFFF  }
0x3d: {  	[sflag:s0] =	ssyncadd.tile.s32 @!p0 $0x1;
	_ =	shalt  }
.Lfunc_end2:
_tile_overlayer_lowered:
.L_overlay_start_2:
0x3e: {  	(tag) =	ssettag $0x2  }
0x3f: {  	s0 =	rddreg [dreg:$0x0];
	s2 =	stileid.u32  }
0x40: {  	s1 =	rddreg [dreg:$0x1];
	p0 =	sne.s32 s2, $0x0  }
0x41: {  	s3 =	rddreg [dreg:$0x2];
	[bflag:$0x3] =	sbarrier.arrive $0xFFFF;
	s2 =	simm.s32 @!p0 $0x1C01  }
0x42: {  	[timem:s3], [sflag:s2] =	dma.local @!p0 [hbm:s0], s1  }
0x43: {  	s0 =	simm.s32 @!p0 $0x1  }
0x44: {  	_ =	swait.ge @!p0 [sflag:s0], s1  }
0x45: {  	s1 =	ssub.s32 @!p0 $0x0, s1;
	[sflag:s0] =	ssyncset.done @!p0 $0x0  }
0x46: {  	[sflag:s0] =	ssyncadd.s32 @!p0 s1  }
0x47: {  	[bflag:$0x3] =	sbarrier.arrive $0xFFFF  }
0x48: {  	_ =	shalt  }

// kernel: kernel.21.cloned.1.call-start
scs
__scs_entry_jumppad:
0x0: {  	(pc) =	sbr.rel $0x88, $3  }
0x1: {  	(tag) =	ssettag $0x0;
	lr =	simm.s32 $0x1  }
0x2: {  	[smem:$0x3F95] =	sst lr;
	_ =	strace $0xD0000000  }
0x3: {  	_ = 	snop  }
0x4: {  	_ = 	snop  }
0x5: {  	_ = 	snop  }
0x6: {  	_ = 	snop  }
0x7: {  	_ = 	snop  }
__scs_overlays_trampoline_lowered:
0x8: {  	[smem:$0x3FA4] =	sst s0  }
0x9: {  	[smem:$0x3FA5] =	sst s1  }
0xa: {  	[smem:$0x3FA6] =	sst s2  }
0xb: {  	[smem:$0x3FA7] =	sst s3  }
0xc: {  	[smem:$0x3FA8] =	sst s4  }
0xd: {  	[smem:$0x3FA9] =	sst s5  }
0xe: {  	[smem:$0x3FAA] =	sst s6  }
0xf: {  	[smem:$0x3FAB] =	sst s7  }
0x10: {  	[smem:$0x3FAC] =	sst s8  }
0x11: {  	[smem:$0x3FAD] =	sst s9;
	s0 =	simm.s32 @!p0 $0x0  }
0x12: {  	s1 =	sld [smem:$0x3F93];
	s0 =	simm.s32 @p0 $0x1  }
0x13: {  	[smem:$0x3FAE] =	sst s0;
	s0 =	simm.s32 @!p1 $0x0  }
0x14: {  	s2 =	sld [smem:$0x3F92];
	s0 =	simm.s32 @p1 $0x1  }
0x15: {  	[smem:$0x3FAF] =	sst s0;
	s0 =	simm.s32 @!p2 $0x0  }
0x16: {  	s3 =	sld [smem:$0x3FDB];
	s0 =	simm.s32 @p2 $0x1  }
0x17: {  	s4 =	simm.s32 $0x1BF5;
	[smem:$0x3FB1] =	sst s0  }
0x18: {  	s0 =	sld [smem:$0x3F94];
	_ =	swait.ge [sflag:s4], $0x0  }
0x19: {  	s7 =	sld [smem:$0x3F95]  }
0x1a: {  	s8 =	sadd.s32 $0xFFFFE003, lr  }
0x1b: {  	s9 =	sadd.s32 $0xFFFFFEF7, lr;
	s5 =	simm.s32 $0xFFFFFFFF;
	p2 =	slt.u32 s8, $0xFFFFF086  }
0x1c: {  	p1 =	slt.u32 s9, $0xF7A;
	s5 =	simm.s32 @!p2 $0x0  }
0x1d: {  	s5 =	simm.s32 @p1 $0x1;
	p0 =	seq.s32 s7, s2  }
0x1e: {  	s7 =	smul.u32 @!p0 $0xF7A, s2;
	p2 =	seq.s32 @!p0 s5, $0x0  }
0x1f: {  	s9 =	smul.u32 $0xF7A, s1;
	s8 =	simm.s32 @!p0 $0x1BF5;
	p2 =	por !p2, p0  }
0x20: {  	[sflag:s8] =	ssyncset.s32 @!p0 $0xFFFFF086;
	s6 =	sadd.s32 @!p0 s3, s7;
	s7 =	simm.s32 @!p0 $0x108  }
0x21: {  	s3 =	sadd.s32 s3, s9;
	s6 =	sadd.s32 @!p0 $0x88, s6;
	s7 =	simm.s32 @p2 $0x1082  }
0x22: {  	[simem:s7], [sflag:s8] =	dma.local @!p0 [hbm:s6], $0xF7A  }
0x23: {  	s9 =	sor.u32 $0xD0000000, s2;
	s6 =	simm.s32 $0x108;
	_ =	swait.ge @!p0 [sflag:s8], $0x0  }
0x24: {  	s3 =	sadd.s32 $0x88, s3;
	s6 =	simm.s32 @!p1 $0x1082;
	[sflag:s4] =	ssyncset.s32 $0xFFFFF086  }
0x25: {  	[simem:s6], [sflag:s4] =	dma.local [hbm:s3], $0xF7A  }
0x26: {  	[smem:$0x3F95] =	sst s1;
	(tag) =	ssettag s2;
	_ =	strace s9  }
0x27: {  	s1 =	sld [smem:$0x3FA5]  }
0x28: {  	s2 =	sld [smem:$0x3FA6]  }
0x29: {  	s4 =	sld [smem:$0x3FA8]  }
0x2a: {  	p0 =	seq.s32 s5, $0x0;
	s5 =	sld [smem:$0x3FA9]  }
0x2b: {  	s6 =	sld [smem:$0x3FAA]  }
0x2c: {  	s7 =	sld [smem:$0x3FAB]  }
0x2d: {  	s3 =	simm.s32 $0x108;
	s8 =	sld [smem:$0x3FAC]  }
0x2e: {  	s3 =	simm.s32 @!p0 $0x1082;
	s9 =	sld [smem:$0x3FAD]  }
0x2f: {  	lr =	sadd.s32 s0, s3;
	s0 =	sld [smem:$0x3FA4]  }
0x30: {  	s3 =	sld [smem:$0x3FA7]  }
0x31: {  	[smem:$0x3FB0] =	sst s10  }
0x32: {  	s10 =	sld [smem:$0x3FAE];
	_ =	sdelay $0x3  }
0x33: {  	p0 =	seq.s32 s10, $0x1;
	s10 =	sld [smem:$0x3FB0];
	_ =	sdelay $0x3  }
0x34: {  	[smem:$0x3FB0] =	sst s10  }
0x35: {  	s10 =	sld [smem:$0x3FAF];
	_ =	sdelay $0x3  }
0x36: {  	p1 =	seq.s32 s10, $0x1;
	s10 =	sld [smem:$0x3FB0];
	_ =	sdelay $0x3  }
0x37: {  	[smem:$0x3FB0] =	sst s10  }
0x38: {  	s10 =	sld [smem:$0x3FB1]  }
0x39: {  	_ = 	snop;
	(pc) =	sbr.ind lr, $3  }
0x3a: {  	_ = 	snop  }
0x3b: {  	_ = 	snop  }
0x3c: {  	p2 =	seq.s32 s10, $0x1;
	s10 =	sld [smem:$0x3FB0]  }
0x3d: {  	_ =	shalt  }
0x3e: {  	_ =	shalt  }
0x3f: {  	_ =	shalt  }
0x40: {  	_ =	shalt  }
0x41: {  	_ =	shalt  }
0x42: {  	_ =	shalt  }
0x43: {  	_ =	shalt  }
0x44: {  	_ =	shalt  }
0x45: {  	_ =	shalt  }
0x46: {  	_ =	shalt  }
0x47: {  	_ =	shalt  }
0x48: {  	_ =	shalt  }
0x49: {  	_ =	shalt  }
0x4a: {  	_ =	shalt  }
0x4b: {  	_ =	shalt  }
0x4c: {  	_ =	shalt  }
0x4d: {  	_ =	shalt  }
0x4e: {  	_ =	shalt  }
0x4f: {  	_ =	shalt  }
0x50: {  	_ =	shalt  }
0x51: {  	_ =	shalt  }
0x52: {  	_ =	shalt  }
0x53: {  	_ =	shalt  }
0x54: {  	_ =	shalt  }
0x55: {  	_ =	shalt  }
0x56: {  	_ =	shalt  }
0x57: {  	_ =	shalt  }
0x58: {  	_ =	shalt  }
0x59: {  	_ =	shalt  }
0x5a: {  	_ =	shalt  }
0x5b: {  	_ =	shalt  }
0x5c: {  	_ =	shalt  }
0x5d: {  	_ =	shalt  }
0x5e: {  	_ =	shalt  }
0x5f: {  	_ =	shalt  }
0x60: {  	_ =	shalt  }
0x61: {  	_ =	shalt  }
0x62: {  	_ =	shalt  }
0x63: {  	_ =	shalt  }
0x64: {  	_ =	shalt  }
0x65: {  	_ =	shalt  }
0x66: {  	_ =	shalt  }
0x67: {  	_ =	shalt  }
0x68: {  	_ =	shalt  }
0x69: {  	_ =	shalt  }
0x6a: {  	_ =	shalt  }
0x6b: {  	_ =	shalt  }
0x6c: {  	_ =	shalt  }
0x6d: {  	_ =	shalt  }
0x6e: {  	_ =	shalt  }
0x6f: {  	_ =	shalt  }
0x70: {  	_ =	shalt  }
0x71: {  	_ =	shalt  }
0x72: {  	_ =	shalt  }
0x73: {  	_ =	shalt  }
0x74: {  	_ =	shalt  }
0x75: {  	_ =	shalt  }
0x76: {  	_ =	shalt  }
0x77: {  	_ =	shalt  }
0x78: {  	_ =	shalt  }
0x79: {  	_ =	shalt  }
0x7a: {  	_ =	shalt  }
0x7b: {  	_ =	shalt  }
0x7c: {  	_ =	shalt  }
0x7d: {  	_ =	shalt  }
0x7e: {  	_ =	shalt  }
0x7f: {  	_ =	shalt  }
0x80: {  	_ =	shalt  }
0x81: {  	_ =	shalt  }
0x82: {  	_ =	shalt  }
0x83: {  	_ =	shalt  }
0x84: {  	_ =	shalt  }
0x85: {  	_ =	shalt  }
0x86: {  	_ =	shalt  }
0x87: {  	_ =	shalt  }
.Lfunc_end0:
.L_simem_size_0:
called_computation.1_lowered:
.L_overlay_start_0:
0x88: {  	s2 =	sld [smem:$0x3FD9]  }
0x89: {  	s3 =	sld [smem:$0x3FFE];
	_ =	sdelay $0x1  }
0x8a: {  	s1 =	srdreg.scid  }
0x8b: {  	s0 =	sand.u32 $0x1, s1  }
0x8c: {  	s17 =	sshll.u32 s0, $0xA;
	s2 =	sadd.s32 s3, s2  }
0x8d: {  	s2 =	sadd.s32 s2, s17  }
0x8e: {  	[smem:$0x3FBC] =	sst s2  }
0x8f: {  	_ = 	snop  }
0x90: {  	s2 =	sld [smem:$0x3FD0];
	(tm) =	ssettm $0x1  }
0x91: {  	s18 =	sld [smem:$0x3FFB];
	_ =	sdelay $0x3  }
0x92: {  	_ =	strace s18  }
0x93: {  	s3 =	sld [smem:$0x3FFC];
	_ =	sdelay $0x3  }
0x94: {  	_ =	strace s3  }
0x95: {  	s3 =	sld [smem:$0x3FFD];
	_ =	sdelay $0x3  }
0x96: {  	_ =	strace s3  }
0x97: {  	_ =	strace $0x8FFFFFFF  }
0x98: {  	s19 =	sld [smem:$0x3FDB];
	_ =	sdelay $0x1  }
0x99: {  	s4 =	simm.s32 $_scs_section_size  }
0x9a: {  	s5 =	simm.s32 $_size__tile_overlayer_lowered;
	s6 =	simm.s32 $_tile_overlayer_lowered  }
0x9b: {  	s22 =	simm.s32 $0x1BFF;
	s21 =	sshll.u32 s6, $0x1;
	s3 =	sadd.s32 s4, s19  }
0x9c: {  	s7 =	simm.s32 $0x0;
	s20 =	sshll.u32 s5, $0x1;
	s5 =	sadd.s32 s21, s3  }
0x9d: {  	[timem:s7], [sflag:s22] =	dma.local [hbm:s5], s20  }
0x9e: {  	_ =	swait.ge [sflag:s22], s20  }
0x9f: {  	s4 =	ssub.s32 $0x0, s20;
	[sflag:s22] =	ssyncset.done $0x0  }
0xa0: {  	[sflag:s22] =	ssyncadd.s32 s4;
	_ =	sdelay $0x1  }
0xa1: {  	s23 =	simm.s32 $0x1B8B  }
0xa2: {  	_ =	swait.ge [sflag:s23], $0x1  }
0xa3: {  	[sflag:s23] =	ssyncset.done $0x0  }
0xa4: {  	s25 =	simm.s32 $0x1B8E;
	s24 =	sld [smem:$0x3FFE];
	[sflag:s23] =	ssyncadd.s32 $0xFFFFFFFF  }
0xa5: {  	s26 =	simm.s32 $execute0_lowered;
	[smem:$0x3FD2] =	sst s25  }
0xa6: {  	s5 =	sshll.u32 s26, $0x1;
	_ =	strace $0x80000049;
	[dreg:$0x1] =	wrdreg $0xFFFFFFFF  }
0xa7: {  	s28 =	simm.s32 $_size_execute0_lowered;
	s3 =	sadd.s32 s3, s5;
	[dreg:$0x0] =	wrdreg $0x0  }
0xa8: {  	s5 =	sshll.u32 s28, $0x1;
	[dreg:$0x2] =	wrdreg s3  }
0xa9: {  	[dreg:$0x3] =	wrdreg s5  }
0xaa: {  	[dreg:$0x4] =	wrdreg $0xC0  }
0xab: {  	_ =	task [dreg:s7], $0x5FFFF  }
0xac: {  	[dreg:$0x1] =	wrdreg $0xFFFFFFFF  }
0xad: {  	[dreg:$0x0] =	wrdreg $0x60  }
0xae: {  	[dreg:$0x2] =	wrdreg s24  }
0xaf: {  	[dreg:$0x3] =	wrdreg s2  }
0xb0: {  	[dreg:$0x4] =	wrdreg $0x41000  }
0xb1: {  	[dreg:$0x5] =	wrdreg $0x9  }
0xb2: {  	_ =	task.clear_ibuf [dreg:s7], $0x6FFFF;
	_ =	strace $0x90000049  }
0xb3: {  	s29 =	simm.s32 $0x9;
	_ =	strace $0x8000004B  }
0xb4: {  	_ =	swait.ge [sflag:s29], $0x1  }
0xb5: {  	[sflag:s29] =	ssyncadd.s32 $0xFFFFFFFF  }
0xb6: {  	_ =	strace $0x9000004B  }
0xb7: {  	_ =	sfence  }
0xb8: {  	s30 =	sld [smem:$0x0];
	_ =	sdelay $0x2  }
0xb9: {  	s31 =	sshll.u32 s1, $0xD;
	s1 =	sshrl.u32 s1, $0x2  }
0xba: {  	s3 =	sand.u32 $0x4000, s31;
	s1 =	sadd.s32 s1, s30  }
0xbb: {  	s0 =	sor.u32 s3, s0;
	s1 =	sshll.u32 s1, $0x11  }
0xbc: {  	s0 =	sor.u32 s1, s0  }
0xbd: {  	s0 =	sadd.s32 $0x8F2B, s0  }
0xbe: {  	[sflag:s0] =	ssyncadd.remote.s32 $0x1  }
0xbf: {  	_ =	sfence.sel $0xFFFF  }
0xc0: {  	[dreg:$0x0] =	wrdreg $0xFFFFFFFF;
	(pc) =	sbr.abs _section_cstart, $3  }
0xc1: {  	[dreg:$0x1] =	wrdreg $0xFFFFFFFF  }
0xc2: {  	_ =	task.clear_ibuf [dreg:s7], $0x2FFFF;
	_ =	strace $0x9FFFFFFF  }
0xc3: {  	(tm) =	ssettm $0x7FFFFFFF  }
tec
execute0_lowered:
.L_overlay_start_1:
0x0: {  	(tag) =	ssettag $0x1  }
0x1: {  	s5 =	rddreg [dreg:$0x0]  }
0x2: {  	s7 =	rddreg [dreg:$0x1]  }
0x3: {  	s1 =	rddreg [dreg:$0x2];
	s3 =	srdreg.scid  }
0x4: {  	s0 =	rddreg [dreg:$0x3];
	s2 =	simm.s32 $0x0;
	s6 =	sand.u32 $0x1, s3  }
0x5: {  	s14 =	simm.s32 $0x100;
	s3 =	stileid.u32;
	s8 =	smul.u32 $0x4F00, s6  }
0x6: {  	s15 =	simm.s32 $0x1;
	s16 =	simm.s32 $0x0;
	s9 =	smul.u32 $0x14000, s3  }
0x7: {  	[smem:$0x7FF] =	sst s2;
	s4 =	sadd.s32 $0x6D400, s5;
	s11 =	smul.u32 $0x50000, s3  }
0x8: {  	_ =	strace $0x8000004A;
	s10 =	ssub.s32 $0x2, s6;
	s6 =	smul.u32 $0x140000, s6  }
0x9: {  	s28 =	smul.u32 $0x4F0, s3;
	s29 =	sshll.u32 s3, $0x6;
	s13 =	sshrl.u32 s10, $0x1  }
0xa: {  	s8 =	sadd.s32 s8, s5;
	s12 =	sshrl.u32 s9, $0x3;
	s10 =	ssub.s32 s10, s13  }
0xb: {  	s11 =	sshrl.u32 s11, $0x2;
	s6 =	sadd.s32 s9, s6;
	s13 =	simm.s32 $0x80  }
0xc: {  	s5 =	sadd.s32 s12, s5;
	s11 =	sadd.s32 s11, s1;
	s30 =	sshrl.u32 s6, $0x3  }
0xd: {  	s6 =	sor.u32 $0x1C02, s29;
	s31 =	sadd.s32 s28, s8;
	s8 =	smax.u32 s10, $0x1  }
0xe: {  	s12 =	simm.s32 $0x2;
	s5 =	sadd.s32 $0x94600, s5;
	s7 =	sadd.s32 s7, s30  }
0xf: {  	s9 =	sadd.s32 $0x9800, s31;
	s10 =	sadd.s32 $0x13600, s31;
	s11 =	sshrl.u32 s11, $0x3  }
.LBB2_1:
0x10: {  	[spmem:s11], [sflag:s6] =	dma.local [hbm:s5], $0x2800  }
0x11: {  	_ =	swait.ge [sflag:s12], $0x2800  }
0x12: {  	[sflag:s12] =	ssyncset.done $0x0  }
0x13: {  	[sflag:s12] =	ssyncadd.s32 $0xFFFFD800  }
0x14: {  	s17 =	sadd.s32 $0x0, s10;
	[bflag:$0x0] =	sbarrier.arrive $0xFFFF  }
0x15: {  	[tilespmem:s2], [sflag:$0x2] =	stream.linear.gather [hbm4b:s17+s2], $0x80, $0x38;
	[tilespmem:$0x18100] =	vst v63  }
0x16: {  	_ =	swait.ge [sflag:s12], $0x80  }
0x17: {  	[sflag:s12] =	ssyncset.done $0x0  }
0x18: {  	s31 =	sadd.s32 $0x0, s9;
	[sflag:s12] =	ssyncadd.s32 $0xFFFFFF80  }
0x19: {  	[tilespmem:s13], [sflag:$0x2] =	stream.linear.gather [hbm4b:s31+s2], $0x80, $0x38;
	[tilespmem:$0x18100] =	vst v63  }
0x1a: {  	_ =	swait.ge [sflag:s12], $0x80  }
0x1b: {  	[sflag:s12] =	ssyncset.done $0x0  }
0x1c: {  	[sflag:s12] =	ssyncadd.s32 $0xFFFFFF80  }
0x1d: {  	[tilespmem:s14], [sflag:$0x1] =	stream.indirect.gather [hbm4b:s4+s13], $0x80, s2, s13, $0xb8;
	[tilespmem:$0x18100] =	vst v63  }
0x1e: {  	_ =	swait.ge [sflag:s15], $0x4000  }
0x1f: {  	[sflag:s15] =	ssyncset.done $0x0  }
0x20: {  	[sflag:s15] =	ssyncadd.s32 $0xFFFFC000  }
0x21: {  	[spmem:s1] =	stream.indirect.scatter.add.f32 [tilespmem:s14], [sflag:$0x2], $0x80, s13, s13, $0xb8;
	[tilespmem:$0x18100] =	vst v63  }
0x22: {  	_ =	swait.ge [sflag:s12], $0x4000  }
0x23: {  	s18 =	simm.s32 $0x20;
	s17 =	simm.s32 $0x10;
	[sflag:s12] =	ssyncset.done $0x0  }
.LBB2_2:
0x24: {  	s19 =	sadd.s32 s17, s10  }
0x25: {  	[sflag:s12] =	ssyncadd.s32 $0xFFFFC000;
	s20 =	smov.u32 s18;
	s21 =	sadd.s32 $0x10, s18  }
0x26: {  	[tilespmem:s2], [sflag:$0x2] =	stream.linear.gather [hbm4b:s19+s2], $0x80, $0x38;
	[tilespmem:$0x18100] =	vst v63  }
0x27: {  	p0 =	sne.s32 s18, $0x4E0;
	_ =	swait.ge [sflag:s12], $0x80  }
0x28: {  	[sflag:s12] =	ssyncset.done $0x0  }
0x29: {  	s18 =	sadd.s32 s17, s9;
	s17 =	smov.u32 s20;
	[sflag:s12] =	ssyncadd.s32 $0xFFFFFF80  }
0x2a: {  	[tilespmem:s13], [sflag:$0x2] =	stream.linear.gather [hbm4b:s18+s2], $0x80, $0x38;
	[tilespmem:$0x18100] =	vst v63  }
0x2b: {  	_ =	swait.ge [sflag:s12], $0x80  }
0x2c: {  	[sflag:s12] =	ssyncset.done $0x0  }
0x2d: {  	[sflag:s12] =	ssyncadd.s32 $0xFFFFFF80  }
0x2e: {  	[tilespmem:s14], [sflag:$0x1] =	stream.indirect.gather [hbm4b:s4+s13], $0x80, s2, s13, $0xb8;
	[tilespmem:$0x18100] =	vst v63  }
0x2f: {  	_ =	swait.ge [sflag:s15], $0x4000  }
.Ltmp0:
0x30: {  	[sflag:s15] =	ssyncset.done $0x0;
	(pc) =	sbr.rel @p0 .LBB2_2-.Ltmp0, $4  }
0x31: {  	[sflag:s15] =	ssyncadd.s32 $0xFFFFC000  }
0x32: {  	[spmem:s1] =	stream.indirect.scatter.add.f32 [tilespmem:s14], [sflag:$0x2], $0x80, s13, s13, $0xb8;
	[tilespmem:$0x18100] =	vst v63  }
0x33: {  	_ =	swait.ge [sflag:s12], $0x4000  }
0x34: {  	s18 =	smov.u32 s21;
	[sflag:s12] =	ssyncset.done $0x0  }
0x35: {  	s18 =	sadd.s32 s17, s10;
	[sflag:s12] =	ssyncadd.s32 $0xFFFFC000  }
0x36: {  	[tilespmem:s2], [sflag:$0x2] =	stream.linear.gather [hbm4b:s18+s2], $0x80, $0x38;
	[tilespmem:$0x18100] =	vst v63  }
0x37: {  	_ =	swait.ge [sflag:s12], $0x80  }
0x38: {  	[sflag:s12] =	ssyncset.done $0x0  }
0x39: {  	s31 =	sadd.s32 s17, s9;
	[sflag:s12] =	ssyncadd.s32 $0xFFFFFF80  }
0x3a: {  	[tilespmem:s13], [sflag:$0x2] =	stream.linear.gather [hbm4b:s31+s2], $0x80, $0x38;
	[tilespmem:$0x18100] =	vst v63  }
0x3b: {  	_ =	swait.ge [sflag:s12], $0x80  }
0x3c: {  	[sflag:s12] =	ssyncset.done $0x0  }
0x3d: {  	[sflag:s12] =	ssyncadd.s32 $0xFFFFFF80  }
0x3e: {  	[tilespmem:s14], [sflag:$0x1] =	stream.indirect.gather [hbm4b:s4+s13], $0x80, s2, s13, $0xb8;
	[tilespmem:$0x18100] =	vst v63  }
0x3f: {  	_ =	swait.ge [sflag:s15], $0x4000  }
0x40: {  	[sflag:s15] =	ssyncset.done $0x0  }
0x41: {  	[sflag:s15] =	ssyncadd.s32 $0xFFFFC000  }
0x42: {  	[spmem:s1] =	stream.indirect.scatter.add.f32 [tilespmem:s14], [sflag:$0x2], $0x80, s13, s13, $0xb8;
	[tilespmem:$0x18100] =	vst v63  }
0x43: {  	_ =	swait.ge [sflag:s12], $0x4000  }
0x44: {  	s16 =	sadd.s32 $0x1, s16;
	[sflag:s12] =	ssyncset.done $0x0  }
0x45: {  	p0 =	sne.s32 s16, s8;
	[sflag:s12] =	ssyncadd.s32 $0xFFFFC000  }
.Ltmp1:
0x46: {  	[bflag:$0x0] =	sbarrier.arrive $0xFFFF;
	(pc) =	sbr.rel @p0 .LBB2_1-.Ltmp1, $4  }
0x47: {  	[hbm:s7], [sflag:s6] =	dma.local [spmem:s11], $0x2800  }
0x48: {  	_ =	swait.ge [sflag:s12], $0x2800  }
0x49: {  	[sflag:s12] =	ssyncset.done $0x0  }
0x4a: {  	[sflag:s12] =	ssyncadd.s32 $0xFFFFD800  }
0x4b: {  	_ =	sfence.sel $0x180000  }
0x4c: {  	[bflag:$0x0] =	sbarrier.arrive $0xFFFF  }
0x4d: {  	p0 =	sne.s32 s3, $0x0;
	_ =	strace $0x9000004A  }
0x4e: {  	s0 =	sadd.s32 @!p0 $0x100000, s0;
	[bflag:$0x2] =	sbarrier.arrive $0xFFFF  }
0x4f: {  	[sflag:s0] =	ssyncadd.tile.s32 @!p0 $0x1;
	_ =	shalt  }
.Lfunc_end2:
_tile_overlayer_lowered:
.L_overlay_start_2:
0x50: {  	(tag) =	ssettag $0x2  }
0x51: {  	s0 =	rddreg [dreg:$0x0];
	s2 =	stileid.u32  }
0x52: {  	s1 =	rddreg [dreg:$0x1];
	p0 =	sne.s32 s2, $0x0  }
0x53: {  	s3 =	rddreg [dreg:$0x2];
	[bflag:$0x3] =	sbarrier.arrive $0xFFFF;
	s2 =	simm.s32 @!p0 $0x1C02  }
0x54: {  	[timem:s3], [sflag:s2] =	dma.local @!p0 [hbm:s0], s1  }
0x55: {  	s0 =	simm.s32 @!p0 $0x2  }
0x56: {  	_ =	swait.ge @!p0 [sflag:s0], s1  }
0x57: {  	s1 =	ssub.s32 @!p0 $0x0, s1;
	[sflag:s0] =	ssyncset.done @!p0 $0x0  }
0x58: {  	[sflag:s0] =	ssyncadd.s32 @!p0 s1  }
0x59: {  	[bflag:$0x3] =	sbarrier.arrive $0xFFFF  }
0x5a: {  	_ =	shalt  }

// kernel: kernel.24.cloned.1.call-start
scs
__scs_entry_jumppad:
0x0: {  	(pc) =	sbr.rel $0x88, $3  }
0x1: {  	(tag) =	ssettag $0x0;
	lr =	simm.s32 $0x1  }
0x2: {  	[smem:$0x3F95] =	sst lr;
	_ =	strace $0xD0000000  }
0x3: {  	_ = 	snop  }
0x4: {  	_ = 	snop  }
0x5: {  	_ = 	snop  }
0x6: {  	_ = 	snop  }
0x7: {  	_ = 	snop  }
__scs_overlays_trampoline_lowered:
0x8: {  	[smem:$0x3FA4] =	sst s0  }
0x9: {  	[smem:$0x3FA5] =	sst s1  }
0xa: {  	[smem:$0x3FA6] =	sst s2  }
0xb: {  	[smem:$0x3FA7] =	sst s3  }
0xc: {  	[smem:$0x3FA8] =	sst s4  }
0xd: {  	[smem:$0x3FA9] =	sst s5  }
0xe: {  	[smem:$0x3FAA] =	sst s6  }
0xf: {  	[smem:$0x3FAB] =	sst s7  }
0x10: {  	[smem:$0x3FAC] =	sst s8  }
0x11: {  	[smem:$0x3FAD] =	sst s9;
	s0 =	simm.s32 @!p0 $0x0  }
0x12: {  	s1 =	sld [smem:$0x3F93];
	s0 =	simm.s32 @p0 $0x1  }
0x13: {  	[smem:$0x3FAE] =	sst s0;
	s0 =	simm.s32 @!p1 $0x0  }
0x14: {  	s2 =	sld [smem:$0x3F92];
	s0 =	simm.s32 @p1 $0x1  }
0x15: {  	[smem:$0x3FAF] =	sst s0;
	s0 =	simm.s32 @!p2 $0x0  }
0x16: {  	s3 =	sld [smem:$0x3FDB];
	s0 =	simm.s32 @p2 $0x1  }
0x17: {  	s4 =	simm.s32 $0x1BF5;
	[smem:$0x3FB1] =	sst s0  }
0x18: {  	s0 =	sld [smem:$0x3F94];
	_ =	swait.ge [sflag:s4], $0x0  }
0x19: {  	s7 =	sld [smem:$0x3F95]  }
0x1a: {  	s8 =	sadd.s32 $0xFFFFE003, lr  }
0x1b: {  	s9 =	sadd.s32 $0xFFFFFEF7, lr;
	s5 =	simm.s32 $0xFFFFFFFF;
	p2 =	slt.u32 s8, $0xFFFFF086  }
0x1c: {  	p1 =	slt.u32 s9, $0xF7A;
	s5 =	simm.s32 @!p2 $0x0  }
0x1d: {  	s5 =	simm.s32 @p1 $0x1;
	p0 =	seq.s32 s7, s2  }
0x1e: {  	s7 =	smul.u32 @!p0 $0xF7A, s2;
	p2 =	seq.s32 @!p0 s5, $0x0  }
0x1f: {  	s9 =	smul.u32 $0xF7A, s1;
	s8 =	simm.s32 @!p0 $0x1BF5;
	p2 =	por !p2, p0  }
0x20: {  	[sflag:s8] =	ssyncset.s32 @!p0 $0xFFFFF086;
	s6 =	sadd.s32 @!p0 s3, s7;
	s7 =	simm.s32 @!p0 $0x108  }
0x21: {  	s3 =	sadd.s32 s3, s9;
	s6 =	sadd.s32 @!p0 $0x88, s6;
	s7 =	simm.s32 @p2 $0x1082  }
0x22: {  	[simem:s7], [sflag:s8] =	dma.local @!p0 [hbm:s6], $0xF7A  }
0x23: {  	s9 =	sor.u32 $0xD0000000, s2;
	s6 =	simm.s32 $0x108;
	_ =	swait.ge @!p0 [sflag:s8], $0x0  }
0x24: {  	s3 =	sadd.s32 $0x88, s3;
	s6 =	simm.s32 @!p1 $0x1082;
	[sflag:s4] =	ssyncset.s32 $0xFFFFF086  }
0x25: {  	[simem:s6], [sflag:s4] =	dma.local [hbm:s3], $0xF7A  }
0x26: {  	[smem:$0x3F95] =	sst s1;
	(tag) =	ssettag s2;
	_ =	strace s9  }
0x27: {  	s1 =	sld [smem:$0x3FA5]  }
0x28: {  	s2 =	sld [smem:$0x3FA6]  }
0x29: {  	s4 =	sld [smem:$0x3FA8]  }
0x2a: {  	p0 =	seq.s32 s5, $0x0;
	s5 =	sld [smem:$0x3FA9]  }
0x2b: {  	s6 =	sld [smem:$0x3FAA]  }
0x2c: {  	s7 =	sld [smem:$0x3FAB]  }
0x2d: {  	s3 =	simm.s32 $0x108;
	s8 =	sld [smem:$0x3FAC]  }
0x2e: {  	s3 =	simm.s32 @!p0 $0x1082;
	s9 =	sld [smem:$0x3FAD]  }
0x2f: {  	lr =	sadd.s32 s0, s3;
	s0 =	sld [smem:$0x3FA4]  }
0x30: {  	s3 =	sld [smem:$0x3FA7]  }
0x31: {  	[smem:$0x3FB0] =	sst s10  }
0x32: {  	s10 =	sld [smem:$0x3FAE];
	_ =	sdelay $0x3  }
0x33: {  	p0 =	seq.s32 s10, $0x1;
	s10 =	sld [smem:$0x3FB0];
	_ =	sdelay $0x3  }
0x34: {  	[smem:$0x3FB0] =	sst s10  }
0x35: {  	s10 =	sld [smem:$0x3FAF];
	_ =	sdelay $0x3  }
0x36: {  	p1 =	seq.s32 s10, $0x1;
	s10 =	sld [smem:$0x3FB0];
	_ =	sdelay $0x3  }
0x37: {  	[smem:$0x3FB0] =	sst s10  }
0x38: {  	s10 =	sld [smem:$0x3FB1]  }
0x39: {  	_ = 	snop;
	(pc) =	sbr.ind lr, $3  }
0x3a: {  	_ = 	snop  }
0x3b: {  	_ = 	snop  }
0x3c: {  	p2 =	seq.s32 s10, $0x1;
	s10 =	sld [smem:$0x3FB0]  }
0x3d: {  	_ =	shalt  }
0x3e: {  	_ =	shalt  }
0x3f: {  	_ =	shalt  }
0x40: {  	_ =	shalt  }
0x41: {  	_ =	shalt  }
0x42: {  	_ =	shalt  }
0x43: {  	_ =	shalt  }
0x44: {  	_ =	shalt  }
0x45: {  	_ =	shalt  }
0x46: {  	_ =	shalt  }
0x47: {  	_ =	shalt  }
0x48: {  	_ =	shalt  }
0x49: {  	_ =	shalt  }
0x4a: {  	_ =	shalt  }
0x4b: {  	_ =	shalt  }
0x4c: {  	_ =	shalt  }
0x4d: {  	_ =	shalt  }
0x4e: {  	_ =	shalt  }
0x4f: {  	_ =	shalt  }
0x50: {  	_ =	shalt  }
0x51: {  	_ =	shalt  }
0x52: {  	_ =	shalt  }
0x53: {  	_ =	shalt  }
0x54: {  	_ =	shalt  }
0x55: {  	_ =	shalt  }
0x56: {  	_ =	shalt  }
0x57: {  	_ =	shalt  }
0x58: {  	_ =	shalt  }
0x59: {  	_ =	shalt  }
0x5a: {  	_ =	shalt  }
0x5b: {  	_ =	shalt  }
0x5c: {  	_ =	shalt  }
0x5d: {  	_ =	shalt  }
0x5e: {  	_ =	shalt  }
0x5f: {  	_ =	shalt  }
0x60: {  	_ =	shalt  }
0x61: {  	_ =	shalt  }
0x62: {  	_ =	shalt  }
0x63: {  	_ =	shalt  }
0x64: {  	_ =	shalt  }
0x65: {  	_ =	shalt  }
0x66: {  	_ =	shalt  }
0x67: {  	_ =	shalt  }
0x68: {  	_ =	shalt  }
0x69: {  	_ =	shalt  }
0x6a: {  	_ =	shalt  }
0x6b: {  	_ =	shalt  }
0x6c: {  	_ =	shalt  }
0x6d: {  	_ =	shalt  }
0x6e: {  	_ =	shalt  }
0x6f: {  	_ =	shalt  }
0x70: {  	_ =	shalt  }
0x71: {  	_ =	shalt  }
0x72: {  	_ =	shalt  }
0x73: {  	_ =	shalt  }
0x74: {  	_ =	shalt  }
0x75: {  	_ =	shalt  }
0x76: {  	_ =	shalt  }
0x77: {  	_ =	shalt  }
0x78: {  	_ =	shalt  }
0x79: {  	_ =	shalt  }
0x7a: {  	_ =	shalt  }
0x7b: {  	_ =	shalt  }
0x7c: {  	_ =	shalt  }
0x7d: {  	_ =	shalt  }
0x7e: {  	_ =	shalt  }
0x7f: {  	_ =	shalt  }
0x80: {  	_ =	shalt  }
0x81: {  	_ =	shalt  }
0x82: {  	_ =	shalt  }
0x83: {  	_ =	shalt  }
0x84: {  	_ =	shalt  }
0x85: {  	_ =	shalt  }
0x86: {  	_ =	shalt  }
0x87: {  	_ =	shalt  }
.Lfunc_end0:
.L_simem_size_0:
called_computation.2_lowered:
.L_overlay_start_0:
0x88: {  	s2 =	sld [smem:$0x3FD9]  }
0x89: {  	s3 =	sld [smem:$0x3FFE];
	_ =	sdelay $0x1  }
0x8a: {  	s1 =	srdreg.scid  }
0x8b: {  	s0 =	sand.u32 $0x1, s1  }
0x8c: {  	s17 =	sshll.u32 s0, $0xA;
	s2 =	sadd.s32 s3, s2  }
0x8d: {  	s2 =	sadd.s32 s2, s17  }
0x8e: {  	[smem:$0x3FBC] =	sst s2  }
0x8f: {  	_ = 	snop  }
0x90: {  	s2 =	sld [smem:$0x3FD0];
	(tm) =	ssettm $0x1  }
0x91: {  	s18 =	sld [smem:$0x3FFB];
	_ =	sdelay $0x3  }
0x92: {  	_ =	strace s18  }
0x93: {  	s3 =	sld [smem:$0x3FFC];
	_ =	sdelay $0x3  }
0x94: {  	_ =	strace s3  }
0x95: {  	s3 =	sld [smem:$0x3FFD];
	_ =	sdelay $0x3  }
0x96: {  	_ =	strace s3  }
0x97: {  	_ =	strace $0x8FFFFFFF  }
0x98: {  	s19 =	sld [smem:$0x3FDB];
	_ =	sdelay $0x1  }
0x99: {  	s4 =	simm.s32 $_scs_section_size  }
0x9a: {  	s5 =	simm.s32 $_size__tile_overlayer_lowered;
	s6 =	simm.s32 $_tile_overlayer_lowered  }
0x9b: {  	s22 =	simm.s32 $0x1BFF;
	s21 =	sshll.u32 s6, $0x1;
	s3 =	sadd.s32 s4, s19  }
0x9c: {  	s7 =	simm.s32 $0x0;
	s20 =	sshll.u32 s5, $0x1;
	s5 =	sadd.s32 s21, s3  }
0x9d: {  	[timem:s7], [sflag:s22] =	dma.local [hbm:s5], s20  }
0x9e: {  	_ =	swait.ge [sflag:s22], s20  }
0x9f: {  	s4 =	ssub.s32 $0x0, s20;
	[sflag:s22] =	ssyncset.done $0x0  }
0xa0: {  	[sflag:s22] =	ssyncadd.s32 s4;
	_ =	sdelay $0x1  }
0xa1: {  	s23 =	simm.s32 $0x1B8B  }
0xa2: {  	_ =	swait.ge [sflag:s23], $0x1  }
0xa3: {  	[sflag:s23] =	ssyncset.done $0x0  }
0xa4: {  	s25 =	simm.s32 $0x1B8E;
	s24 =	sld [smem:$0x3FFE];
	[sflag:s23] =	ssyncadd.s32 $0xFFFFFFFF  }
0xa5: {  	s26 =	simm.s32 $execute0_lowered;
	[smem:$0x3FD2] =	sst s25  }
0xa6: {  	s5 =	sshll.u32 s26, $0x1;
	_ =	strace $0x8000004C;
	[dreg:$0x1] =	wrdreg $0xFFFFFFFF  }
0xa7: {  	s28 =	simm.s32 $_size_execute0_lowered;
	s3 =	sadd.s32 s3, s5;
	[dreg:$0x0] =	wrdreg $0x0  }
0xa8: {  	s5 =	sshll.u32 s28, $0x1;
	[dreg:$0x2] =	wrdreg s3  }
0xa9: {  	[dreg:$0x3] =	wrdreg s5  }
0xaa: {  	[dreg:$0x4] =	wrdreg $0xC0  }
0xab: {  	_ =	task [dreg:s7], $0x5FFFF  }
0xac: {  	[dreg:$0x1] =	wrdreg $0xFFFFFFFF  }
0xad: {  	[dreg:$0x0] =	wrdreg $0x60  }
0xae: {  	[dreg:$0x2] =	wrdreg s24  }
0xaf: {  	[dreg:$0x3] =	wrdreg s2  }
0xb0: {  	[dreg:$0x4] =	wrdreg $0x41000  }
0xb1: {  	[dreg:$0x5] =	wrdreg $0x9  }
0xb2: {  	_ =	task.clear_ibuf [dreg:s7], $0x6FFFF;
	_ =	strace $0x9000004C  }
0xb3: {  	s29 =	simm.s32 $0x9;
	_ =	strace $0x8000004E  }
0xb4: {  	_ =	swait.ge [sflag:s29], $0x1  }
0xb5: {  	[sflag:s29] =	ssyncadd.s32 $0xFFFFFFFF  }
0xb6: {  	_ =	strace $0x9000004E  }
0xb7: {  	_ =	sfence  }
0xb8: {  	s30 =	sld [smem:$0x0];
	_ =	sdelay $0x2  }
0xb9: {  	s31 =	sshll.u32 s1, $0xD;
	s1 =	sshrl.u32 s1, $0x2  }
0xba: {  	s3 =	sand.u32 $0x4000, s31;
	s1 =	sadd.s32 s1, s30  }
0xbb: {  	s0 =	sor.u32 s3, s0;
	s1 =	sshll.u32 s1, $0x11  }
0xbc: {  	s0 =	sor.u32 s1, s0  }
0xbd: {  	s0 =	sadd.s32 $0x8F2B, s0  }
0xbe: {  	[sflag:s0] =	ssyncadd.remote.s32 $0x1  }
0xbf: {  	_ =	sfence.sel $0xFFFF  }
0xc0: {  	[dreg:$0x0] =	wrdreg $0xFFFFFFFF;
	(pc) =	sbr.abs _section_cstart, $3  }
0xc1: {  	[dreg:$0x1] =	wrdreg $0xFFFFFFFF  }
0xc2: {  	_ =	task.clear_ibuf [dreg:s7], $0x2FFFF;
	_ =	strace $0x9FFFFFFF  }
0xc3: {  	(tm) =	ssettm $0x7FFFFFFF  }
tec
execute0_lowered:
.L_overlay_start_1:
0x0: {  	(tag) =	ssettag $0x1  }
0x1: {  	s5 =	rddreg [dreg:$0x0]  }
0x2: {  	s7 =	rddreg [dreg:$0x1]  }
0x3: {  	s1 =	rddreg [dreg:$0x2];
	s3 =	srdreg.scid  }
0x4: {  	s0 =	rddreg [dreg:$0x3];
	s2 =	simm.s32 $0x0;
	s6 =	sand.u32 $0x1, s3  }
0x5: {  	s14 =	simm.s32 $0x100;
	s3 =	stileid.u32;
	s8 =	smul.u32 $0x4F00, s6  }
0x6: {  	s15 =	simm.s32 $0x1;
	s16 =	simm.s32 $0x0;
	s9 =	smul.u32 $0x14000, s3  }
0x7: {  	[smem:$0x7FF] =	sst s2;
	s4 =	sadd.s32 $0x6D400, s5;
	s11 =	smul.u32 $0x50000, s3  }
0x8: {  	_ =	strace $0x8000004D;
	s10 =	ssub.s32 $0x2, s6;
	s6 =	smul.u32 $0x140000, s6  }
0x9: {  	s28 =	smul.u32 $0x4F0, s3;
	s29 =	sshll.u32 s3, $0x6;
	s13 =	sshrl.u32 s10, $0x1  }
0xa: {  	s8 =	sadd.s32 s8, s5;
	s12 =	sshrl.u32 s9, $0x3;
	s10 =	ssub.s32 s10, s13  }
0xb: {  	s11 =	sshrl.u32 s11, $0x2;
	s6 =	sadd.s32 s9, s6;
	s13 =	simm.s32 $0x80  }
0xc: {  	s5 =	sadd.s32 s12, s5;
	s11 =	sadd.s32 s11, s1;
	s30 =	sshrl.u32 s6, $0x3  }
0xd: {  	s6 =	sor.u32 $0x1C02, s29;
	s31 =	sadd.s32 s28, s8;
	s8 =	smax.u32 s10, $0x1  }
0xe: {  	s12 =	simm.s32 $0x2;
	s5 =	sadd.s32 $0x94600, s5;
	s7 =	sadd.s32 s7, s30  }
0xf: {  	s9 =	sadd.s32 $0x9800, s31;
	s10 =	sadd.s32 $0x13600, s31;
	s11 =	sshrl.u32 s11, $0x3  }
.LBB2_1:
0x10: {  	[spmem:s11], [sflag:s6] =	dma.local [hbm:s5], $0x2800  }
0x11: {  	_ =	swait.ge [sflag:s12], $0x2800  }
0x12: {  	[sflag:s12] =	ssyncset.done $0x0  }
0x13: {  	[sflag:s12] =	ssyncadd.s32 $0xFFFFD800  }
0x14: {  	s17 =	sadd.s32 $0x0, s10;
	[bflag:$0x0] =	sbarrier.arrive $0xFFFF  }
0x15: {  	[tilespmem:s2], [sflag:$0x2] =	stream.linear.gather [hbm4b:s17+s2], $0x80, $0x38;
	[tilespmem:$0x18100] =	vst v63  }
0x16: {  	_ =	swait.ge [sflag:s12], $0x80  }
0x17: {  	[sflag:s12] =	ssyncset.done $0x0  }
0x18: {  	s31 =	sadd.s32 $0x0, s9;
	[sflag:s12] =	ssyncadd.s32 $0xFFFFFF80  }
0x19: {  	[tilespmem:s13], [sflag:$0x2] =	stream.linear.gather [hbm4b:s31+s2], $0x80, $0x38;
	[tilespmem:$0x18100] =	vst v63  }
0x1a: {  	_ =	swait.ge [sflag:s12], $0x80  }
0x1b: {  	[sflag:s12] =	ssyncset.done $0x0  }
0x1c: {  	[sflag:s12] =	ssyncadd.s32 $0xFFFFFF80  }
0x1d: {  	[tilespmem:s14], [sflag:$0x1] =	stream.indirect.gather [hbm4b:s4+s13], $0x80, s2, s13, $0xb8;
	[tilespmem:$0x18100] =	vst v63  }
0x1e: {  	_ =	swait.ge [sflag:s15], $0x4000  }
0x1f: {  	[sflag:s15] =	ssyncset.done $0x0  }
0x20: {  	[sflag:s15] =	ssyncadd.s32 $0xFFFFC000  }
0x21: {  	[spmem:s1] =	stream.indirect.scatter.add.f32 [tilespmem:s14], [sflag:$0x2], $0x80, s13, s13, $0xb8;
	[tilespmem:$0x18100] =	vst v63  }
0x22: {  	_ =	swait.ge [sflag:s12], $0x4000  }
0x23: {  	s18 =	simm.s32 $0x20;
	s17 =	simm.s32 $0x10;
	[sflag:s12] =	ssyncset.done $0x0  }
.LBB2_2:
0x24: {  	s19 =	sadd.s32 s17, s10  }
0x25: {  	[sflag:s12] =	ssyncadd.s32 $0xFFFFC000;
	s20 =	smov.u32 s18;
	s21 =	sadd.s32 $0x10, s18  }
0x26: {  	[tilespmem:s2], [sflag:$0x2] =	stream.linear.gather [hbm4b:s19+s2], $0x80, $0x38;
	[tilespmem:$0x18100] =	vst v63  }
0x27: {  	p0 =	sne.s32 s18, $0x4E0;
	_ =	swait.ge [sflag:s12], $0x80  }
0x28: {  	[sflag:s12] =	ssyncset.done $0x0  }
0x29: {  	s18 =	sadd.s32 s17, s9;
	s17 =	smov.u32 s20;
	[sflag:s12] =	ssyncadd.s32 $0xFFFFFF80  }
0x2a: {  	[tilespmem:s13], [sflag:$0x2] =	stream.linear.gather [hbm4b:s18+s2], $0x80, $0x38;
	[tilespmem:$0x18100] =	vst v63  }
0x2b: {  	_ =	swait.ge [sflag:s12], $0x80  }
0x2c: {  	[sflag:s12] =	ssyncset.done $0x0  }
0x2d: {  	[sflag:s12] =	ssyncadd.s32 $0xFFFFFF80  }
0x2e: {  	[tilespmem:s14], [sflag:$0x1] =	stream.indirect.gather [hbm4b:s4+s13], $0x80, s2, s13, $0xb8;
	[tilespmem:$0x18100] =	vst v63  }
0x2f: {  	_ =	swait.ge [sflag:s15], $0x4000  }
.Ltmp0:
0x30: {  	[sflag:s15] =	ssyncset.done $0x0;
	(pc) =	sbr.rel @p0 .LBB2_2-.Ltmp0, $4  }
0x31: {  	[sflag:s15] =	ssyncadd.s32 $0xFFFFC000  }
0x32: {  	[spmem:s1] =	stream.indirect.scatter.add.f32 [tilespmem:s14], [sflag:$0x2], $0x80, s13, s13, $0xb8;
	[tilespmem:$0x18100] =	vst v63  }
0x33: {  	_ =	swait.ge [sflag:s12], $0x4000  }
0x34: {  	s18 =	smov.u32 s21;
	[sflag:s12] =	ssyncset.done $0x0  }
0x35: {  	s18 =	sadd.s32 s17, s10;
	[sflag:s12] =	ssyncadd.s32 $0xFFFFC000  }
0x36: {  	[tilespmem:s2], [sflag:$0x2] =	stream.linear.gather [hbm4b:s18+s2], $0x80, $0x38;
	[tilespmem:$0x18100] =	vst v63  }
0x37: {  	_ =	swait.ge [sflag:s12], $0x80  }
0x38: {  	[sflag:s12] =	ssyncset.done $0x0  }
0x39: {  	s31 =	sadd.s32 s17, s9;
	[sflag:s12] =	ssyncadd.s32 $0xFFFFFF80  }
0x3a: {  	[tilespmem:s13], [sflag:$0x2] =	stream.linear.gather [hbm4b:s31+s2], $0x80, $0x38;
	[tilespmem:$0x18100] =	vst v63  }
0x3b: {  	_ =	swait.ge [sflag:s12], $0x80  }
0x3c: {  	[sflag:s12] =	ssyncset.done $0x0  }
0x3d: {  	[sflag:s12] =	ssyncadd.s32 $0xFFFFFF80  }
0x3e: {  	[tilespmem:s14], [sflag:$0x1] =	stream.indirect.gather [hbm4b:s4+s13], $0x80, s2, s13, $0xb8;
	[tilespmem:$0x18100] =	vst v63  }
0x3f: {  	_ =	swait.ge [sflag:s15], $0x4000  }
0x40: {  	[sflag:s15] =	ssyncset.done $0x0  }
0x41: {  	[sflag:s15] =	ssyncadd.s32 $0xFFFFC000  }
0x42: {  	[spmem:s1] =	stream.indirect.scatter.add.f32 [tilespmem:s14], [sflag:$0x2], $0x80, s13, s13, $0xb8;
	[tilespmem:$0x18100] =	vst v63  }
0x43: {  	_ =	swait.ge [sflag:s12], $0x4000  }
0x44: {  	s16 =	sadd.s32 $0x1, s16;
	[sflag:s12] =	ssyncset.done $0x0  }
0x45: {  	p0 =	sne.s32 s16, s8;
	[sflag:s12] =	ssyncadd.s32 $0xFFFFC000  }
.Ltmp1:
0x46: {  	[bflag:$0x0] =	sbarrier.arrive $0xFFFF;
	(pc) =	sbr.rel @p0 .LBB2_1-.Ltmp1, $4  }
0x47: {  	[hbm:s7], [sflag:s6] =	dma.local [spmem:s11], $0x2800  }
0x48: {  	_ =	swait.ge [sflag:s12], $0x2800  }
0x49: {  	[sflag:s12] =	ssyncset.done $0x0  }
0x4a: {  	[sflag:s12] =	ssyncadd.s32 $0xFFFFD800  }
0x4b: {  	_ =	sfence.sel $0x180000  }
0x4c: {  	[bflag:$0x0] =	sbarrier.arrive $0xFFFF  }
0x4d: {  	p0 =	sne.s32 s3, $0x0;
	_ =	strace $0x9000004D  }
0x4e: {  	s0 =	sadd.s32 @!p0 $0x100000, s0;
	[bflag:$0x2] =	sbarrier.arrive $0xFFFF  }
0x4f: {  	[sflag:s0] =	ssyncadd.tile.s32 @!p0 $0x1;
	_ =	shalt  }
.Lfunc_end2:
_tile_overlayer_lowered:
.L_overlay_start_2:
0x50: {  	(tag) =	ssettag $0x2  }
0x51: {  	s0 =	rddreg [dreg:$0x0];
	s2 =	stileid.u32  }
0x52: {  	s1 =	rddreg [dreg:$0x1];
	p0 =	sne.s32 s2, $0x0  }
0x53: {  	s3 =	rddreg [dreg:$0x2];
	[bflag:$0x3] =	sbarrier.arrive $0xFFFF;
	s2 =	simm.s32 @!p0 $0x1C02  }
0x54: {  	[timem:s3], [sflag:s2] =	dma.local @!p0 [hbm:s0], s1  }
0x55: {  	s0 =	simm.s32 @!p0 $0x2  }
0x56: {  	_ =	swait.ge @!p0 [sflag:s0], s1  }
0x57: {  	s1 =	ssub.s32 @!p0 $0x0, s1;
	[sflag:s0] =	ssyncset.done @!p0 $0x0  }
0x58: {  	[sflag:s0] =	ssyncadd.s32 @!p0 s1  }
0x59: {  	[bflag:$0x3] =	sbarrier.arrive $0xFFFF  }
0x5a: {  	_ =	shalt  }

// kernel: kernel.27.cloned.1.call-start
scs
__scs_entry_jumppad:
0x0: {  	(pc) =	sbr.rel $0x88, $3  }
0x1: {  	(tag) =	ssettag $0x0;
	lr =	simm.s32 $0x1  }
0x2: {  	[smem:$0x3F95] =	sst lr;
	_ =	strace $0xD0000000  }
0x3: {  	_ = 	snop  }
0x4: {  	_ = 	snop  }
0x5: {  	_ = 	snop  }
0x6: {  	_ = 	snop  }
0x7: {  	_ = 	snop  }
__scs_overlays_trampoline_lowered:
0x8: {  	[smem:$0x3FA4] =	sst s0  }
0x9: {  	[smem:$0x3FA5] =	sst s1  }
0xa: {  	[smem:$0x3FA6] =	sst s2  }
0xb: {  	[smem:$0x3FA7] =	sst s3  }
0xc: {  	[smem:$0x3FA8] =	sst s4  }
0xd: {  	[smem:$0x3FA9] =	sst s5  }
0xe: {  	[smem:$0x3FAA] =	sst s6  }
0xf: {  	[smem:$0x3FAB] =	sst s7  }
0x10: {  	[smem:$0x3FAC] =	sst s8  }
0x11: {  	[smem:$0x3FAD] =	sst s9;
	s0 =	simm.s32 @!p0 $0x0  }
0x12: {  	s1 =	sld [smem:$0x3F93];
	s0 =	simm.s32 @p0 $0x1  }
0x13: {  	[smem:$0x3FAE] =	sst s0;
	s0 =	simm.s32 @!p1 $0x0  }
0x14: {  	s2 =	sld [smem:$0x3F92];
	s0 =	simm.s32 @p1 $0x1  }
0x15: {  	[smem:$0x3FAF] =	sst s0;
	s0 =	simm.s32 @!p2 $0x0  }
0x16: {  	s3 =	sld [smem:$0x3FDB];
	s0 =	simm.s32 @p2 $0x1  }
0x17: {  	s4 =	simm.s32 $0x1BF5;
	[smem:$0x3FB1] =	sst s0  }
0x18: {  	s0 =	sld [smem:$0x3F94];
	_ =	swait.ge [sflag:s4], $0x0  }
0x19: {  	s7 =	sld [smem:$0x3F95]  }
0x1a: {  	s8 =	sadd.s32 $0xFFFFE003, lr  }
0x1b: {  	s9 =	sadd.s32 $0xFFFFFEF7, lr;
	s5 =	simm.s32 $0xFFFFFFFF;
	p2 =	slt.u32 s8, $0xFFFFF086  }
0x1c: {  	p1 =	slt.u32 s9, $0xF7A;
	s5 =	simm.s32 @!p2 $0x0  }
0x1d: {  	s5 =	simm.s32 @p1 $0x1;
	p0 =	seq.s32 s7, s2  }
0x1e: {  	s7 =	smul.u32 @!p0 $0xF7A, s2;
	p2 =	seq.s32 @!p0 s5, $0x0  }
0x1f: {  	s9 =	smul.u32 $0xF7A, s1;
	s8 =	simm.s32 @!p0 $0x1BF5;
	p2 =	por !p2, p0  }
0x20: {  	[sflag:s8] =	ssyncset.s32 @!p0 $0xFFFFF086;
	s6 =	sadd.s32 @!p0 s3, s7;
	s7 =	simm.s32 @!p0 $0x108  }
0x21: {  	s3 =	sadd.s32 s3, s9;
	s6 =	sadd.s32 @!p0 $0x88, s6;
	s7 =	simm.s32 @p2 $0x1082  }
0x22: {  	[simem:s7], [sflag:s8] =	dma.local @!p0 [hbm:s6], $0xF7A  }
0x23: {  	s9 =	sor.u32 $0xD0000000, s2;
	s6 =	simm.s32 $0x108;
	_ =	swait.ge @!p0 [sflag:s8], $0x0  }
0x24: {  	s3 =	sadd.s32 $0x88, s3;
	s6 =	simm.s32 @!p1 $0x1082;
	[sflag:s4] =	ssyncset.s32 $0xFFFFF086  }
0x25: {  	[simem:s6], [sflag:s4] =	dma.local [hbm:s3], $0xF7A  }
0x26: {  	[smem:$0x3F95] =	sst s1;
	(tag) =	ssettag s2;
	_ =	strace s9  }
0x27: {  	s1 =	sld [smem:$0x3FA5]  }
0x28: {  	s2 =	sld [smem:$0x3FA6]  }
0x29: {  	s4 =	sld [smem:$0x3FA8]  }
0x2a: {  	p0 =	seq.s32 s5, $0x0;
	s5 =	sld [smem:$0x3FA9]  }
0x2b: {  	s6 =	sld [smem:$0x3FAA]  }
0x2c: {  	s7 =	sld [smem:$0x3FAB]  }
0x2d: {  	s3 =	simm.s32 $0x108;
	s8 =	sld [smem:$0x3FAC]  }
0x2e: {  	s3 =	simm.s32 @!p0 $0x1082;
	s9 =	sld [smem:$0x3FAD]  }
0x2f: {  	lr =	sadd.s32 s0, s3;
	s0 =	sld [smem:$0x3FA4]  }
0x30: {  	s3 =	sld [smem:$0x3FA7]  }
0x31: {  	[smem:$0x3FB0] =	sst s10  }
0x32: {  	s10 =	sld [smem:$0x3FAE];
	_ =	sdelay $0x3  }
0x33: {  	p0 =	seq.s32 s10, $0x1;
	s10 =	sld [smem:$0x3FB0];
	_ =	sdelay $0x3  }
0x34: {  	[smem:$0x3FB0] =	sst s10  }
0x35: {  	s10 =	sld [smem:$0x3FAF];
	_ =	sdelay $0x3  }
0x36: {  	p1 =	seq.s32 s10, $0x1;
	s10 =	sld [smem:$0x3FB0];
	_ =	sdelay $0x3  }
0x37: {  	[smem:$0x3FB0] =	sst s10  }
0x38: {  	s10 =	sld [smem:$0x3FB1]  }
0x39: {  	_ = 	snop;
	(pc) =	sbr.ind lr, $3  }
0x3a: {  	_ = 	snop  }
0x3b: {  	_ = 	snop  }
0x3c: {  	p2 =	seq.s32 s10, $0x1;
	s10 =	sld [smem:$0x3FB0]  }
0x3d: {  	_ =	shalt  }
0x3e: {  	_ =	shalt  }
0x3f: {  	_ =	shalt  }
0x40: {  	_ =	shalt  }
0x41: {  	_ =	shalt  }
0x42: {  	_ =	shalt  }
0x43: {  	_ =	shalt  }
0x44: {  	_ =	shalt  }
0x45: {  	_ =	shalt  }
0x46: {  	_ =	shalt  }
0x47: {  	_ =	shalt  }
0x48: {  	_ =	shalt  }
0x49: {  	_ =	shalt  }
0x4a: {  	_ =	shalt  }
0x4b: {  	_ =	shalt  }
0x4c: {  	_ =	shalt  }
0x4d: {  	_ =	shalt  }
0x4e: {  	_ =	shalt  }
0x4f: {  	_ =	shalt  }
0x50: {  	_ =	shalt  }
0x51: {  	_ =	shalt  }
0x52: {  	_ =	shalt  }
0x53: {  	_ =	shalt  }
0x54: {  	_ =	shalt  }
0x55: {  	_ =	shalt  }
0x56: {  	_ =	shalt  }
0x57: {  	_ =	shalt  }
0x58: {  	_ =	shalt  }
0x59: {  	_ =	shalt  }
0x5a: {  	_ =	shalt  }
0x5b: {  	_ =	shalt  }
0x5c: {  	_ =	shalt  }
0x5d: {  	_ =	shalt  }
0x5e: {  	_ =	shalt  }
0x5f: {  	_ =	shalt  }
0x60: {  	_ =	shalt  }
0x61: {  	_ =	shalt  }
0x62: {  	_ =	shalt  }
0x63: {  	_ =	shalt  }
0x64: {  	_ =	shalt  }
0x65: {  	_ =	shalt  }
0x66: {  	_ =	shalt  }
0x67: {  	_ =	shalt  }
0x68: {  	_ =	shalt  }
0x69: {  	_ =	shalt  }
0x6a: {  	_ =	shalt  }
0x6b: {  	_ =	shalt  }
0x6c: {  	_ =	shalt  }
0x6d: {  	_ =	shalt  }
0x6e: {  	_ =	shalt  }
0x6f: {  	_ =	shalt  }
0x70: {  	_ =	shalt  }
0x71: {  	_ =	shalt  }
0x72: {  	_ =	shalt  }
0x73: {  	_ =	shalt  }
0x74: {  	_ =	shalt  }
0x75: {  	_ =	shalt  }
0x76: {  	_ =	shalt  }
0x77: {  	_ =	shalt  }
0x78: {  	_ =	shalt  }
0x79: {  	_ =	shalt  }
0x7a: {  	_ =	shalt  }
0x7b: {  	_ =	shalt  }
0x7c: {  	_ =	shalt  }
0x7d: {  	_ =	shalt  }
0x7e: {  	_ =	shalt  }
0x7f: {  	_ =	shalt  }
0x80: {  	_ =	shalt  }
0x81: {  	_ =	shalt  }
0x82: {  	_ =	shalt  }
0x83: {  	_ =	shalt  }
0x84: {  	_ =	shalt  }
0x85: {  	_ =	shalt  }
0x86: {  	_ =	shalt  }
0x87: {  	_ =	shalt  }
.Lfunc_end0:
.L_simem_size_0:
called_computation.3_lowered:
.L_overlay_start_0:
0x88: {  	s2 =	sld [smem:$0x3FD9]  }
0x89: {  	s3 =	sld [smem:$0x3FFE];
	_ =	sdelay $0x1  }
0x8a: {  	s1 =	srdreg.scid  }
0x8b: {  	s0 =	sand.u32 $0x1, s1  }
0x8c: {  	s17 =	sshll.u32 s0, $0xA;
	s2 =	sadd.s32 s3, s2  }
0x8d: {  	s2 =	sadd.s32 s2, s17  }
0x8e: {  	[smem:$0x3FBC] =	sst s2  }
0x8f: {  	_ = 	snop  }
0x90: {  	s2 =	sld [smem:$0x3FD0];
	(tm) =	ssettm $0x1  }
0x91: {  	s18 =	sld [smem:$0x3FFB];
	_ =	sdelay $0x3  }
0x92: {  	_ =	strace s18  }
0x93: {  	s3 =	sld [smem:$0x3FFC];
	_ =	sdelay $0x3  }
0x94: {  	_ =	strace s3  }
0x95: {  	s3 =	sld [smem:$0x3FFD];
	_ =	sdelay $0x3  }
0x96: {  	_ =	strace s3  }
0x97: {  	_ =	strace $0x8FFFFFFF  }
0x98: {  	s19 =	sld [smem:$0x3FDB];
	_ =	sdelay $0x1  }
0x99: {  	s4 =	simm.s32 $_scs_section_size  }
0x9a: {  	s5 =	simm.s32 $_size__tile_overlayer_lowered;
	s6 =	simm.s32 $_tile_overlayer_lowered  }
0x9b: {  	s22 =	simm.s32 $0x1BFF;
	s21 =	sshll.u32 s6, $0x1;
	s3 =	sadd.s32 s4, s19  }
0x9c: {  	s7 =	simm.s32 $0x0;
	s20 =	sshll.u32 s5, $0x1;
	s5 =	sadd.s32 s21, s3  }
0x9d: {  	[timem:s7], [sflag:s22] =	dma.local [hbm:s5], s20  }
0x9e: {  	_ =	swait.ge [sflag:s22], s20  }
0x9f: {  	s4 =	ssub.s32 $0x0, s20;
	[sflag:s22] =	ssyncset.done $0x0  }
0xa0: {  	[sflag:s22] =	ssyncadd.s32 s4;
	_ =	sdelay $0x1  }
0xa1: {  	s23 =	simm.s32 $0x1B8B  }
0xa2: {  	_ =	swait.ge [sflag:s23], $0x1  }
0xa3: {  	[sflag:s23] =	ssyncset.done $0x0  }
0xa4: {  	s25 =	simm.s32 $0x1B8E;
	s24 =	sld [smem:$0x3FFE];
	[sflag:s23] =	ssyncadd.s32 $0xFFFFFFFF  }
0xa5: {  	s26 =	simm.s32 $execute0_lowered;
	[smem:$0x3FD2] =	sst s25  }
0xa6: {  	s5 =	sshll.u32 s26, $0x1;
	_ =	strace $0x8000004F;
	[dreg:$0x1] =	wrdreg $0xFFFFFFFF  }
0xa7: {  	s28 =	simm.s32 $_size_execute0_lowered;
	s3 =	sadd.s32 s3, s5;
	[dreg:$0x0] =	wrdreg $0x0  }
0xa8: {  	s5 =	sshll.u32 s28, $0x1;
	[dreg:$0x2] =	wrdreg s3  }
0xa9: {  	[dreg:$0x3] =	wrdreg s5  }
0xaa: {  	[dreg:$0x4] =	wrdreg $0xC0  }
0xab: {  	_ =	task [dreg:s7], $0x5FFFF  }
0xac: {  	[dreg:$0x1] =	wrdreg $0xFFFFFFFF  }
0xad: {  	[dreg:$0x0] =	wrdreg $0x60  }
0xae: {  	[dreg:$0x2] =	wrdreg s24  }
0xaf: {  	[dreg:$0x3] =	wrdreg s2  }
0xb0: {  	[dreg:$0x4] =	wrdreg $0x41000  }
0xb1: {  	[dreg:$0x5] =	wrdreg $0x9  }
0xb2: {  	_ =	task.clear_ibuf [dreg:s7], $0x6FFFF;
	_ =	strace $0x9000004F  }
0xb3: {  	s29 =	simm.s32 $0x9;
	_ =	strace $0x80000051  }
0xb4: {  	_ =	swait.ge [sflag:s29], $0x1  }
0xb5: {  	[sflag:s29] =	ssyncadd.s32 $0xFFFFFFFF  }
0xb6: {  	_ =	strace $0x90000051  }
0xb7: {  	_ =	sfence  }
0xb8: {  	s30 =	sld [smem:$0x0];
	_ =	sdelay $0x2  }
0xb9: {  	s31 =	sshll.u32 s1, $0xD;
	s1 =	sshrl.u32 s1, $0x2  }
0xba: {  	s3 =	sand.u32 $0x4000, s31;
	s1 =	sadd.s32 s1, s30  }
0xbb: {  	s0 =	sor.u32 s3, s0;
	s1 =	sshll.u32 s1, $0x11  }
0xbc: {  	s0 =	sor.u32 s1, s0  }
0xbd: {  	s0 =	sadd.s32 $0x8F2B, s0  }
0xbe: {  	[sflag:s0] =	ssyncadd.remote.s32 $0x1  }
0xbf: {  	_ =	sfence.sel $0xFFFF  }
0xc0: {  	[dreg:$0x0] =	wrdreg $0xFFFFFFFF;
	(pc) =	sbr.abs _section_cstart, $3  }
0xc1: {  	[dreg:$0x1] =	wrdreg $0xFFFFFFFF  }
0xc2: {  	_ =	task.clear_ibuf [dreg:s7], $0x2FFFF;
	_ =	strace $0x9FFFFFFF  }
0xc3: {  	(tm) =	ssettm $0x7FFFFFFF  }
tec
execute0_lowered:
.L_overlay_start_1:
0x0: {  	(tag) =	ssettag $0x1  }
0x1: {  	s5 =	rddreg [dreg:$0x0]  }
0x2: {  	s7 =	rddreg [dreg:$0x1]  }
0x3: {  	s1 =	rddreg [dreg:$0x2];
	s3 =	srdreg.scid  }
0x4: {  	s0 =	rddreg [dreg:$0x3];
	s2 =	simm.s32 $0x0;
	s6 =	sand.u32 $0x1, s3  }
0x5: {  	s14 =	simm.s32 $0x100;
	s3 =	stileid.u32;
	s8 =	smul.u32 $0x4F00, s6  }
0x6: {  	s15 =	simm.s32 $0x1;
	s16 =	simm.s32 $0x0;
	s9 =	smul.u32 $0x14000, s3  }
0x7: {  	[smem:$0x7FF] =	sst s2;
	s4 =	sadd.s32 $0xBC600, s5;
	s11 =	smul.u32 $0x50000, s3  }
0x8: {  	_ =	strace $0x80000050;
	s10 =	ssub.s32 $0x2, s6;
	s6 =	smul.u32 $0x140000, s6  }
0x9: {  	s28 =	smul.u32 $0x4F0, s3;
	s29 =	sshll.u32 s3, $0x6;
	s13 =	sshrl.u32 s10, $0x1  }
0xa: {  	s8 =	sadd.s32 s8, s5;
	s12 =	sshrl.u32 s9, $0x3;
	s10 =	ssub.s32 s10, s13  }
0xb: {  	s11 =	sshrl.u32 s11, $0x2;
	s6 =	sadd.s32 s9, s6;
	s13 =	simm.s32 $0x80  }
0xc: {  	s5 =	sadd.s32 s12, s5;
	s11 =	sadd.s32 s11, s1;
	s30 =	sshrl.u32 s6, $0x3  }
0xd: {  	s6 =	sor.u32 $0x1C02, s29;
	s31 =	sadd.s32 s28, s8;
	s8 =	smax.u32 s10, $0x1  }
0xe: {  	s12 =	simm.s32 $0x2;
	s5 =	sadd.s32 $0x94600, s5;
	s7 =	sadd.s32 s7, s30  }
0xf: {  	s9 =	sadd.s32 $0x9800, s31;
	s10 =	sadd.s32 $0x13600, s31;
	s11 =	sshrl.u32 s11, $0x3  }
.LBB2_1:
0x10: {  	[spmem:s11], [sflag:s6] =	dma.local [hbm:s5], $0x2800  }
0x11: {  	_ =	swait.ge [sflag:s12], $0x2800  }
0x12: {  	[sflag:s12] =	ssyncset.done $0x0  }
0x13: {  	[sflag:s12] =	ssyncadd.s32 $0xFFFFD800  }
0x14: {  	s17 =	sadd.s32 $0x0, s10;
	[bflag:$0x0] =	sbarrier.arrive $0xFFFF  }
0x15: {  	[tilespmem:s2], [sflag:$0x2] =	stream.linear.gather [hbm4b:s17+s2], $0x80, $0x38;
	[tilespmem:$0x18100] =	vst v63  }
0x16: {  	_ =	swait.ge [sflag:s12], $0x80  }
0x17: {  	[sflag:s12] =	ssyncset.done $0x0  }
0x18: {  	s31 =	sadd.s32 $0x0, s9;
	[sflag:s12] =	ssyncadd.s32 $0xFFFFFF80  }
0x19: {  	[tilespmem:s13], [sflag:$0x2] =	stream.linear.gather [hbm4b:s31+s2], $0x80, $0x38;
	[tilespmem:$0x18100] =	vst v63  }
0x1a: {  	_ =	swait.ge [sflag:s12], $0x80  }
0x1b: {  	[sflag:s12] =	ssyncset.done $0x0  }
0x1c: {  	[sflag:s12] =	ssyncadd.s32 $0xFFFFFF80  }
0x1d: {  	[tilespmem:s14], [sflag:$0x1] =	stream.indirect.gather [hbm4b:s4+s13], $0x80, s2, s13, $0xb8;
	[tilespmem:$0x18100] =	vst v63  }
0x1e: {  	_ =	swait.ge [sflag:s15], $0x4000  }
0x1f: {  	[sflag:s15] =	ssyncset.done $0x0  }
0x20: {  	[sflag:s15] =	ssyncadd.s32 $0xFFFFC000  }
0x21: {  	[spmem:s1] =	stream.indirect.scatter.add.f32 [tilespmem:s14], [sflag:$0x2], $0x80, s13, s13, $0xb8;
	[tilespmem:$0x18100] =	vst v63  }
0x22: {  	_ =	swait.ge [sflag:s12], $0x4000  }
0x23: {  	s18 =	simm.s32 $0x20;
	s17 =	simm.s32 $0x10;
	[sflag:s12] =	ssyncset.done $0x0  }
.LBB2_2:
0x24: {  	s19 =	sadd.s32 s17, s10  }
0x25: {  	[sflag:s12] =	ssyncadd.s32 $0xFFFFC000;
	s20 =	smov.u32 s18;
	s21 =	sadd.s32 $0x10, s18  }
0x26: {  	[tilespmem:s2], [sflag:$0x2] =	stream.linear.gather [hbm4b:s19+s2], $0x80, $0x38;
	[tilespmem:$0x18100] =	vst v63  }
0x27: {  	p0 =	sne.s32 s18, $0x4E0;
	_ =	swait.ge [sflag:s12], $0x80  }
0x28: {  	[sflag:s12] =	ssyncset.done $0x0  }
0x29: {  	s18 =	sadd.s32 s17, s9;
	s17 =	smov.u32 s20;
	[sflag:s12] =	ssyncadd.s32 $0xFFFFFF80  }
0x2a: {  	[tilespmem:s13], [sflag:$0x2] =	stream.linear.gather [hbm4b:s18+s2], $0x80, $0x38;
	[tilespmem:$0x18100] =	vst v63  }
0x2b: {  	_ =	swait.ge [sflag:s12], $0x80  }
0x2c: {  	[sflag:s12] =	ssyncset.done $0x0  }
0x2d: {  	[sflag:s12] =	ssyncadd.s32 $0xFFFFFF80  }
0x2e: {  	[tilespmem:s14], [sflag:$0x1] =	stream.indirect.gather [hbm4b:s4+s13], $0x80, s2, s13, $0xb8;
	[tilespmem:$0x18100] =	vst v63  }
0x2f: {  	_ =	swait.ge [sflag:s15], $0x4000  }
.Ltmp0:
0x30: {  	[sflag:s15] =	ssyncset.done $0x0;
	(pc) =	sbr.rel @p0 .LBB2_2-.Ltmp0, $4  }
0x31: {  	[sflag:s15] =	ssyncadd.s32 $0xFFFFC000  }
0x32: {  	[spmem:s1] =	stream.indirect.scatter.add.f32 [tilespmem:s14], [sflag:$0x2], $0x80, s13, s13, $0xb8;
	[tilespmem:$0x18100] =	vst v63  }
0x33: {  	_ =	swait.ge [sflag:s12], $0x4000  }
0x34: {  	s18 =	smov.u32 s21;
	[sflag:s12] =	ssyncset.done $0x0  }
0x35: {  	s18 =	sadd.s32 s17, s10;
	[sflag:s12] =	ssyncadd.s32 $0xFFFFC000  }
0x36: {  	[tilespmem:s2], [sflag:$0x2] =	stream.linear.gather [hbm4b:s18+s2], $0x80, $0x38;
	[tilespmem:$0x18100] =	vst v63  }
0x37: {  	_ =	swait.ge [sflag:s12], $0x80  }
0x38: {  	[sflag:s12] =	ssyncset.done $0x0  }
0x39: {  	s31 =	sadd.s32 s17, s9;
	[sflag:s12] =	ssyncadd.s32 $0xFFFFFF80  }
0x3a: {  	[tilespmem:s13], [sflag:$0x2] =	stream.linear.gather [hbm4b:s31+s2], $0x80, $0x38;
	[tilespmem:$0x18100] =	vst v63  }
0x3b: {  	_ =	swait.ge [sflag:s12], $0x80  }
0x3c: {  	[sflag:s12] =	ssyncset.done $0x0  }
0x3d: {  	[sflag:s12] =	ssyncadd.s32 $0xFFFFFF80  }
0x3e: {  	[tilespmem:s14], [sflag:$0x1] =	stream.indirect.gather [hbm4b:s4+s13], $0x80, s2, s13, $0xb8;
	[tilespmem:$0x18100] =	vst v63  }
0x3f: {  	_ =	swait.ge [sflag:s15], $0x4000  }
0x40: {  	[sflag:s15] =	ssyncset.done $0x0  }
0x41: {  	[sflag:s15] =	ssyncadd.s32 $0xFFFFC000  }
0x42: {  	[spmem:s1] =	stream.indirect.scatter.add.f32 [tilespmem:s14], [sflag:$0x2], $0x80, s13, s13, $0xb8;
	[tilespmem:$0x18100] =	vst v63  }
0x43: {  	_ =	swait.ge [sflag:s12], $0x4000  }
0x44: {  	s16 =	sadd.s32 $0x1, s16;
	[sflag:s12] =	ssyncset.done $0x0  }
0x45: {  	p0 =	sne.s32 s16, s8;
	[sflag:s12] =	ssyncadd.s32 $0xFFFFC000  }
.Ltmp1:
0x46: {  	[bflag:$0x0] =	sbarrier.arrive $0xFFFF;
	(pc) =	sbr.rel @p0 .LBB2_1-.Ltmp1, $4  }
0x47: {  	[hbm:s7], [sflag:s6] =	dma.local [spmem:s11], $0x2800  }
0x48: {  	_ =	swait.ge [sflag:s12], $0x2800  }
0x49: {  	[sflag:s12] =	ssyncset.done $0x0  }
0x4a: {  	[sflag:s12] =	ssyncadd.s32 $0xFFFFD800  }
0x4b: {  	_ =	sfence.sel $0x180000  }
0x4c: {  	[bflag:$0x0] =	sbarrier.arrive $0xFFFF  }
0x4d: {  	p0 =	sne.s32 s3, $0x0;
	_ =	strace $0x90000050  }
0x4e: {  	s0 =	sadd.s32 @!p0 $0x100000, s0;
	[bflag:$0x2] =	sbarrier.arrive $0xFFFF  }
0x4f: {  	[sflag:s0] =	ssyncadd.tile.s32 @!p0 $0x1;
	_ =	shalt  }
.Lfunc_end2:
_tile_overlayer_lowered:
.L_overlay_start_2:
0x50: {  	(tag) =	ssettag $0x2  }
0x51: {  	s0 =	rddreg [dreg:$0x0];
	s2 =	stileid.u32  }
0x52: {  	s1 =	rddreg [dreg:$0x1];
	p0 =	sne.s32 s2, $0x0  }
0x53: {  	s3 =	rddreg [dreg:$0x2];
	[bflag:$0x3] =	sbarrier.arrive $0xFFFF;
	s2 =	simm.s32 @!p0 $0x1C02  }
0x54: {  	[timem:s3], [sflag:s2] =	dma.local @!p0 [hbm:s0], s1  }
0x55: {  	s0 =	simm.s32 @!p0 $0x2  }
0x56: {  	_ =	swait.ge @!p0 [sflag:s0], s1  }
0x57: {  	s1 =	ssub.s32 @!p0 $0x0, s1;
	[sflag:s0] =	ssyncset.done @!p0 $0x0  }
0x58: {  	[sflag:s0] =	ssyncadd.s32 @!p0 s1  }
0x59: {  	[bflag:$0x3] =	sbarrier.arrive $0xFFFF  }
0x5a: {  	_ =	shalt  }

// kernel: kernel.30.cloned.1.call-start
scs
__scs_entry_jumppad:
0x0: {  	(pc) =	sbr.rel $0x88, $3  }
0x1: {  	(tag) =	ssettag $0x0;
	lr =	simm.s32 $0x1  }
0x2: {  	[smem:$0x3F95] =	sst lr;
	_ =	strace $0xD0000000  }
0x3: {  	_ = 	snop  }
0x4: {  	_ = 	snop  }
0x5: {  	_ = 	snop  }
0x6: {  	_ = 	snop  }
0x7: {  	_ = 	snop  }
__scs_overlays_trampoline_lowered:
0x8: {  	[smem:$0x3FA4] =	sst s0  }
0x9: {  	[smem:$0x3FA5] =	sst s1  }
0xa: {  	[smem:$0x3FA6] =	sst s2  }
0xb: {  	[smem:$0x3FA7] =	sst s3  }
0xc: {  	[smem:$0x3FA8] =	sst s4  }
0xd: {  	[smem:$0x3FA9] =	sst s5  }
0xe: {  	[smem:$0x3FAA] =	sst s6  }
0xf: {  	[smem:$0x3FAB] =	sst s7  }
0x10: {  	[smem:$0x3FAC] =	sst s8  }
0x11: {  	[smem:$0x3FAD] =	sst s9;
	s0 =	simm.s32 @!p0 $0x0  }
0x12: {  	s1 =	sld [smem:$0x3F93];
	s0 =	simm.s32 @p0 $0x1  }
0x13: {  	[smem:$0x3FAE] =	sst s0;
	s0 =	simm.s32 @!p1 $0x0  }
0x14: {  	s2 =	sld [smem:$0x3F92];
	s0 =	simm.s32 @p1 $0x1  }
0x15: {  	[smem:$0x3FAF] =	sst s0;
	s0 =	simm.s32 @!p2 $0x0  }
0x16: {  	s3 =	sld [smem:$0x3FDB];
	s0 =	simm.s32 @p2 $0x1  }
0x17: {  	s4 =	simm.s32 $0x1BF5;
	[smem:$0x3FB1] =	sst s0  }
0x18: {  	s0 =	sld [smem:$0x3F94];
	_ =	swait.ge [sflag:s4], $0x0  }
0x19: {  	s7 =	sld [smem:$0x3F95]  }
0x1a: {  	s8 =	sadd.s32 $0xFFFFE003, lr  }
0x1b: {  	s9 =	sadd.s32 $0xFFFFFEF7, lr;
	s5 =	simm.s32 $0xFFFFFFFF;
	p2 =	slt.u32 s8, $0xFFFFF086  }
0x1c: {  	p1 =	slt.u32 s9, $0xF7A;
	s5 =	simm.s32 @!p2 $0x0  }
0x1d: {  	s5 =	simm.s32 @p1 $0x1;
	p0 =	seq.s32 s7, s2  }
0x1e: {  	s7 =	smul.u32 @!p0 $0xF7A, s2;
	p2 =	seq.s32 @!p0 s5, $0x0  }
0x1f: {  	s9 =	smul.u32 $0xF7A, s1;
	s8 =	simm.s32 @!p0 $0x1BF5;
	p2 =	por !p2, p0  }
0x20: {  	[sflag:s8] =	ssyncset.s32 @!p0 $0xFFFFF086;
	s6 =	sadd.s32 @!p0 s3, s7;
	s7 =	simm.s32 @!p0 $0x108  }
0x21: {  	s3 =	sadd.s32 s3, s9;
	s6 =	sadd.s32 @!p0 $0x88, s6;
	s7 =	simm.s32 @p2 $0x1082  }
0x22: {  	[simem:s7], [sflag:s8] =	dma.local @!p0 [hbm:s6], $0xF7A  }
0x23: {  	s9 =	sor.u32 $0xD0000000, s2;
	s6 =	simm.s32 $0x108;
	_ =	swait.ge @!p0 [sflag:s8], $0x0  }
0x24: {  	s3 =	sadd.s32 $0x88, s3;
	s6 =	simm.s32 @!p1 $0x1082;
	[sflag:s4] =	ssyncset.s32 $0xFFFFF086  }
0x25: {  	[simem:s6], [sflag:s4] =	dma.local [hbm:s3], $0xF7A  }
0x26: {  	[smem:$0x3F95] =	sst s1;
	(tag) =	ssettag s2;
	_ =	strace s9  }
0x27: {  	s1 =	sld [smem:$0x3FA5]  }
0x28: {  	s2 =	sld [smem:$0x3FA6]  }
0x29: {  	s4 =	sld [smem:$0x3FA8]  }
0x2a: {  	p0 =	seq.s32 s5, $0x0;
	s5 =	sld [smem:$0x3FA9]  }
0x2b: {  	s6 =	sld [smem:$0x3FAA]  }
0x2c: {  	s7 =	sld [smem:$0x3FAB]  }
0x2d: {  	s3 =	simm.s32 $0x108;
	s8 =	sld [smem:$0x3FAC]  }
0x2e: {  	s3 =	simm.s32 @!p0 $0x1082;
	s9 =	sld [smem:$0x3FAD]  }
0x2f: {  	lr =	sadd.s32 s0, s3;
	s0 =	sld [smem:$0x3FA4]  }
0x30: {  	s3 =	sld [smem:$0x3FA7]  }
0x31: {  	[smem:$0x3FB0] =	sst s10  }
0x32: {  	s10 =	sld [smem:$0x3FAE];
	_ =	sdelay $0x3  }
0x33: {  	p0 =	seq.s32 s10, $0x1;
	s10 =	sld [smem:$0x3FB0];
	_ =	sdelay $0x3  }
0x34: {  	[smem:$0x3FB0] =	sst s10  }
0x35: {  	s10 =	sld [smem:$0x3FAF];
	_ =	sdelay $0x3  }
0x36: {  	p1 =	seq.s32 s10, $0x1;
	s10 =	sld [smem:$0x3FB0];
	_ =	sdelay $0x3  }
0x37: {  	[smem:$0x3FB0] =	sst s10  }
0x38: {  	s10 =	sld [smem:$0x3FB1]  }
0x39: {  	_ = 	snop;
	(pc) =	sbr.ind lr, $3  }
0x3a: {  	_ = 	snop  }
0x3b: {  	_ = 	snop  }
0x3c: {  	p2 =	seq.s32 s10, $0x1;
	s10 =	sld [smem:$0x3FB0]  }
0x3d: {  	_ =	shalt  }
0x3e: {  	_ =	shalt  }
0x3f: {  	_ =	shalt  }
0x40: {  	_ =	shalt  }
0x41: {  	_ =	shalt  }
0x42: {  	_ =	shalt  }
0x43: {  	_ =	shalt  }
0x44: {  	_ =	shalt  }
0x45: {  	_ =	shalt  }
0x46: {  	_ =	shalt  }
0x47: {  	_ =	shalt  }
0x48: {  	_ =	shalt  }
0x49: {  	_ =	shalt  }
0x4a: {  	_ =	shalt  }
0x4b: {  	_ =	shalt  }
0x4c: {  	_ =	shalt  }
0x4d: {  	_ =	shalt  }
0x4e: {  	_ =	shalt  }
0x4f: {  	_ =	shalt  }
0x50: {  	_ =	shalt  }
0x51: {  	_ =	shalt  }
0x52: {  	_ =	shalt  }
0x53: {  	_ =	shalt  }
0x54: {  	_ =	shalt  }
0x55: {  	_ =	shalt  }
0x56: {  	_ =	shalt  }
0x57: {  	_ =	shalt  }
0x58: {  	_ =	shalt  }
0x59: {  	_ =	shalt  }
0x5a: {  	_ =	shalt  }
0x5b: {  	_ =	shalt  }
0x5c: {  	_ =	shalt  }
0x5d: {  	_ =	shalt  }
0x5e: {  	_ =	shalt  }
0x5f: {  	_ =	shalt  }
0x60: {  	_ =	shalt  }
0x61: {  	_ =	shalt  }
0x62: {  	_ =	shalt  }
0x63: {  	_ =	shalt  }
0x64: {  	_ =	shalt  }
0x65: {  	_ =	shalt  }
0x66: {  	_ =	shalt  }
0x67: {  	_ =	shalt  }
0x68: {  	_ =	shalt  }
0x69: {  	_ =	shalt  }
0x6a: {  	_ =	shalt  }
0x6b: {  	_ =	shalt  }
0x6c: {  	_ =	shalt  }
0x6d: {  	_ =	shalt  }
0x6e: {  	_ =	shalt  }
0x6f: {  	_ =	shalt  }
0x70: {  	_ =	shalt  }
0x71: {  	_ =	shalt  }
0x72: {  	_ =	shalt  }
0x73: {  	_ =	shalt  }
0x74: {  	_ =	shalt  }
0x75: {  	_ =	shalt  }
0x76: {  	_ =	shalt  }
0x77: {  	_ =	shalt  }
0x78: {  	_ =	shalt  }
0x79: {  	_ =	shalt  }
0x7a: {  	_ =	shalt  }
0x7b: {  	_ =	shalt  }
0x7c: {  	_ =	shalt  }
0x7d: {  	_ =	shalt  }
0x7e: {  	_ =	shalt  }
0x7f: {  	_ =	shalt  }
0x80: {  	_ =	shalt  }
0x81: {  	_ =	shalt  }
0x82: {  	_ =	shalt  }
0x83: {  	_ =	shalt  }
0x84: {  	_ =	shalt  }
0x85: {  	_ =	shalt  }
0x86: {  	_ =	shalt  }
0x87: {  	_ =	shalt  }
.Lfunc_end0:
.L_simem_size_0:
called_computation.4_lowered:
.L_overlay_start_0:
0x88: {  	s2 =	sld [smem:$0x3FD9]  }
0x89: {  	s3 =	sld [smem:$0x3FFE];
	_ =	sdelay $0x1  }
0x8a: {  	s1 =	srdreg.scid  }
0x8b: {  	s0 =	sand.u32 $0x1, s1  }
0x8c: {  	s17 =	sshll.u32 s0, $0xA;
	s2 =	sadd.s32 s3, s2  }
0x8d: {  	s2 =	sadd.s32 s2, s17  }
0x8e: {  	[smem:$0x3FBC] =	sst s2  }
0x8f: {  	_ = 	snop  }
0x90: {  	s2 =	sld [smem:$0x3FD0];
	(tm) =	ssettm $0x1  }
0x91: {  	s18 =	sld [smem:$0x3FFB];
	_ =	sdelay $0x3  }
0x92: {  	_ =	strace s18  }
0x93: {  	s3 =	sld [smem:$0x3FFC];
	_ =	sdelay $0x3  }
0x94: {  	_ =	strace s3  }
0x95: {  	s3 =	sld [smem:$0x3FFD];
	_ =	sdelay $0x3  }
0x96: {  	_ =	strace s3  }
0x97: {  	_ =	strace $0x8FFFFFFF  }
0x98: {  	s19 =	sld [smem:$0x3FDB];
	_ =	sdelay $0x1  }
0x99: {  	s4 =	simm.s32 $_scs_section_size  }
0x9a: {  	s5 =	simm.s32 $_size__tile_overlayer_lowered;
	s6 =	simm.s32 $_tile_overlayer_lowered  }
0x9b: {  	s22 =	simm.s32 $0x1BFF;
	s21 =	sshll.u32 s6, $0x1;
	s3 =	sadd.s32 s4, s19  }
0x9c: {  	s7 =	simm.s32 $0x0;
	s20 =	sshll.u32 s5, $0x1;
	s5 =	sadd.s32 s21, s3  }
0x9d: {  	[timem:s7], [sflag:s22] =	dma.local [hbm:s5], s20  }
0x9e: {  	_ =	swait.ge [sflag:s22], s20  }
0x9f: {  	s4 =	ssub.s32 $0x0, s20;
	[sflag:s22] =	ssyncset.done $0x0  }
0xa0: {  	[sflag:s22] =	ssyncadd.s32 s4;
	_ =	sdelay $0x1  }
0xa1: {  	s23 =	simm.s32 $0x1B8B  }
0xa2: {  	_ =	swait.ge [sflag:s23], $0x1  }
0xa3: {  	[sflag:s23] =	ssyncset.done $0x0  }
0xa4: {  	s25 =	simm.s32 $0x1B8E;
	s24 =	sld [smem:$0x3FFE];
	[sflag:s23] =	ssyncadd.s32 $0xFFFFFFFF  }
0xa5: {  	s26 =	simm.s32 $execute0_lowered;
	[smem:$0x3FD2] =	sst s25  }
0xa6: {  	s5 =	sshll.u32 s26, $0x1;
	_ =	strace $0x80000052;
	[dreg:$0x1] =	wrdreg $0xFFFFFFFF  }
0xa7: {  	s28 =	simm.s32 $_size_execute0_lowered;
	s3 =	sadd.s32 s3, s5;
	[dreg:$0x0] =	wrdreg $0x0  }
0xa8: {  	s5 =	sshll.u32 s28, $0x1;
	[dreg:$0x2] =	wrdreg s3  }
0xa9: {  	[dreg:$0x3] =	wrdreg s5  }
0xaa: {  	[dreg:$0x4] =	wrdreg $0xC0  }
0xab: {  	_ =	task [dreg:s7], $0x5FFFF  }
0xac: {  	[dreg:$0x1] =	wrdreg $0xFFFFFFFF  }
0xad: {  	[dreg:$0x0] =	wrdreg $0x60  }
0xae: {  	[dreg:$0x2] =	wrdreg s24  }
0xaf: {  	[dreg:$0x3] =	wrdreg s2  }
0xb0: {  	[dreg:$0x4] =	wrdreg $0x41000  }
0xb1: {  	[dreg:$0x5] =	wrdreg $0x9  }
0xb2: {  	_ =	task.clear_ibuf [dreg:s7], $0x6FFFF;
	_ =	strace $0x90000052  }
0xb3: {  	s29 =	simm.s32 $0x9;
	_ =	strace $0x80000054  }
0xb4: {  	_ =	swait.ge [sflag:s29], $0x1  }
0xb5: {  	[sflag:s29] =	ssyncadd.s32 $0xFFFFFFFF  }
0xb6: {  	_ =	strace $0x90000054  }
0xb7: {  	_ =	sfence  }
0xb8: {  	s30 =	sld [smem:$0x0];
	_ =	sdelay $0x2  }
0xb9: {  	s31 =	sshll.u32 s1, $0xD;
	s1 =	sshrl.u32 s1, $0x2  }
0xba: {  	s3 =	sand.u32 $0x4000, s31;
	s1 =	sadd.s32 s1, s30  }
0xbb: {  	s0 =	sor.u32 s3, s0;
	s1 =	sshll.u32 s1, $0x11  }
0xbc: {  	s0 =	sor.u32 s1, s0  }
0xbd: {  	s0 =	sadd.s32 $0x8F2B, s0  }
0xbe: {  	[sflag:s0] =	ssyncadd.remote.s32 $0x1  }
0xbf: {  	_ =	sfence.sel $0xFFFF  }
0xc0: {  	[dreg:$0x0] =	wrdreg $0xFFFFFFFF;
	(pc) =	sbr.abs _section_cstart, $3  }
0xc1: {  	[dreg:$0x1] =	wrdreg $0xFFFFFFFF  }
0xc2: {  	_ =	task.clear_ibuf [dreg:s7], $0x2FFFF;
	_ =	strace $0x9FFFFFFF  }
0xc3: {  	(tm) =	ssettm $0x7FFFFFFF  }
tec
execute0_lowered:
.L_overlay_start_1:
0x0: {  	(tag) =	ssettag $0x1  }
0x1: {  	s5 =	rddreg [dreg:$0x0]  }
0x2: {  	s7 =	rddreg [dreg:$0x1]  }
0x3: {  	s1 =	rddreg [dreg:$0x2];
	s3 =	srdreg.scid  }
0x4: {  	s0 =	rddreg [dreg:$0x3];
	s2 =	simm.s32 $0x0;
	s6 =	sand.u32 $0x1, s3  }
0x5: {  	s14 =	simm.s32 $0x100;
	s3 =	stileid.u32;
	s8 =	smul.u32 $0x4F00, s6  }
0x6: {  	s15 =	simm.s32 $0x1;
	s16 =	simm.s32 $0x0;
	s9 =	smul.u32 $0x14000, s3  }
0x7: {  	[smem:$0x7FF] =	sst s2;
	s4 =	sadd.s32 $0xE3800, s5;
	s11 =	smul.u32 $0x50000, s3  }
0x8: {  	_ =	strace $0x80000053;
	s10 =	ssub.s32 $0x2, s6;
	s6 =	smul.u32 $0x140000, s6  }
0x9: {  	s28 =	smul.u32 $0x4F0, s3;
	s29 =	sshll.u32 s3, $0x6;
	s13 =	sshrl.u32 s10, $0x1  }
0xa: {  	s8 =	sadd.s32 s8, s5;
	s12 =	sshrl.u32 s9, $0x3;
	s10 =	ssub.s32 s10, s13  }
0xb: {  	s11 =	sshrl.u32 s11, $0x2;
	s6 =	sadd.s32 s9, s6;
	s13 =	simm.s32 $0x80  }
0xc: {  	s5 =	sadd.s32 s12, s5;
	s11 =	sadd.s32 s11, s1;
	s30 =	sshrl.u32 s6, $0x3  }
0xd: {  	s6 =	sor.u32 $0x1C02, s29;
	s31 =	sadd.s32 s28, s8;
	s8 =	smax.u32 s10, $0x1  }
0xe: {  	s12 =	simm.s32 $0x2;
	s5 =	sadd.s32 $0x94600, s5;
	s7 =	sadd.s32 s7, s30  }
0xf: {  	s9 =	sadd.s32 $0x9800, s31;
	s10 =	sadd.s32 $0x13600, s31;
	s11 =	sshrl.u32 s11, $0x3  }
.LBB2_1:
0x10: {  	[spmem:s11], [sflag:s6] =	dma.local [hbm:s5], $0x2800  }
0x11: {  	_ =	swait.ge [sflag:s12], $0x2800  }
0x12: {  	[sflag:s12] =	ssyncset.done $0x0  }
0x13: {  	[sflag:s12] =	ssyncadd.s32 $0xFFFFD800  }
0x14: {  	s17 =	sadd.s32 $0x0, s10;
	[bflag:$0x0] =	sbarrier.arrive $0xFFFF  }
0x15: {  	[tilespmem:s2], [sflag:$0x2] =	stream.linear.gather [hbm4b:s17+s2], $0x80, $0x38;
	[tilespmem:$0x18100] =	vst v63  }
0x16: {  	_ =	swait.ge [sflag:s12], $0x80  }
0x17: {  	[sflag:s12] =	ssyncset.done $0x0  }
0x18: {  	s31 =	sadd.s32 $0x0, s9;
	[sflag:s12] =	ssyncadd.s32 $0xFFFFFF80  }
0x19: {  	[tilespmem:s13], [sflag:$0x2] =	stream.linear.gather [hbm4b:s31+s2], $0x80, $0x38;
	[tilespmem:$0x18100] =	vst v63  }
0x1a: {  	_ =	swait.ge [sflag:s12], $0x80  }
0x1b: {  	[sflag:s12] =	ssyncset.done $0x0  }
0x1c: {  	[sflag:s12] =	ssyncadd.s32 $0xFFFFFF80  }
0x1d: {  	[tilespmem:s14], [sflag:$0x1] =	stream.indirect.gather [hbm4b:s4+s13], $0x80, s2, s13, $0xb8;
	[tilespmem:$0x18100] =	vst v63  }
0x1e: {  	_ =	swait.ge [sflag:s15], $0x4000  }
0x1f: {  	[sflag:s15] =	ssyncset.done $0x0  }
0x20: {  	[sflag:s15] =	ssyncadd.s32 $0xFFFFC000  }
0x21: {  	[spmem:s1] =	stream.indirect.scatter.add.f32 [tilespmem:s14], [sflag:$0x2], $0x80, s13, s13, $0xb8;
	[tilespmem:$0x18100] =	vst v63  }
0x22: {  	_ =	swait.ge [sflag:s12], $0x4000  }
0x23: {  	s18 =	simm.s32 $0x20;
	s17 =	simm.s32 $0x10;
	[sflag:s12] =	ssyncset.done $0x0  }
.LBB2_2:
0x24: {  	s19 =	sadd.s32 s17, s10  }
0x25: {  	[sflag:s12] =	ssyncadd.s32 $0xFFFFC000;
	s20 =	smov.u32 s18;
	s21 =	sadd.s32 $0x10, s18  }
0x26: {  	[tilespmem:s2], [sflag:$0x2] =	stream.linear.gather [hbm4b:s19+s2], $0x80, $0x38;
	[tilespmem:$0x18100] =	vst v63  }
0x27: {  	p0 =	sne.s32 s18, $0x4E0;
	_ =	swait.ge [sflag:s12], $0x80  }
0x28: {  	[sflag:s12] =	ssyncset.done $0x0  }
0x29: {  	s18 =	sadd.s32 s17, s9;
	s17 =	smov.u32 s20;
	[sflag:s12] =	ssyncadd.s32 $0xFFFFFF80  }
0x2a: {  	[tilespmem:s13], [sflag:$0x2] =	stream.linear.gather [hbm4b:s18+s2], $0x80, $0x38;
	[tilespmem:$0x18100] =	vst v63  }
0x2b: {  	_ =	swait.ge [sflag:s12], $0x80  }
0x2c: {  	[sflag:s12] =	ssyncset.done $0x0  }
0x2d: {  	[sflag:s12] =	ssyncadd.s32 $0xFFFFFF80  }
0x2e: {  	[tilespmem:s14], [sflag:$0x1] =	stream.indirect.gather [hbm4b:s4+s13], $0x80, s2, s13, $0xb8;
	[tilespmem:$0x18100] =	vst v63  }
0x2f: {  	_ =	swait.ge [sflag:s15], $0x4000  }
.Ltmp0:
0x30: {  	[sflag:s15] =	ssyncset.done $0x0;
	(pc) =	sbr.rel @p0 .LBB2_2-.Ltmp0, $4  }
0x31: {  	[sflag:s15] =	ssyncadd.s32 $0xFFFFC000  }
0x32: {  	[spmem:s1] =	stream.indirect.scatter.add.f32 [tilespmem:s14], [sflag:$0x2], $0x80, s13, s13, $0xb8;
	[tilespmem:$0x18100] =	vst v63  }
0x33: {  	_ =	swait.ge [sflag:s12], $0x4000  }
0x34: {  	s18 =	smov.u32 s21;
	[sflag:s12] =	ssyncset.done $0x0  }
0x35: {  	s18 =	sadd.s32 s17, s10;
	[sflag:s12] =	ssyncadd.s32 $0xFFFFC000  }
0x36: {  	[tilespmem:s2], [sflag:$0x2] =	stream.linear.gather [hbm4b:s18+s2], $0x80, $0x38;
	[tilespmem:$0x18100] =	vst v63  }
0x37: {  	_ =	swait.ge [sflag:s12], $0x80  }
0x38: {  	[sflag:s12] =	ssyncset.done $0x0  }
0x39: {  	s31 =	sadd.s32 s17, s9;
	[sflag:s12] =	ssyncadd.s32 $0xFFFFFF80  }
0x3a: {  	[tilespmem:s13], [sflag:$0x2] =	stream.linear.gather [hbm4b:s31+s2], $0x80, $0x38;
	[tilespmem:$0x18100] =	vst v63  }
0x3b: {  	_ =	swait.ge [sflag:s12], $0x80  }
0x3c: {  	[sflag:s12] =	ssyncset.done $0x0  }
0x3d: {  	[sflag:s12] =	ssyncadd.s32 $0xFFFFFF80  }
0x3e: {  	[tilespmem:s14], [sflag:$0x1] =	stream.indirect.gather [hbm4b:s4+s13], $0x80, s2, s13, $0xb8;
	[tilespmem:$0x18100] =	vst v63  }
0x3f: {  	_ =	swait.ge [sflag:s15], $0x4000  }
0x40: {  	[sflag:s15] =	ssyncset.done $0x0  }
0x41: {  	[sflag:s15] =	ssyncadd.s32 $0xFFFFC000  }
0x42: {  	[spmem:s1] =	stream.indirect.scatter.add.f32 [tilespmem:s14], [sflag:$0x2], $0x80, s13, s13, $0xb8;
	[tilespmem:$0x18100] =	vst v63  }
0x43: {  	_ =	swait.ge [sflag:s12], $0x4000  }
0x44: {  	s16 =	sadd.s32 $0x1, s16;
	[sflag:s12] =	ssyncset.done $0x0  }
0x45: {  	p0 =	sne.s32 s16, s8;
	[sflag:s12] =	ssyncadd.s32 $0xFFFFC000  }
.Ltmp1:
0x46: {  	[bflag:$0x0] =	sbarrier.arrive $0xFFFF;
	(pc) =	sbr.rel @p0 .LBB2_1-.Ltmp1, $4  }
0x47: {  	[hbm:s7], [sflag:s6] =	dma.local [spmem:s11], $0x2800  }
0x48: {  	_ =	swait.ge [sflag:s12], $0x2800  }
0x49: {  	[sflag:s12] =	ssyncset.done $0x0  }
0x4a: {  	[sflag:s12] =	ssyncadd.s32 $0xFFFFD800  }
0x4b: {  	_ =	sfence.sel $0x180000  }
0x4c: {  	[bflag:$0x0] =	sbarrier.arrive $0xFFFF  }
0x4d: {  	p0 =	sne.s32 s3, $0x0;
	_ =	strace $0x90000053  }
0x4e: {  	s0 =	sadd.s32 @!p0 $0x100000, s0;
	[bflag:$0x2] =	sbarrier.arrive $0xFFFF  }
0x4f: {  	[sflag:s0] =	ssyncadd.tile.s32 @!p0 $0x1;
	_ =	shalt  }
.Lfunc_end2:
_tile_overlayer_lowered:
.L_overlay_start_2:
0x50: {  	(tag) =	ssettag $0x2  }
0x51: {  	s0 =	rddreg [dreg:$0x0];
	s2 =	stileid.u32  }
0x52: {  	s1 =	rddreg [dreg:$0x1];
	p0 =	sne.s32 s2, $0x0  }
0x53: {  	s3 =	rddreg [dreg:$0x2];
	[bflag:$0x3] =	sbarrier.arrive $0xFFFF;
	s2 =	simm.s32 @!p0 $0x1C02  }
0x54: {  	[timem:s3], [sflag:s2] =	dma.local @!p0 [hbm:s0], s1  }
0x55: {  	s0 =	simm.s32 @!p0 $0x2  }
0x56: {  	_ =	swait.ge @!p0 [sflag:s0], s1  }
0x57: {  	s1 =	ssub.s32 @!p0 $0x0, s1;
	[sflag:s0] =	ssyncset.done @!p0 $0x0  }
0x58: {  	[sflag:s0] =	ssyncadd.s32 @!p0 s1  }
0x59: {  	[bflag:$0x3] =	sbarrier.arrive $0xFFFF  }
0x5a: {  	_ =	shalt  }

// kernel: kernel.33.cloned.1.call-start
scs
__scs_entry_jumppad:
0x0: {  	(pc) =	sbr.rel $0x88, $3  }
0x1: {  	(tag) =	ssettag $0x0;
	lr =	simm.s32 $0x1  }
0x2: {  	[smem:$0x3F95] =	sst lr;
	_ =	strace $0xD0000000  }
0x3: {  	_ = 	snop  }
0x4: {  	_ = 	snop  }
0x5: {  	_ = 	snop  }
0x6: {  	_ = 	snop  }
0x7: {  	_ = 	snop  }
__scs_overlays_trampoline_lowered:
0x8: {  	[smem:$0x3FA4] =	sst s0  }
0x9: {  	[smem:$0x3FA5] =	sst s1  }
0xa: {  	[smem:$0x3FA6] =	sst s2  }
0xb: {  	[smem:$0x3FA7] =	sst s3  }
0xc: {  	[smem:$0x3FA8] =	sst s4  }
0xd: {  	[smem:$0x3FA9] =	sst s5  }
0xe: {  	[smem:$0x3FAA] =	sst s6  }
0xf: {  	[smem:$0x3FAB] =	sst s7  }
0x10: {  	[smem:$0x3FAC] =	sst s8  }
0x11: {  	[smem:$0x3FAD] =	sst s9;
	s0 =	simm.s32 @!p0 $0x0  }
0x12: {  	s1 =	sld [smem:$0x3F93];
	s0 =	simm.s32 @p0 $0x1  }
0x13: {  	[smem:$0x3FAE] =	sst s0;
	s0 =	simm.s32 @!p1 $0x0  }
0x14: {  	s2 =	sld [smem:$0x3F92];
	s0 =	simm.s32 @p1 $0x1  }
0x15: {  	[smem:$0x3FAF] =	sst s0;
	s0 =	simm.s32 @!p2 $0x0  }
0x16: {  	s3 =	sld [smem:$0x3FDB];
	s0 =	simm.s32 @p2 $0x1  }
0x17: {  	s4 =	simm.s32 $0x1BF5;
	[smem:$0x3FB1] =	sst s0  }
0x18: {  	s0 =	sld [smem:$0x3F94];
	_ =	swait.ge [sflag:s4], $0x0  }
0x19: {  	s7 =	sld [smem:$0x3F95]  }
0x1a: {  	s8 =	sadd.s32 $0xFFFFE003, lr  }
0x1b: {  	s9 =	sadd.s32 $0xFFFFFEF7, lr;
	s5 =	simm.s32 $0xFFFFFFFF;
	p2 =	slt.u32 s8, $0xFFFFF086  }
0x1c: {  	p1 =	slt.u32 s9, $0xF7A;
	s5 =	simm.s32 @!p2 $0x0  }
0x1d: {  	s5 =	simm.s32 @p1 $0x1;
	p0 =	seq.s32 s7, s2  }
0x1e: {  	s7 =	smul.u32 @!p0 $0xF7A, s2;
	p2 =	seq.s32 @!p0 s5, $0x0  }
0x1f: {  	s9 =	smul.u32 $0xF7A, s1;
	s8 =	simm.s32 @!p0 $0x1BF5;
	p2 =	por !p2, p0  }
0x20: {  	[sflag:s8] =	ssyncset.s32 @!p0 $0xFFFFF086;
	s6 =	sadd.s32 @!p0 s3, s7;
	s7 =	simm.s32 @!p0 $0x108  }
0x21: {  	s3 =	sadd.s32 s3, s9;
	s6 =	sadd.s32 @!p0 $0x88, s6;
	s7 =	simm.s32 @p2 $0x1082  }
0x22: {  	[simem:s7], [sflag:s8] =	dma.local @!p0 [hbm:s6], $0xF7A  }
0x23: {  	s9 =	sor.u32 $0xD0000000, s2;
	s6 =	simm.s32 $0x108;
	_ =	swait.ge @!p0 [sflag:s8], $0x0  }
0x24: {  	s3 =	sadd.s32 $0x88, s3;
	s6 =	simm.s32 @!p1 $0x1082;
	[sflag:s4] =	ssyncset.s32 $0xFFFFF086  }
0x25: {  	[simem:s6], [sflag:s4] =	dma.local [hbm:s3], $0xF7A  }
0x26: {  	[smem:$0x3F95] =	sst s1;
	(tag) =	ssettag s2;
	_ =	strace s9  }
0x27: {  	s1 =	sld [smem:$0x3FA5]  }
0x28: {  	s2 =	sld [smem:$0x3FA6]  }
0x29: {  	s4 =	sld [smem:$0x3FA8]  }
0x2a: {  	p0 =	seq.s32 s5, $0x0;
	s5 =	sld [smem:$0x3FA9]  }
0x2b: {  	s6 =	sld [smem:$0x3FAA]  }
0x2c: {  	s7 =	sld [smem:$0x3FAB]  }
0x2d: {  	s3 =	simm.s32 $0x108;
	s8 =	sld [smem:$0x3FAC]  }
0x2e: {  	s3 =	simm.s32 @!p0 $0x1082;
	s9 =	sld [smem:$0x3FAD]  }
0x2f: {  	lr =	sadd.s32 s0, s3;
	s0 =	sld [smem:$0x3FA4]  }
0x30: {  	s3 =	sld [smem:$0x3FA7]  }
0x31: {  	[smem:$0x3FB0] =	sst s10  }
0x32: {  	s10 =	sld [smem:$0x3FAE];
	_ =	sdelay $0x3  }
0x33: {  	p0 =	seq.s32 s10, $0x1;
	s10 =	sld [smem:$0x3FB0];
	_ =	sdelay $0x3  }
0x34: {  	[smem:$0x3FB0] =	sst s10  }
0x35: {  	s10 =	sld [smem:$0x3FAF];
	_ =	sdelay $0x3  }
0x36: {  	p1 =	seq.s32 s10, $0x1;
	s10 =	sld [smem:$0x3FB0];
	_ =	sdelay $0x3  }
0x37: {  	[smem:$0x3FB0] =	sst s10  }
0x38: {  	s10 =	sld [smem:$0x3FB1]  }
0x39: {  	_ = 	snop;
	(pc) =	sbr.ind lr, $3  }
0x3a: {  	_ = 	snop  }
0x3b: {  	_ = 	snop  }
0x3c: {  	p2 =	seq.s32 s10, $0x1;
	s10 =	sld [smem:$0x3FB0]  }
0x3d: {  	_ =	shalt  }
0x3e: {  	_ =	shalt  }
0x3f: {  	_ =	shalt  }
0x40: {  	_ =	shalt  }
0x41: {  	_ =	shalt  }
0x42: {  	_ =	shalt  }
0x43: {  	_ =	shalt  }
0x44: {  	_ =	shalt  }
0x45: {  	_ =	shalt  }
0x46: {  	_ =	shalt  }
0x47: {  	_ =	shalt  }
0x48: {  	_ =	shalt  }
0x49: {  	_ =	shalt  }
0x4a: {  	_ =	shalt  }
0x4b: {  	_ =	shalt  }
0x4c: {  	_ =	shalt  }
0x4d: {  	_ =	shalt  }
0x4e: {  	_ =	shalt  }
0x4f: {  	_ =	shalt  }
0x50: {  	_ =	shalt  }
0x51: {  	_ =	shalt  }
0x52: {  	_ =	shalt  }
0x53: {  	_ =	shalt  }
0x54: {  	_ =	shalt  }
0x55: {  	_ =	shalt  }
0x56: {  	_ =	shalt  }
0x57: {  	_ =	shalt  }
0x58: {  	_ =	shalt  }
0x59: {  	_ =	shalt  }
0x5a: {  	_ =	shalt  }
0x5b: {  	_ =	shalt  }
0x5c: {  	_ =	shalt  }
0x5d: {  	_ =	shalt  }
0x5e: {  	_ =	shalt  }
0x5f: {  	_ =	shalt  }
0x60: {  	_ =	shalt  }
0x61: {  	_ =	shalt  }
0x62: {  	_ =	shalt  }
0x63: {  	_ =	shalt  }
0x64: {  	_ =	shalt  }
0x65: {  	_ =	shalt  }
0x66: {  	_ =	shalt  }
0x67: {  	_ =	shalt  }
0x68: {  	_ =	shalt  }
0x69: {  	_ =	shalt  }
0x6a: {  	_ =	shalt  }
0x6b: {  	_ =	shalt  }
0x6c: {  	_ =	shalt  }
0x6d: {  	_ =	shalt  }
0x6e: {  	_ =	shalt  }
0x6f: {  	_ =	shalt  }
0x70: {  	_ =	shalt  }
0x71: {  	_ =	shalt  }
0x72: {  	_ =	shalt  }
0x73: {  	_ =	shalt  }
0x74: {  	_ =	shalt  }
0x75: {  	_ =	shalt  }
0x76: {  	_ =	shalt  }
0x77: {  	_ =	shalt  }
0x78: {  	_ =	shalt  }
0x79: {  	_ =	shalt  }
0x7a: {  	_ =	shalt  }
0x7b: {  	_ =	shalt  }
0x7c: {  	_ =	shalt  }
0x7d: {  	_ =	shalt  }
0x7e: {  	_ =	shalt  }
0x7f: {  	_ =	shalt  }
0x80: {  	_ =	shalt  }
0x81: {  	_ =	shalt  }
0x82: {  	_ =	shalt  }
0x83: {  	_ =	shalt  }
0x84: {  	_ =	shalt  }
0x85: {  	_ =	shalt  }
0x86: {  	_ =	shalt  }
0x87: {  	_ =	shalt  }
.Lfunc_end0:
.L_simem_size_0:
called_computation.5_lowered:
.L_overlay_start_0:
0x88: {  	s2 =	sld [smem:$0x3FD9]  }
0x89: {  	s3 =	sld [smem:$0x3FFE];
	_ =	sdelay $0x1  }
0x8a: {  	s1 =	srdreg.scid  }
0x8b: {  	s0 =	sand.u32 $0x1, s1  }
0x8c: {  	s16 =	sshll.u32 s0, $0xA;
	s2 =	sadd.s32 s3, s2  }
0x8d: {  	s2 =	sadd.s32 s2, s16  }
0x8e: {  	[smem:$0x3FBC] =	sst s2  }
0x8f: {  	_ = 	snop  }
0x90: {  	(tm) =	ssettm $0x1  }
0x91: {  	s17 =	sld [smem:$0x3FFB];
	_ =	sdelay $0x3  }
0x92: {  	_ =	strace s17  }
0x93: {  	s2 =	sld [smem:$0x3FFC];
	_ =	sdelay $0x3  }
0x94: {  	_ =	strace s2  }
0x95: {  	s2 =	sld [smem:$0x3FFD];
	_ =	sdelay $0x3  }
0x96: {  	_ =	strace s2  }
0x97: {  	_ =	strace $0x8FFFFFFF  }
0x98: {  	s18 =	sld [smem:$0x3FDB];
	_ =	sdelay $0x1  }
0x99: {  	s19 =	simm.s32 $_scs_section_size  }
0x9a: {  	s4 =	simm.s32 $_size__tile_overlayer_lowered;
	s5 =	simm.s32 $_tile_overlayer_lowered  }
0x9b: {  	s22 =	simm.s32 $0x1BFF;
	s21 =	sshll.u32 s5, $0x1;
	s2 =	sadd.s32 s19, s18  }
0x9c: {  	s6 =	simm.s32 $0x0;
	s20 =	sshll.u32 s4, $0x1;
	s4 =	sadd.s32 s21, s2  }
0x9d: {  	[timem:s6], [sflag:s22] =	dma.local [hbm:s4], s20  }
0x9e: {  	_ =	swait.ge [sflag:s22], s20  }
0x9f: {  	s3 =	ssub.s32 $0x0, s20;
	[sflag:s22] =	ssyncset.done $0x0  }
0xa0: {  	[sflag:s22] =	ssyncadd.s32 s3;
	_ =	sdelay $0x1  }
0xa1: {  	s23 =	simm.s32 $0x1B8B  }
0xa2: {  	_ =	swait.ge [sflag:s23], $0x1  }
0xa3: {  	[sflag:s23] =	ssyncset.done $0x0  }
0xa4: {  	s25 =	simm.s32 $0x1B8E;
	s24 =	sld [smem:$0x3FFE];
	[sflag:s23] =	ssyncadd.s32 $0xFFFFFFFF  }
0xa5: {  	s26 =	simm.s32 $execute0_lowered;
	[smem:$0x3FD2] =	sst s25  }
0xa6: {  	s4 =	sshll.u32 s26, $0x1;
	_ =	strace $0x80000055;
	[dreg:$0x1] =	wrdreg $0xFFFFFFFF  }
0xa7: {  	s28 =	simm.s32 $_size_execute0_lowered;
	s2 =	sadd.s32 s2, s4;
	[dreg:$0x0] =	wrdreg $0x0  }
0xa8: {  	s4 =	sshll.u32 s28, $0x1;
	[dreg:$0x2] =	wrdreg s2  }
0xa9: {  	[dreg:$0x3] =	wrdreg s4  }
0xaa: {  	[dreg:$0x4] =	wrdreg $0xC0  }
0xab: {  	_ =	task [dreg:s6], $0x5FFFF  }
0xac: {  	[dreg:$0x1] =	wrdreg $0xFFFFFFFF  }
0xad: {  	[dreg:$0x0] =	wrdreg $0x60  }
0xae: {  	[dreg:$0x2] =	wrdreg s24  }
0xaf: {  	[dreg:$0x3] =	wrdreg $0x41000  }
0xb0: {  	[dreg:$0x4] =	wrdreg $0x9  }
0xb1: {  	_ =	task.clear_ibuf [dreg:s6], $0x5FFFF;
	_ =	strace $0x90000055  }
0xb2: {  	s29 =	simm.s32 $0x9;
	_ =	strace $0x80000057  }
0xb3: {  	_ =	swait.ge [sflag:s29], $0x1  }
0xb4: {  	[sflag:s29] =	ssyncadd.s32 $0xFFFFFFFF  }
0xb5: {  	_ =	strace $0x90000057  }
0xb6: {  	_ =	sfence  }
0xb7: {  	s30 =	sld [smem:$0x0];
	_ =	sdelay $0x2  }
0xb8: {  	s31 =	sshll.u32 s1, $0xD;
	s1 =	sshrl.u32 s1, $0x2  }
0xb9: {  	s3 =	sand.u32 $0x4000, s31;
	s1 =	sadd.s32 s1, s30  }
0xba: {  	s0 =	sor.u32 s3, s0;
	s1 =	sshll.u32 s1, $0x11  }
0xbb: {  	s0 =	sor.u32 s1, s0  }
0xbc: {  	s0 =	sadd.s32 $0x8F2B, s0  }
0xbd: {  	[sflag:s0] =	ssyncadd.remote.s32 $0x1  }
0xbe: {  	_ =	sfence.sel $0xFFFF  }
0xbf: {  	[dreg:$0x0] =	wrdreg $0xFFFFFFFF;
	(pc) =	sbr.abs _section_cstart, $3  }
0xc0: {  	[dreg:$0x1] =	wrdreg $0xFFFFFFFF  }
0xc1: {  	_ =	task.clear_ibuf [dreg:s6], $0x2FFFF;
	_ =	strace $0x9FFFFFFF  }
0xc2: {  	(tm) =	ssettm $0x7FFFFFFF  }
0xc3: {  	_ =	shalt  }
tec
execute0_lowered:
.L_overlay_start_1:
0x0: {  	(tag) =	ssettag $0x1  }
0x1: {  	s5 =	rddreg [dreg:$0x0];
	s0 =	srdreg.scid  }
0x2: {  	s2 =	rddreg [dreg:$0x1];
	s1 =	stileid.u32  }
0x3: {  	s3 =	simm.s32 $0x0;
	s13 =	simm.s32 $0x80;
	s8 =	smul.u32 $0x14000, s1  }
0x4: {  	s14 =	simm.s32 $0x100;
	s15 =	simm.s32 $0x1;
	s26 =	smul.u32 $0x50000, s1  }
0x5: {  	s6 =	sand.u32 $0x1, s0;
	s0 =	rddreg [dreg:$0x2];
	s30 =	smul.u32 $0x4F0, s1  }
0x6: {  	s16 =	simm.s32 $0x0;
	[smem:$0x7FF] =	sst s3;
	s7 =	smul.u32 $0x4F00, s6  }
0x7: {  	s4 =	sadd.s32 $0x6D400, s5;
	s31 =	sshll.u32 s1, $0x6;
	s9 =	smul.u32 $0x140000, s6  }
0x8: {  	_ =	strace $0x80000056;
	s6 =	ssub.s32 $0x2, s6;
	s25 =	sshrl.u32 s8, $0x3  }
0x9: {  	s28 =	sshrl.u32 s6, $0x1;
	s29 =	sshrl.u32 s26, $0x2;
	s10 =	sadd.s32 s7, s5  }
0xa: {  	s8 =	sadd.s32 s8, s9;
	s7 =	sadd.s32 s25, s5;
	s11 =	ssub.s32 s6, s28  }
0xb: {  	s12 =	sadd.s32 s29, s2;
	s6 =	sor.u32 $0x1C02, s31;
	s8 =	sshrl.u32 s8, $0x3  }
0xc: {  	s10 =	sadd.s32 s30, s10;
	s8 =	sadd.s32 s8, s5;
	s5 =	sadd.s32 $0x94600, s7  }
0xd: {  	s9 =	sadd.s32 $0x9800, s10;
	s10 =	sadd.s32 $0x13600, s10;
	s7 =	sadd.s32 $0x10AA00, s8  }
0xe: {  	s8 =	smax.u32 s11, $0x1;
	s11 =	sshrl.u32 s12, $0x3;
	s12 =	simm.s32 $0x2  }
.LBB2_1:
0xf: {  	[spmem:s11], [sflag:s6] =	dma.local [hbm:s5], $0x2800  }
0x10: {  	_ =	swait.ge [sflag:s12], $0x2800  }
0x11: {  	[sflag:s12] =	ssyncset.done $0x0  }
0x12: {  	[sflag:s12] =	ssyncadd.s32 $0xFFFFD800  }
0x13: {  	s17 =	sadd.s32 $0x0, s10;
	[bflag:$0x0] =	sbarrier.arrive $0xFFFF  }
0x14: {  	[tilespmem:s3], [sflag:$0x2] =	stream.linear.gather [hbm4b:s17+s3], $0x80, $0x38;
	[tilespmem:$0x18100] =	vst v63  }
0x15: {  	_ =	swait.ge [sflag:s12], $0x80  }
0x16: {  	[sflag:s12] =	ssyncset.done $0x0  }
0x17: {  	s31 =	sadd.s32 $0x0, s9;
	[sflag:s12] =	ssyncadd.s32 $0xFFFFFF80  }
0x18: {  	[tilespmem:s13], [sflag:$0x2] =	stream.linear.gather [hbm4b:s31+s3], $0x80, $0x38;
	[tilespmem:$0x18100] =	vst v63  }
0x19: {  	_ =	swait.ge [sflag:s12], $0x80  }
0x1a: {  	[sflag:s12] =	ssyncset.done $0x0  }
0x1b: {  	[sflag:s12] =	ssyncadd.s32 $0xFFFFFF80  }
0x1c: {  	[tilespmem:s14], [sflag:$0x1] =	stream.indirect.gather [hbm4b:s4+s13], $0x80, s3, s13, $0xb8;
	[tilespmem:$0x18100] =	vst v63  }
0x1d: {  	_ =	swait.ge [sflag:s15], $0x4000  }
0x1e: {  	[sflag:s15] =	ssyncset.done $0x0  }
0x1f: {  	[sflag:s15] =	ssyncadd.s32 $0xFFFFC000  }
0x20: {  	[spmem:s2] =	stream.indirect.scatter.add.f32 [tilespmem:s14], [sflag:$0x2], $0x80, s13, s13, $0xb8;
	[tilespmem:$0x18100] =	vst v63  }
0x21: {  	_ =	swait.ge [sflag:s12], $0x4000  }
0x22: {  	s18 =	simm.s32 $0x20;
	s17 =	simm.s32 $0x10;
	[sflag:s12] =	ssyncset.done $0x0  }
.LBB2_2:
0x23: {  	s19 =	sadd.s32 s17, s10  }
0x24: {  	[sflag:s12] =	ssyncadd.s32 $0xFFFFC000;
	s20 =	smov.u32 s18;
	s21 =	sadd.s32 $0x10, s18  }
0x25: {  	[tilespmem:s3], [sflag:$0x2] =	stream.linear.gather [hbm4b:s19+s3], $0x80, $0x38;
	[tilespmem:$0x18100] =	vst v63  }
0x26: {  	p0 =	sne.s32 s18, $0x4E0;
	_ =	swait.ge [sflag:s12], $0x80  }
0x27: {  	[sflag:s12] =	ssyncset.done $0x0  }
0x28: {  	s18 =	sadd.s32 s17, s9;
	s17 =	smov.u32 s20;
	[sflag:s12] =	ssyncadd.s32 $0xFFFFFF80  }
0x29: {  	[tilespmem:s13], [sflag:$0x2] =	stream.linear.gather [hbm4b:s18+s3], $0x80, $0x38;
	[tilespmem:$0x18100] =	vst v63  }
0x2a: {  	_ =	swait.ge [sflag:s12], $0x80  }
0x2b: {  	[sflag:s12] =	ssyncset.done $0x0  }
0x2c: {  	[sflag:s12] =	ssyncadd.s32 $0xFFFFFF80  }
0x2d: {  	[tilespmem:s14], [sflag:$0x1] =	stream.indirect.gather [hbm4b:s4+s13], $0x80, s3, s13, $0xb8;
	[tilespmem:$0x18100] =	vst v63  }
0x2e: {  	_ =	swait.ge [sflag:s15], $0x4000  }
.Ltmp0:
0x2f: {  	[sflag:s15] =	ssyncset.done $0x0;
	(pc) =	sbr.rel @p0 .LBB2_2-.Ltmp0, $4  }
0x30: {  	[sflag:s15] =	ssyncadd.s32 $0xFFFFC000  }
0x31: {  	[spmem:s2] =	stream.indirect.scatter.add.f32 [tilespmem:s14], [sflag:$0x2], $0x80, s13, s13, $0xb8;
	[tilespmem:$0x18100] =	vst v63  }
0x32: {  	_ =	swait.ge [sflag:s12], $0x4000  }
0x33: {  	s18 =	smov.u32 s21;
	[sflag:s12] =	ssyncset.done $0x0  }
0x34: {  	s18 =	sadd.s32 s17, s10;
	[sflag:s12] =	ssyncadd.s32 $0xFFFFC000  }
0x35: {  	[tilespmem:s3], [sflag:$0x2] =	stream.linear.gather [hbm4b:s18+s3], $0x80, $0x38;
	[tilespmem:$0x18100] =	vst v63  }
0x36: {  	_ =	swait.ge [sflag:s12], $0x80  }
0x37: {  	[sflag:s12] =	ssyncset.done $0x0  }
0x38: {  	s31 =	sadd.s32 s17, s9;
	[sflag:s12] =	ssyncadd.s32 $0xFFFFFF80  }
0x39: {  	[tilespmem:s13], [sflag:$0x2] =	stream.linear.gather [hbm4b:s31+s3], $0x80, $0x38;
	[tilespmem:$0x18100] =	vst v63  }
0x3a: {  	_ =	swait.ge [sflag:s12], $0x80  }
0x3b: {  	[sflag:s12] =	ssyncset.done $0x0  }
0x3c: {  	[sflag:s12] =	ssyncadd.s32 $0xFFFFFF80  }
0x3d: {  	[tilespmem:s14], [sflag:$0x1] =	stream.indirect.gather [hbm4b:s4+s13], $0x80, s3, s13, $0xb8;
	[tilespmem:$0x18100] =	vst v63  }
0x3e: {  	_ =	swait.ge [sflag:s15], $0x4000  }
0x3f: {  	[sflag:s15] =	ssyncset.done $0x0  }
0x40: {  	[sflag:s15] =	ssyncadd.s32 $0xFFFFC000  }
0x41: {  	[spmem:s2] =	stream.indirect.scatter.add.f32 [tilespmem:s14], [sflag:$0x2], $0x80, s13, s13, $0xb8;
	[tilespmem:$0x18100] =	vst v63  }
0x42: {  	_ =	swait.ge [sflag:s12], $0x4000  }
0x43: {  	s16 =	sadd.s32 $0x1, s16;
	[sflag:s12] =	ssyncset.done $0x0  }
0x44: {  	p0 =	sne.s32 s16, s8;
	[sflag:s12] =	ssyncadd.s32 $0xFFFFC000  }
.Ltmp1:
0x45: {  	[bflag:$0x0] =	sbarrier.arrive $0xFFFF;
	(pc) =	sbr.rel @p0 .LBB2_1-.Ltmp1, $4  }
0x46: {  	[hbm:s7], [sflag:s6] =	dma.local [spmem:s11], $0x2800  }
0x47: {  	_ =	swait.ge [sflag:s12], $0x2800  }
0x48: {  	[sflag:s12] =	ssyncset.done $0x0  }
0x49: {  	[sflag:s12] =	ssyncadd.s32 $0xFFFFD800  }
0x4a: {  	_ =	sfence.sel $0x180000  }
0x4b: {  	[bflag:$0x0] =	sbarrier.arrive $0xFFFF  }
0x4c: {  	p0 =	sne.s32 s1, $0x0;
	_ =	strace $0x90000056  }
0x4d: {  	s0 =	sadd.s32 @!p0 $0x100000, s0;
	[bflag:$0x2] =	sbarrier.arrive $0xFFFF  }
0x4e: {  	[sflag:s0] =	ssyncadd.tile.s32 @!p0 $0x1;
	_ =	shalt  }
.Lfunc_end2:
_tile_overlayer_lowered:
.L_overlay_start_2:
0x4f: {  	(tag) =	ssettag $0x2  }
0x50: {  	s0 =	rddreg [dreg:$0x0];
	s2 =	stileid.u32  }
0x51: {  	s1 =	rddreg [dreg:$0x1];
	p0 =	sne.s32 s2, $0x0  }
0x52: {  	s3 =	rddreg [dreg:$0x2];
	[bflag:$0x3] =	sbarrier.arrive $0xFFFF;
	s2 =	simm.s32 @!p0 $0x1C02  }
0x53: {  	[timem:s3], [sflag:s2] =	dma.local @!p0 [hbm:s0], s1  }
0x54: {  	s0 =	simm.s32 @!p0 $0x2  }
0x55: {  	_ =	swait.ge @!p0 [sflag:s0], s1  }
0x56: {  	s1 =	ssub.s32 @!p0 $0x0, s1;
	[sflag:s0] =	ssyncset.done @!p0 $0x0  }
0x57: {  	[sflag:s0] =	ssyncadd.s32 @!p0 s1  }
0x58: {  	[bflag:$0x3] =	sbarrier.arrive $0xFFFF  }
0x59: {  	_ =	shalt  }

</sc_bundles>
